<compile_context>
chip_gen: v7x
topology: tpu7x:2x2x1
jax: 0.10.2.dev20260603
libtpu: 0.0.44.dev20260713+nightly
codegen_flags: <defaults>
</compile_context>

<pallas_src>
import functools

import jax
import jax.numpy as jnp
from jax import lax
from jax.experimental import pallas as pl
from jax.experimental.pallas import tpu as pltpu
from jax.experimental.pallas import tpu_sc as plsc

N_NODES = 10000
N_EDGES = 320000
D_FEAT = 128
HIDDEN = 64
N_CLASSES = 2
C_PAD = 16

NC = 2
NS = 16
NW = NC * NS
CHUNK = 128
NCHUNK = 80
EPW = NCHUNK * CHUNK
E_PAD = NW * EPW
NLANE = 8
N_PAD = 10240
RPT = N_PAD // NS
BM = 2000

_MESH = dict(core_axis_name="c", subcore_axis_name="s",
             num_cores=NC, num_subcores=NS)
_SC_PARAMS = pltpu.CompilerParams(use_tc_tiling_on_sc=False)


def _sc_degree(ed, ones_rows, zeros_tbl):
    mesh = plsc.VectorSubcoreMesh(**_MESH)

    @functools.partial(
        pl.kernel,
        out_type=jax.ShapeDtypeStruct((N_PAD, 128), jnp.float32),
        mesh=mesh,
        scratch_types=[
            pltpu.VMEM((NCHUNK, CHUNK), jnp.int32),
            pltpu.VMEM((CHUNK, C_PAD), jnp.float32),
            [pltpu.SemaphoreType.DMA for _ in range(NLANE)],
            pltpu.VMEM_SHARED((N_PAD, C_PAD), jnp.float32),
        ],
        compiler_params=_SC_PARAMS,
    )
    def k(ed_hbm, ones_hbm, zeros_hbm, out_hbm, idx_v, ones_v, sems, acc_sh):
        c = lax.axis_index("c")
        s = lax.axis_index("s")
        wid = c * NS + s
        pltpu.sync_copy(ed_hbm.at[1].at[wid], idx_v)
        pltpu.sync_copy(ones_hbm, ones_v)
        sl = pl.ds(s * RPT, RPT)
        pltpu.sync_copy(zeros_hbm.at[sl], acc_sh.at[sl])
        plsc.subcore_barrier()

        @pl.loop(0, NCHUNK // NLANE)
        def _(g):
            j = g * NLANE
            for b in range(NLANE):
                pltpu.async_copy(ones_v, acc_sh.at[idx_v.at[j + b]],
                                 sems[b], add=True)
            for b in range(NLANE):
                pltpu.make_async_copy(
                    ones_v, acc_sh.at[idx_v.at[j + b]], sems[b]).wait()

        plsc.subcore_barrier()
        pltpu.sync_copy(acc_sh.at[sl], out_hbm.at[sl, pl.ds(c * 64, C_PAD)])

    return k(ed, ones_rows, zeros_tbl)


def _sc_aggregate(table, ed, zeros_tbl, width):
    mesh = plsc.VectorSubcoreMesh(**_MESH)

    @functools.partial(
        pl.kernel,
        out_type=jax.ShapeDtypeStruct((N_PAD, 128), jnp.float32),
        mesh=mesh,
        scratch_types=[
            pltpu.VMEM((NCHUNK, CHUNK), jnp.int32),
            pltpu.VMEM((NCHUNK, CHUNK), jnp.int32),
            [pltpu.VMEM((CHUNK, width), jnp.float32) for _ in range(NLANE)],
            [pltpu.SemaphoreType.DMA for _ in range(NLANE)],
            [pltpu.SemaphoreType.DMA for _ in range(NLANE)],
            pltpu.VMEM_SHARED((N_PAD, width), jnp.float32),
        ],
        compiler_params=_SC_PARAMS,
    )
    def k(tbl_hbm, ed_hbm, zeros_hbm, out_hbm,
          src_v, dst_v, rows, gsem, ssem, acc_sh):
        c = lax.axis_index("c")
        s = lax.axis_index("s")
        wid = c * NS + s
        pltpu.sync_copy(ed_hbm.at[0].at[wid], src_v)
        pltpu.sync_copy(ed_hbm.at[1].at[wid], dst_v)
        sl = pl.ds(s * RPT, RPT)
        pltpu.sync_copy(zeros_hbm.at[sl], acc_sh.at[sl])
        plsc.subcore_barrier()

        for b in range(NLANE):
            pltpu.async_copy(tbl_hbm.at[src_v.at[b]], rows[b], gsem[b])

        @pl.loop(0, NCHUNK // NLANE - 1)
        def _(g):
            j = g * NLANE
            for b in range(NLANE):
                pltpu.make_async_copy(
                    tbl_hbm.at[src_v.at[j + b]], rows[b], gsem[b]).wait()
                pltpu.async_copy(rows[b], acc_sh.at[dst_v.at[j + b]],
                                 ssem[b], add=True)
            for b in range(NLANE):
                pltpu.make_async_copy(
                    rows[b], acc_sh.at[dst_v.at[j + b]], ssem[b]).wait()
                pltpu.async_copy(
                    tbl_hbm.at[src_v.at[j + NLANE + b]], rows[b], gsem[b])

        last = NCHUNK - NLANE
        for b in range(NLANE):
            pltpu.make_async_copy(
                tbl_hbm.at[src_v.at[last + b]], rows[b], gsem[b]).wait()
            pltpu.async_copy(rows[b], acc_sh.at[dst_v.at[last + b]],
                             ssem[b], add=True)
        for b in range(NLANE):
            pltpu.make_async_copy(
                rows[b], acc_sh.at[dst_v.at[last + b]], ssem[b]).wait()

        plsc.subcore_barrier()
        pltpu.sync_copy(acc_sh.at[sl], out_hbm.at[sl, pl.ds(c * 64, width)])

    return k(table, ed, zeros_tbl)


def _dinv_block(degp_ref):
    return lax.rsqrt(degp_ref[:, 0:1] + degp_ref[:, 64:65] + 1.0)


def _tc_matmul(x, w):
    m, kdim = x.shape
    _, n = w.shape

    def body(x_ref, w_ref, o_ref):
        o_ref[...] = jnp.dot(x_ref[...], w_ref[...],
                             preferred_element_type=jnp.float32)

    return pl.pallas_call(
        body,
        grid=(m // BM,),
        in_specs=[
            pl.BlockSpec((BM, kdim), lambda i: (i, 0)),
            pl.BlockSpec((kdim, n), lambda i: (0, 0)),
        ],
        out_specs=pl.BlockSpec((BM, n), lambda i: (i, 0)),
        out_shape=jax.ShapeDtypeStruct((m, n), jnp.float32),
    )(x, w)


def _tc_scale(degp, xw):

    def body(degp_ref, xw_ref, xs_ref):
        xs_ref[...] = xw_ref[...] * _dinv_block(degp_ref)

    return pl.pallas_call(
        body,
        grid=(N_NODES // BM,),
        in_specs=[
            pl.BlockSpec((BM, 128), lambda i: (i, 0)),
            pl.BlockSpec((BM, HIDDEN), lambda i: (i, 0)),
        ],
        out_specs=pl.BlockSpec((BM, HIDDEN), lambda i: (i, 0)),
        out_shape=jax.ShapeDtypeStruct((N_NODES, HIDDEN), jnp.float32),
    )(degp, xw)


def _tc_mid(aggp, xs, degp, b1, w2p):

    def body(aggp_ref, xs_ref, degp_ref, b1_ref, w2_ref, o_ref):
        dinv = _dinv_block(degp_ref)
        agg = aggp_ref[:, :HIDDEN] + aggp_ref[:, 64:64 + HIDDEN] + xs_ref[...]
        h = jnp.maximum(agg * dinv + b1_ref[...], 0.0)
        o_ref[...] = jnp.dot(h, w2_ref[...],
                             preferred_element_type=jnp.float32) * dinv

    return pl.pallas_call(
        body,
        grid=(N_NODES // BM,),
        in_specs=[
            pl.BlockSpec((BM, 128), lambda i: (i, 0)),
            pl.BlockSpec((BM, HIDDEN), lambda i: (i, 0)),
            pl.BlockSpec((BM, 128), lambda i: (i, 0)),
            pl.BlockSpec((1, HIDDEN), lambda i: (0, 0)),
            pl.BlockSpec((HIDDEN, C_PAD), lambda i: (0, 0)),
        ],
        out_specs=pl.BlockSpec((BM, C_PAD), lambda i: (i, 0)),
        out_shape=jax.ShapeDtypeStruct((N_NODES, C_PAD), jnp.float32),
    )(aggp, xs, degp, b1, w2p)


def _tc_final(qp, hs, degp, b2p):
    def body(qp_ref, hs_ref, degp_ref, b2_ref, o_ref):
        dinv = _dinv_block(degp_ref)
        agg = qp_ref[:, :C_PAD] + qp_ref[:, 64:64 + C_PAD] + hs_ref[...]
        o_ref[...] = (agg * dinv + b2_ref[...])[:, :N_CLASSES]

    return pl.pallas_call(
        body,
        grid=(N_NODES // BM,),
        in_specs=[
            pl.BlockSpec((BM, 128), lambda i: (i, 0)),
            pl.BlockSpec((BM, C_PAD), lambda i: (i, 0)),
            pl.BlockSpec((BM, 128), lambda i: (i, 0)),
            pl.BlockSpec((1, C_PAD), lambda i: (0, 0)),
        ],
        out_specs=pl.BlockSpec((BM, N_CLASSES), lambda i: (i, 0)),
        out_shape=jax.ShapeDtypeStruct((N_NODES, N_CLASSES), jnp.float32),
    )(qp, hs, degp, b2p)


def kernel(x, edge_index, W1, b1, W2, b2):
    ei = edge_index.astype(jnp.int32)
    npad = E_PAD - N_EDGES
    psrc = jnp.arange(npad, dtype=jnp.int32) % N_NODES
    pdst = N_NODES + jnp.arange(npad, dtype=jnp.int32) % (N_PAD - N_NODES)
    ed = jnp.concatenate([ei, jnp.stack([psrc, pdst])], axis=1)
    ed = lax.optimization_barrier(ed.reshape(2, NW, NCHUNK, CHUNK))

    ones_rows = jnp.ones((CHUNK, C_PAD), jnp.float32)
    zeros_h = jnp.zeros((N_PAD, HIDDEN), jnp.float32)
    zeros_c = jnp.zeros((N_PAD, C_PAD), jnp.float32)
    b1r = b1.reshape(1, HIDDEN)
    w2p = jnp.zeros((HIDDEN, C_PAD), jnp.float32).at[:, :N_CLASSES].set(W2)
    b2p = jnp.zeros((1, C_PAD), jnp.float32).at[0, :N_CLASSES].set(b2)

    degp = _sc_degree(ed, ones_rows, zeros_c)
    xw = _tc_matmul(x, W1)
    xs = _tc_scale(degp, xw)
    aggp = _sc_aggregate(xs, ed, zeros_h, HIDDEN)
    hs = _tc_mid(aggp, xs, degp, b1r, w2p)
    qp = _sc_aggregate(hs, ed, zeros_c, C_PAD)
    return _tc_final(qp, hs, degp, b2p)

# --- scband reference (transcript-rebuilt; emitter-appended) ---
"""Pipeline reference for scband-gcn-2585570312415 (READ-ONLY COPY).

The authoritative reference and input builder live on the scoring server;
editing this copy changes nothing except your own understanding.
"""

import jax, jax.numpy as jnp
import numpy as np

N_NODES = 10000
N_EDGES = 320000
D_FEAT = 128
HIDDEN = 64
N_CLASSES = 2


def setup_inputs(seed: int = 0) -> dict:
    key = jax.random.key(seed)
    k1, k2, k3, k4, k5, k6 = jax.random.split(key, 6)
    x = jax.random.normal(k1, (N_NODES, D_FEAT), dtype=jnp.float32)
    edge_index = jax.random.randint(k2, (2, N_EDGES), 0, N_NODES, dtype=jnp.int64)
    # GCNConv parameters (glorot-style scale)
    W1 = jax.random.normal(k3, (D_FEAT, HIDDEN), dtype=jnp.float32) * (1.0 / np.sqrt(D_FEAT))
    b1 = jnp.zeros((HIDDEN,), dtype=jnp.float32)
    W2 = jax.random.normal(k4, (HIDDEN, N_CLASSES), dtype=jnp.float32) * (1.0 / np.sqrt(HIDDEN))
    b2 = jnp.zeros((N_CLASSES,), dtype=jnp.float32)
    return {"x": x, "edge_index": edge_index, "W1": W1, "b1": b1, "W2": W2, "b2": b2}


def _gcn_conv(x, edge_index, W, b, num_nodes):
    # GCNConv: x' = D^{-1/2} (A + I) D^{-1/2} X W + b
    src = edge_index[0]
    dst = edge_index[1]
    loop = jnp.arange(num_nodes, dtype=src.dtype)
    src = jnp.concatenate([src, loop])
    dst = jnp.concatenate([dst, loop])
    xw = x @ W
    deg = jnp.zeros((num_nodes,), dtype=x.dtype).at[dst].add(1.0)
    dinv = 1.0 / jnp.sqrt(jnp.clip(deg, 1.0, None))
    norm = dinv[src] * dinv[dst]
    msg = jnp.take(xw, src, axis=0) * norm[:, None]
    out = jax.ops.segment_sum(msg, dst, num_segments=num_nodes)
    return out + b


def reference(x, edge_index, W1, b1, W2, b2):
    h = _gcn_conv(x, edge_index, W1, b1, N_NODES)
    h = jax.nn.relu(h)
    # dropout p=0.5 is identity in eval mode (training=False)
    out = _gcn_conv(h, edge_index, W2, b2, N_NODES)
    return out

if __name__ == "__main__":
    import jax
    _d = setup_inputs()
    print(jax.jit(kernel)(*tuple(_d.values())))

</pallas_src>

<mosaic_0001>
#map = affine_map<(d0, d1) -> (0, 0, 0, 0)>
#map1 = affine_map<(d0, d1) -> (0, 0)>
module attributes {stable_mosaic.version = 14 : i64} {
  func.func @k(%arg0: i32, %arg1: i32, %arg2: memref<2x32x80x128xi32, #tpu.memory_space<hbm>>, %arg3: memref<128x16xf32, #tpu.memory_space<hbm>>, %arg4: memref<10240x16xf32, #tpu.memory_space<hbm>>, %arg5: memref<10240x128xf32, #tpu.memory_space<hbm>>, %arg6: memref<80x128xi32, #tpu.memory_space<vmem>>, %arg7: memref<128x16xf32, #tpu.memory_space<vmem>>, %arg8: memref<!tpu.dma_semaphore, #tpu.memory_space<semaphore_mem>>, %arg9: memref<!tpu.dma_semaphore, #tpu.memory_space<semaphore_mem>>, %arg10: memref<!tpu.dma_semaphore, #tpu.memory_space<semaphore_mem>>, %arg11: memref<!tpu.dma_semaphore, #tpu.memory_space<semaphore_mem>>, %arg12: memref<!tpu.dma_semaphore, #tpu.memory_space<semaphore_mem>>, %arg13: memref<!tpu.dma_semaphore, #tpu.memory_space<semaphore_mem>>, %arg14: memref<!tpu.dma_semaphore, #tpu.memory_space<semaphore_mem>>, %arg15: memref<!tpu.dma_semaphore, #tpu.memory_space<semaphore_mem>>, %arg16: memref<10240x16xf32, #tpu.memory_space<vmem_shared>>) attributes {dimension_semantics = [#tpu.dimension_semantics<core_parallel>, #tpu.dimension_semantics<subcore_parallel>], iteration_bounds = array<i64: 2, 16>, scalar_prefetch = 0 : i64, scratch_operands = 11 : i64, tpu.core_type = #tpu.core_type<sc_vector_subcore>, window_params = [{transform_indices = #map}, {transform_indices = #map1}, {transform_indices = #map1}, {transform_indices = #map1}]} {
    %mul3A = arith.constant 16 : i32
    %mul3A_0 = arith.muli %arg0, %mul3A : i32
    %add3A = arith.addi %mul3A_0, %arg1 : i32
    %run_scoped3A = arith.constant 1 : i32
    "tpu.region"() ({
      %run_scoped3A_10 = tpu.sem_alloc : memref<!tpu.dma_semaphore, #tpu.memory_space<semaphore_mem>>
      %dma_start3A = arith.constant 0 : i32
      %dma_start3A_11 = arith.constant 0 : i32
      %dma_start3A_12 = arith.constant 0 : i32
      %dma_start3A_13 = tpu.memref_slice %arg2[%run_scoped3A, %dma_start3A, %dma_start3A_11, %dma_start3A_12] : memref<2x32x80x128xi32, #tpu.memory_space<hbm>> -> memref<1x32x80x128xi32, #tpu.memory_space<hbm>>
      %dma_start3A_14 = tpu.memref_squeeze %dma_start3A_13 : memref<1x32x80x128xi32, #tpu.memory_space<hbm>> -> memref<32x80x128xi32, #tpu.memory_space<hbm>>
      %dma_start3A_15 = arith.constant 0 : i32
      %dma_start3A_16 = arith.constant 0 : i32
      %dma_start3A_17 = tpu.memref_slice %dma_start3A_14[%add3A, %dma_start3A_15, %dma_start3A_16] : memref<32x80x128xi32, #tpu.memory_space<hbm>> -> memref<1x80x128xi32, #tpu.memory_space<hbm>>
      %dma_start3A_18 = tpu.memref_squeeze %dma_start3A_17 : memref<1x80x128xi32, #tpu.memory_space<hbm>> -> memref<80x128xi32, #tpu.memory_space<hbm>>
      %dma_start3A_19 = arith.constant 0 : i32
      %dma_start3A_20 = arith.constant 0 : i32
      %dma_start3A_21 = arith.constant 0 : i32
      %dma_start3A_22 = tpu.memref_slice %arg2[%run_scoped3A, %dma_start3A_19, %dma_start3A_20, %dma_start3A_21] : memref<2x32x80x128xi32, #tpu.memory_space<hbm>> -> memref<1x32x80x128xi32, #tpu.memory_space<hbm>>
      %dma_start3A_23 = tpu.memref_squeeze %dma_start3A_22 : memref<1x32x80x128xi32, #tpu.memory_space<hbm>> -> memref<32x80x128xi32, #tpu.memory_space<hbm>>
      %dma_start3A_24 = arith.constant 0 : i32
      %dma_start3A_25 = arith.constant 0 : i32
      %dma_start3A_26 = tpu.memref_slice %dma_start3A_23[%add3A, %dma_start3A_24, %dma_start3A_25] : memref<32x80x128xi32, #tpu.memory_space<hbm>> -> memref<1x80x128xi32, #tpu.memory_space<hbm>>
      %dma_start3A_27 = tpu.memref_squeeze %dma_start3A_26 : memref<1x80x128xi32, #tpu.memory_space<hbm>> -> memref<80x128xi32, #tpu.memory_space<hbm>>
      tpu.enqueue_dma source(%dma_start3A_27 : memref<80x128xi32, #tpu.memory_space<hbm>>) target(%arg6 : memref<80x128xi32, #tpu.memory_space<vmem>>) target_semaphore(%run_scoped3A_10 : memref<!tpu.dma_semaphore, #tpu.memory_space<semaphore_mem>>)
      %dma_wait3A = arith.constant 0 : i32
      %dma_wait3A_28 = arith.constant 0 : i32
      %dma_wait3A_29 = arith.constant 0 : i32
      %dma_wait3A_30 = tpu.memref_slice %arg2[%run_scoped3A, %dma_wait3A, %dma_wait3A_28, %dma_wait3A_29] : memref<2x32x80x128xi32, #tpu.memory_space<hbm>> -> memref<1x32x80x128xi32, #tpu.memory_space<hbm>>
      %dma_wait3A_31 = tpu.memref_squeeze %dma_wait3A_30 : memref<1x32x80x128xi32, #tpu.memory_space<hbm>> -> memref<32x80x128xi32, #tpu.memory_space<hbm>>
      %dma_wait3A_32 = arith.constant 0 : i32
      %dma_wait3A_33 = arith.constant 0 : i32
      %dma_wait3A_34 = tpu.memref_slice %dma_wait3A_31[%add3A, %dma_wait3A_32, %dma_wait3A_33] : memref<32x80x128xi32, #tpu.memory_space<hbm>> -> memref<1x80x128xi32, #tpu.memory_space<hbm>>
      %dma_wait3A_35 = tpu.memref_squeeze %dma_wait3A_34 : memref<1x80x128xi32, #tpu.memory_space<hbm>> -> memref<80x128xi32, #tpu.memory_space<hbm>>
      %dma_wait3A_36 = arith.constant 0 : i32
      %dma_wait3A_37 = arith.constant 0 : i32
      %dma_wait3A_38 = arith.constant 0 : i32
      %dma_wait3A_39 = tpu.memref_slice %arg2[%run_scoped3A, %dma_wait3A_36, %dma_wait3A_37, %dma_wait3A_38] : memref<2x32x80x128xi32, #tpu.memory_space<hbm>> -> memref<1x32x80x128xi32, #tpu.memory_space<hbm>>
      %dma_wait3A_40 = tpu.memref_squeeze %dma_wait3A_39 : memref<1x32x80x128xi32, #tpu.memory_space<hbm>> -> memref<32x80x128xi32, #tpu.memory_space<hbm>>
      %dma_wait3A_41 = arith.constant 0 : i32
      %dma_wait3A_42 = arith.constant 0 : i32
      %dma_wait3A_43 = tpu.memref_slice %dma_wait3A_40[%add3A, %dma_wait3A_41, %dma_wait3A_42] : memref<32x80x128xi32, #tpu.memory_space<hbm>> -> memref<1x80x128xi32, #tpu.memory_space<hbm>>
      %dma_wait3A_44 = tpu.memref_squeeze %dma_wait3A_43 : memref<1x80x128xi32, #tpu.memory_space<hbm>> -> memref<80x128xi32, #tpu.memory_space<hbm>>
      tpu.wait_dma2 semaphore(%run_scoped3A_10 : memref<!tpu.dma_semaphore, #tpu.memory_space<semaphore_mem>>) src(%dma_wait3A_44 : memref<80x128xi32, #tpu.memory_space<hbm>>) dst(%arg6 : memref<80x128xi32, #tpu.memory_space<vmem>>)
      tpu.yield
    }) : () -> ()
    "tpu.region"() ({
      %run_scoped3A_10 = tpu.sem_alloc : memref<!tpu.dma_semaphore, #tpu.memory_space<semaphore_mem>>
      tpu.enqueue_dma source(%arg3 : memref<128x16xf32, #tpu.memory_space<hbm>>) target(%arg7 : memref<128x16xf32, #tpu.memory_space<vmem>>) target_semaphore(%run_scoped3A_10 : memref<!tpu.dma_semaphore, #tpu.memory_space<semaphore_mem>>)
      tpu.wait_dma2 semaphore(%run_scoped3A_10 : memref<!tpu.dma_semaphore, #tpu.memory_space<semaphore_mem>>) src(%arg3 : memref<128x16xf32, #tpu.memory_space<hbm>>) dst(%arg7 : memref<128x16xf32, #tpu.memory_space<vmem>>)
      tpu.yield
    }) : () -> ()
    %mul3A_1 = arith.constant 640 : i32
    %mul3A_2 = arith.muli %arg1, %mul3A_1 : i32
    "tpu.region"() ({
      %run_scoped3A_10 = tpu.sem_alloc : memref<!tpu.dma_semaphore, #tpu.memory_space<semaphore_mem>>
      %dma_start3A = arith.constant 0 : i32
      %dma_start3A_11 = tpu.memref_slice %arg16[%mul3A_2, %dma_start3A] : memref<10240x16xf32, #tpu.memory_space<vmem_shared>> -> memref<640x16xf32, #tpu.memory_space<vmem_shared>>
      %dma_start3A_12 = arith.constant 0 : i32
      %dma_start3A_13 = tpu.memref_slice %arg4[%mul3A_2, %dma_start3A_12] : memref<10240x16xf32, #tpu.memory_space<hbm>> -> memref<640x16xf32, #tpu.memory_space<hbm>>
      tpu.enqueue_dma source(%dma_start3A_13 : memref<640x16xf32, #tpu.memory_space<hbm>>) target(%dma_start3A_11 : memref<640x16xf32, #tpu.memory_space<vmem_shared>>) target_semaphore(%run_scoped3A_10 : memref<!tpu.dma_semaphore, #tpu.memory_space<semaphore_mem>>)
      %dma_wait3A = arith.constant 0 : i32
      %dma_wait3A_14 = tpu.memref_slice %arg16[%mul3A_2, %dma_wait3A] : memref<10240x16xf32, #tpu.memory_space<vmem_shared>> -> memref<640x16xf32, #tpu.memory_space<vmem_shared>>
      %dma_wait3A_15 = arith.constant 0 : i32
      %dma_wait3A_16 = tpu.memref_slice %arg4[%mul3A_2, %dma_wait3A_15] : memref<10240x16xf32, #tpu.memory_space<hbm>> -> memref<640x16xf32, #tpu.memory_space<hbm>>
      tpu.wait_dma2 semaphore(%run_scoped3A_10 : memref<!tpu.dma_semaphore, #tpu.memory_space<semaphore_mem>>) src(%dma_wait3A_16 : memref<640x16xf32, #tpu.memory_space<hbm>>) dst(%dma_wait3A_14 : memref<640x16xf32, #tpu.memory_space<vmem_shared>>)
      tpu.yield
    }) : () -> ()
    %barrier3A = arith.constant 0 : index
    tpu.barrier barrier_id(%barrier3A)
    %scan3A = arith.constant 0 : i32
    %scan3A_3 = arith.constant 10 : i32
    %scan3A_4 = arith.addi %scan3A, %scan3A_3 : i32
    %scan3A_5 = arith.constant 1 : i32
    scf.for %scan3A_10 = %scan3A to %scan3A_4 step %scan3A_5  : i32 {
      %mul3A_11 = arith.constant 1 : i32
      %mul3A_12 = arith.muli %scan3A_10, %mul3A_11 : i32
      %add3A_13 = arith.constant 0 : i32
      %add3A_14 = arith.addi %add3A_13, %mul3A_12 : i32
      %mul3A_15 = arith.constant 8 : i32
      %mul3A_16 = arith.muli %add3A_14, %mul3A_15 : i32
      %add3A_17 = arith.constant 0 : i32
      %add3A_18 = arith.addi %mul3A_16, %add3A_17 : i32
      %dma_start3A = arith.constant 0 : i32
      %dma_start3A_19 = tpu.memref_slice %arg6[%add3A_18, %dma_start3A] : memref<80x128xi32, #tpu.memory_space<vmem>> -> memref<1x128xi32, #tpu.memory_space<vmem>>
      %dma_start3A_20 = tpu.memref_squeeze %dma_start3A_19 : memref<1x128xi32, #tpu.memory_space<vmem>> -> memref<128xi32, #tpu.memory_space<vmem>>
      %dma_start3A_21 = arith.constant 0 : i32
      %dma_start3A_22 = arith.constant 0 : i32
      %dma_start3A_23 = tpu.memref_slice %arg16[%dma_start3A_21, %dma_start3A_22] : memref<10240x16xf32, #tpu.memory_space<vmem_shared>> -> memref<10240x16xf32, #tpu.memory_space<vmem_shared>>
      tpu.enqueue_indirect_dma source(%arg7 : memref<128x16xf32, #tpu.memory_space<vmem>>) target(%dma_start3A_23 : memref<10240x16xf32, #tpu.memory_space<vmem_shared>>) offsets(%dma_start3A_20 : memref<128xi32, #tpu.memory_space<vmem>>) semaphore(%arg8 : memref<!tpu.dma_semaphore, #tpu.memory_space<semaphore_mem>>) {add = true}
      %add3A_24 = arith.constant 1 : i32
      %add3A_25 = arith.addi %mul3A_16, %add3A_24 : i32
      %dma_start3A_26 = arith.constant 0 : i32
      %dma_start3A_27 = tpu.memref_slice %arg6[%add3A_25, %dma_start3A_26] : memref<80x128xi32, #tpu.memory_space<vmem>> -> memref<1x128xi32, #tpu.memory_space<vmem>>
      %dma_start3A_28 = tpu.memref_squeeze %dma_start3A_27 : memref<1x128xi32, #tpu.memory_space<vmem>> -> memref<128xi32, #tpu.memory_space<vmem>>
      %dma_start3A_29 = arith.constant 0 : i32
      %dma_start3A_30 = arith.constant 0 : i32
      %dma_start3A_31 = tpu.memref_slice %arg16[%dma_start3A_29, %dma_start3A_30] : memref<10240x16xf32, #tpu.memory_space<vmem_shared>> -> memref<10240x16xf32, #tpu.memory_space<vmem_shared>>
      tpu.enqueue_indirect_dma source(%arg7 : memref<128x16xf32, #tpu.memory_space<vmem>>) target(%dma_start3A_31 : memref<10240x16xf32, #tpu.memory_space<vmem_shared>>) offsets(%dma_start3A_28 : memref<128xi32, #tpu.memory_space<vmem>>) semaphore(%arg9 : memref<!tpu.dma_semaphore, #tpu.memory_space<semaphore_mem>>) {add = true}
      %add3A_32 = arith.constant 2 : i32
      %add3A_33 = arith.addi %mul3A_16, %add3A_32 : i32
      %dma_start3A_34 = arith.constant 0 : i32
      %dma_start3A_35 = tpu.memref_slice %arg6[%add3A_33, %dma_start3A_34] : memref<80x128xi32, #tpu.memory_space<vmem>> -> memref<1x128xi32, #tpu.memory_space<vmem>>
      %dma_start3A_36 = tpu.memref_squeeze %dma_start3A_35 : memref<1x128xi32, #tpu.memory_space<vmem>> -> memref<128xi32, #tpu.memory_space<vmem>>
      %dma_start3A_37 = arith.constant 0 : i32
      %dma_start3A_38 = arith.constant 0 : i32
      %dma_start3A_39 = tpu.memref_slice %arg16[%dma_start3A_37, %dma_start3A_38] : memref<10240x16xf32, #tpu.memory_space<vmem_shared>> -> memref<10240x16xf32, #tpu.memory_space<vmem_shared>>
      tpu.enqueue_indirect_dma source(%arg7 : memref<128x16xf32, #tpu.memory_space<vmem>>) target(%dma_start3A_39 : memref<10240x16xf32, #tpu.memory_space<vmem_shared>>) offsets(%dma_start3A_36 : memref<128xi32, #tpu.memory_space<vmem>>) semaphore(%arg10 : memref<!tpu.dma_semaphore, #tpu.memory_space<semaphore_mem>>) {add = true}
      %add3A_40 = arith.constant 3 : i32
      %add3A_41 = arith.addi %mul3A_16, %add3A_40 : i32
      %dma_start3A_42 = arith.constant 0 : i32
      %dma_start3A_43 = tpu.memref_slice %arg6[%add3A_41, %dma_start3A_42] : memref<80x128xi32, #tpu.memory_space<vmem>> -> memref<1x128xi32, #tpu.memory_space<vmem>>
      %dma_start3A_44 = tpu.memref_squeeze %dma_start3A_43 : memref<1x128xi32, #tpu.memory_space<vmem>> -> memref<128xi32, #tpu.memory_space<vmem>>
      %dma_start3A_45 = arith.constant 0 : i32
      %dma_start3A_46 = arith.constant 0 : i32
      %dma_start3A_47 = tpu.memref_slice %arg16[%dma_start3A_45, %dma_start3A_46] : memref<10240x16xf32, #tpu.memory_space<vmem_shared>> -> memref<10240x16xf32, #tpu.memory_space<vmem_shared>>
      tpu.enqueue_indirect_dma source(%arg7 : memref<128x16xf32, #tpu.memory_space<vmem>>) target(%dma_start3A_47 : memref<10240x16xf32, #tpu.memory_space<vmem_shared>>) offsets(%dma_start3A_44 : memref<128xi32, #tpu.memory_space<vmem>>) semaphore(%arg11 : memref<!tpu.dma_semaphore, #tpu.memory_space<semaphore_mem>>) {add = true}
      %add3A_48 = arith.constant 4 : i32
      %add3A_49 = arith.addi %mul3A_16, %add3A_48 : i32
      %dma_start3A_50 = arith.constant 0 : i32
      %dma_start3A_51 = tpu.memref_slice %arg6[%add3A_49, %dma_start3A_50] : memref<80x128xi32, #tpu.memory_space<vmem>> -> memref<1x128xi32, #tpu.memory_space<vmem>>
      %dma_start3A_52 = tpu.memref_squeeze %dma_start3A_51 : memref<1x128xi32, #tpu.memory_space<vmem>> -> memref<128xi32, #tpu.memory_space<vmem>>
      %dma_start3A_53 = arith.constant 0 : i32
      %dma_start3A_54 = arith.constant 0 : i32
      %dma_start3A_55 = tpu.memref_slice %arg16[%dma_start3A_53, %dma_start3A_54] : memref<10240x16xf32, #tpu.memory_space<vmem_shared>> -> memref<10240x16xf32, #tpu.memory_space<vmem_shared>>
      tpu.enqueue_indirect_dma source(%arg7 : memref<128x16xf32, #tpu.memory_space<vmem>>) target(%dma_start3A_55 : memref<10240x16xf32, #tpu.memory_space<vmem_shared>>) offsets(%dma_start3A_52 : memref<128xi32, #tpu.memory_space<vmem>>) semaphore(%arg12 : memref<!tpu.dma_semaphore, #tpu.memory_space<semaphore_mem>>) {add = true}
      %add3A_56 = arith.constant 5 : i32
      %add3A_57 = arith.addi %mul3A_16, %add3A_56 : i32
      %dma_start3A_58 = arith.constant 0 : i32
      %dma_start3A_59 = tpu.memref_slice %arg6[%add3A_57, %dma_start3A_58] : memref<80x128xi32, #tpu.memory_space<vmem>> -> memref<1x128xi32, #tpu.memory_space<vmem>>
      %dma_start3A_60 = tpu.memref_squeeze %dma_start3A_59 : memref<1x128xi32, #tpu.memory_space<vmem>> -> memref<128xi32, #tpu.memory_space<vmem>>
      %dma_start3A_61 = arith.constant 0 : i32
      %dma_start3A_62 = arith.constant 0 : i32
      %dma_start3A_63 = tpu.memref_slice %arg16[%dma_start3A_61, %dma_start3A_62] : memref<10240x16xf32, #tpu.memory_space<vmem_shared>> -> memref<10240x16xf32, #tpu.memory_space<vmem_shared>>
      tpu.enqueue_indirect_dma source(%arg7 : memref<128x16xf32, #tpu.memory_space<vmem>>) target(%dma_start3A_63 : memref<10240x16xf32, #tpu.memory_space<vmem_shared>>) offsets(%dma_start3A_60 : memref<128xi32, #tpu.memory_space<vmem>>) semaphore(%arg13 : memref<!tpu.dma_semaphore, #tpu.memory_space<semaphore_mem>>) {add = true}
      %add3A_64 = arith.constant 6 : i32
      %add3A_65 = arith.addi %mul3A_16, %add3A_64 : i32
      %dma_start3A_66 = arith.constant 0 : i32
      %dma_start3A_67 = tpu.memref_slice %arg6[%add3A_65, %dma_start3A_66] : memref<80x128xi32, #tpu.memory_space<vmem>> -> memref<1x128xi32, #tpu.memory_space<vmem>>
      %dma_start3A_68 = tpu.memref_squeeze %dma_start3A_67 : memref<1x128xi32, #tpu.memory_space<vmem>> -> memref<128xi32, #tpu.memory_space<vmem>>
      %dma_start3A_69 = arith.constant 0 : i32
      %dma_start3A_70 = arith.constant 0 : i32
      %dma_start3A_71 = tpu.memref_slice %arg16[%dma_start3A_69, %dma_start3A_70] : memref<10240x16xf32, #tpu.memory_space<vmem_shared>> -> memref<10240x16xf32, #tpu.memory_space<vmem_shared>>
      tpu.enqueue_indirect_dma source(%arg7 : memref<128x16xf32, #tpu.memory_space<vmem>>) target(%dma_start3A_71 : memref<10240x16xf32, #tpu.memory_space<vmem_shared>>) offsets(%dma_start3A_68 : memref<128xi32, #tpu.memory_space<vmem>>) semaphore(%arg14 : memref<!tpu.dma_semaphore, #tpu.memory_space<semaphore_mem>>) {add = true}
      %add3A_72 = arith.constant 7 : i32
      %add3A_73 = arith.addi %mul3A_16, %add3A_72 : i32
      %dma_start3A_74 = arith.constant 0 : i32
      %dma_start3A_75 = tpu.memref_slice %arg6[%add3A_73, %dma_start3A_74] : memref<80x128xi32, #tpu.memory_space<vmem>> -> memref<1x128xi32, #tpu.memory_space<vmem>>
      %dma_start3A_76 = tpu.memref_squeeze %dma_start3A_75 : memref<1x128xi32, #tpu.memory_space<vmem>> -> memref<128xi32, #tpu.memory_space<vmem>>
      %dma_start3A_77 = arith.constant 0 : i32
      %dma_start3A_78 = arith.constant 0 : i32
      %dma_start3A_79 = tpu.memref_slice %arg16[%dma_start3A_77, %dma_start3A_78] : memref<10240x16xf32, #tpu.memory_space<vmem_shared>> -> memref<10240x16xf32, #tpu.memory_space<vmem_shared>>
      tpu.enqueue_indirect_dma source(%arg7 : memref<128x16xf32, #tpu.memory_space<vmem>>) target(%dma_start3A_79 : memref<10240x16xf32, #tpu.memory_space<vmem_shared>>) offsets(%dma_start3A_76 : memref<128xi32, #tpu.memory_space<vmem>>) semaphore(%arg15 : memref<!tpu.dma_semaphore, #tpu.memory_space<semaphore_mem>>) {add = true}
      %add3A_80 = arith.constant 0 : i32
      %add3A_81 = arith.addi %mul3A_16, %add3A_80 : i32
      %dma_wait3A = arith.constant 0 : i32
      %dma_wait3A_82 = tpu.memref_slice %arg6[%add3A_81, %dma_wait3A] : memref<80x128xi32, #tpu.memory_space<vmem>> -> memref<1x128xi32, #tpu.memory_space<vmem>>
      %dma_wait3A_83 = tpu.memref_squeeze %dma_wait3A_82 : memref<1x128xi32, #tpu.memory_space<vmem>> -> memref<128xi32, #tpu.memory_space<vmem>>
      %dma_wait3A_84 = arith.constant 0 : i32
      %dma_wait3A_85 = arith.constant 0 : i32
      %dma_wait3A_86 = tpu.memref_slice %arg16[%dma_wait3A_84, %dma_wait3A_85] : memref<10240x16xf32, #tpu.memory_space<vmem_shared>> -> memref<10240x16xf32, #tpu.memory_space<vmem_shared>>
      tpu.wait_indirect_dma semaphore(%arg8 : memref<!tpu.dma_semaphore, #tpu.memory_space<semaphore_mem>>) src(%arg7 : memref<128x16xf32, #tpu.memory_space<vmem>>) dst(%dma_wait3A_86 : memref<10240x16xf32, #tpu.memory_space<vmem_shared>>)
      %add3A_87 = arith.constant 1 : i32
      %add3A_88 = arith.addi %mul3A_16, %add3A_87 : i32
      %dma_wait3A_89 = arith.constant 0 : i32
      %dma_wait3A_90 = tpu.memref_slice %arg6[%add3A_88, %dma_wait3A_89] : memref<80x128xi32, #tpu.memory_space<vmem>> -> memref<1x128xi32, #tpu.memory_space<vmem>>
      %dma_wait3A_91 = tpu.memref_squeeze %dma_wait3A_90 : memref<1x128xi32, #tpu.memory_space<vmem>> -> memref<128xi32, #tpu.memory_space<vmem>>
      %dma_wait3A_92 = arith.constant 0 : i32
      %dma_wait3A_93 = arith.constant 0 : i32
      %dma_wait3A_94 = tpu.memref_slice %arg16[%dma_wait3A_92, %dma_wait3A_93] : memref<10240x16xf32, #tpu.memory_space<vmem_shared>> -> memref<10240x16xf32, #tpu.memory_space<vmem_shared>>
      tpu.wait_indirect_dma semaphore(%arg9 : memref<!tpu.dma_semaphore, #tpu.memory_space<semaphore_mem>>) src(%arg7 : memref<128x16xf32, #tpu.memory_space<vmem>>) dst(%dma_wait3A_94 : memref<10240x16xf32, #tpu.memory_space<vmem_shared>>)
      %add3A_95 = arith.constant 2 : i32
      %add3A_96 = arith.addi %mul3A_16, %add3A_95 : i32
      %dma_wait3A_97 = arith.constant 0 : i32
      %dma_wait3A_98 = tpu.memref_slice %arg6[%add3A_96, %dma_wait3A_97] : memref<80x128xi32, #tpu.memory_space<vmem>> -> memref<1x128xi32, #tpu.memory_space<vmem>>
      %dma_wait3A_99 = tpu.memref_squeeze %dma_wait3A_98 : memref<1x128xi32, #tpu.memory_space<vmem>> -> memref<128xi32, #tpu.memory_space<vmem>>
      %dma_wait3A_100 = arith.constant 0 : i32
      %dma_wait3A_101 = arith.constant 0 : i32
      %dma_wait3A_102 = tpu.memref_slice %arg16[%dma_wait3A_100, %dma_wait3A_101] : memref<10240x16xf32, #tpu.memory_space<vmem_shared>> -> memref<10240x16xf32, #tpu.memory_space<vmem_shared>>
      tpu.wait_indirect_dma semaphore(%arg10 : memref<!tpu.dma_semaphore, #tpu.memory_space<semaphore_mem>>) src(%arg7 : memref<128x16xf32, #tpu.memory_space<vmem>>) dst(%dma_wait3A_102 : memref<10240x16xf32, #tpu.memory_space<vmem_shared>>)
      %add3A_103 = arith.constant 3 : i32
      %add3A_104 = arith.addi %mul3A_16, %add3A_103 : i32
      %dma_wait3A_105 = arith.constant 0 : i32
      %dma_wait3A_106 = tpu.memref_slice %arg6[%add3A_104, %dma_wait3A_105] : memref<80x128xi32, #tpu.memory_space<vmem>> -> memref<1x128xi32, #tpu.memory_space<vmem>>
      %dma_wait3A_107 = tpu.memref_squeeze %dma_wait3A_106 : memref<1x128xi32, #tpu.memory_space<vmem>> -> memref<128xi32, #tpu.memory_space<vmem>>
      %dma_wait3A_108 = arith.constant 0 : i32
      %dma_wait3A_109 = arith.constant 0 : i32
      %dma_wait3A_110 = tpu.memref_slice %arg16[%dma_wait3A_108, %dma_wait3A_109] : memref<10240x16xf32, #tpu.memory_space<vmem_shared>> -> memref<10240x16xf32, #tpu.memory_space<vmem_shared>>
      tpu.wait_indirect_dma semaphore(%arg11 : memref<!tpu.dma_semaphore, #tpu.memory_space<semaphore_mem>>) src(%arg7 : memref<128x16xf32, #tpu.memory_space<vmem>>) dst(%dma_wait3A_110 : memref<10240x16xf32, #tpu.memory_space<vmem_shared>>)
      %add3A_111 = arith.constant 4 : i32
      %add3A_112 = arith.addi %mul3A_16, %add3A_111 : i32
      %dma_wait3A_113 = arith.constant 0 : i32
      %dma_wait3A_114 = tpu.memref_slice %arg6[%add3A_112, %dma_wait3A_113] : memref<80x128xi32, #tpu.memory_space<vmem>> -> memref<1x128xi32, #tpu.memory_space<vmem>>
      %dma_wait3A_115 = tpu.memref_squeeze %dma_wait3A_114 : memref<1x128xi32, #tpu.memory_space<vmem>> -> memref<128xi32, #tpu.memory_space<vmem>>
      %dma_wait3A_116 = arith.constant 0 : i32
      %dma_wait3A_117 = arith.constant 0 : i32
      %dma_wait3A_118 = tpu.memref_slice %arg16[%dma_wait3A_116, %dma_wait3A_117] : memref<10240x16xf32, #tpu.memory_space<vmem_shared>> -> memref<10240x16xf32, #tpu.memory_space<vmem_shared>>
      tpu.wait_indirect_dma semaphore(%arg12 : memref<!tpu.dma_semaphore, #tpu.memory_space<semaphore_mem>>) src(%arg7 : memref<128x16xf32, #tpu.memory_space<vmem>>) dst(%dma_wait3A_118 : memref<10240x16xf32, #tpu.memory_space<vmem_shared>>)
      %add3A_119 = arith.constant 5 : i32
      %add3A_120 = arith.addi %mul3A_16, %add3A_119 : i32
      %dma_wait3A_121 = arith.constant 0 : i32
      %dma_wait3A_122 = tpu.memref_slice %arg6[%add3A_120, %dma_wait3A_121] : memref<80x128xi32, #tpu.memory_space<vmem>> -> memref<1x128xi32, #tpu.memory_space<vmem>>
      %dma_wait3A_123 = tpu.memref_squeeze %dma_wait3A_122 : memref<1x128xi32, #tpu.memory_space<vmem>> -> memref<128xi32, #tpu.memory_space<vmem>>
      %dma_wait3A_124 = arith.constant 0 : i32
      %dma_wait3A_125 = arith.constant 0 : i32
      %dma_wait3A_126 = tpu.memref_slice %arg16[%dma_wait3A_124, %dma_wait3A_125] : memref<10240x16xf32, #tpu.memory_space<vmem_shared>> -> memref<10240x16xf32, #tpu.memory_space<vmem_shared>>
      tpu.wait_indirect_dma semaphore(%arg13 : memref<!tpu.dma_semaphore, #tpu.memory_space<semaphore_mem>>) src(%arg7 : memref<128x16xf32, #tpu.memory_space<vmem>>) dst(%dma_wait3A_126 : memref<10240x16xf32, #tpu.memory_space<vmem_shared>>)
      %add3A_127 = arith.constant 6 : i32
      %add3A_128 = arith.addi %mul3A_16, %add3A_127 : i32
      %dma_wait3A_129 = arith.constant 0 : i32
      %dma_wait3A_130 = tpu.memref_slice %arg6[%add3A_128, %dma_wait3A_129] : memref<80x128xi32, #tpu.memory_space<vmem>> -> memref<1x128xi32, #tpu.memory_space<vmem>>
      %dma_wait3A_131 = tpu.memref_squeeze %dma_wait3A_130 : memref<1x128xi32, #tpu.memory_space<vmem>> -> memref<128xi32, #tpu.memory_space<vmem>>
      %dma_wait3A_132 = arith.constant 0 : i32
      %dma_wait3A_133 = arith.constant 0 : i32
      %dma_wait3A_134 = tpu.memref_slice %arg16[%dma_wait3A_132, %dma_wait3A_133] : memref<10240x16xf32, #tpu.memory_space<vmem_shared>> -> memref<10240x16xf32, #tpu.memory_space<vmem_shared>>
      tpu.wait_indirect_dma semaphore(%arg14 : memref<!tpu.dma_semaphore, #tpu.memory_space<semaphore_mem>>) src(%arg7 : memref<128x16xf32, #tpu.memory_space<vmem>>) dst(%dma_wait3A_134 : memref<10240x16xf32, #tpu.memory_space<vmem_shared>>)
      %add3A_135 = arith.constant 7 : i32
      %add3A_136 = arith.addi %mul3A_16, %add3A_135 : i32
      %dma_wait3A_137 = arith.constant 0 : i32
      %dma_wait3A_138 = tpu.memref_slice %arg6[%add3A_136, %dma_wait3A_137] : memref<80x128xi32, #tpu.memory_space<vmem>> -> memref<1x128xi32, #tpu.memory_space<vmem>>
      %dma_wait3A_139 = tpu.memref_squeeze %dma_wait3A_138 : memref<1x128xi32, #tpu.memory_space<vmem>> -> memref<128xi32, #tpu.memory_space<vmem>>
      %dma_wait3A_140 = arith.constant 0 : i32
      %dma_wait3A_141 = arith.constant 0 : i32
      %dma_wait3A_142 = tpu.memref_slice %arg16[%dma_wait3A_140, %dma_wait3A_141] : memref<10240x16xf32, #tpu.memory_space<vmem_shared>> -> memref<10240x16xf32, #tpu.memory_space<vmem_shared>>
      tpu.wait_indirect_dma semaphore(%arg15 : memref<!tpu.dma_semaphore, #tpu.memory_space<semaphore_mem>>) src(%arg7 : memref<128x16xf32, #tpu.memory_space<vmem>>) dst(%dma_wait3A_142 : memref<10240x16xf32, #tpu.memory_space<vmem_shared>>)
    }
    %scan3A_6 = arith.constant 10 : i32
    %barrier3A_7 = arith.constant 0 : index
    tpu.barrier barrier_id(%barrier3A_7)
    %mul3A_8 = arith.constant 64 : i32
    %mul3A_9 = arith.muli %arg0, %mul3A_8 : i32
    "tpu.region"() ({
      %run_scoped3A_10 = tpu.sem_alloc : memref<!tpu.dma_semaphore, #tpu.memory_space<semaphore_mem>>
      %dma_start3A = tpu.memref_slice %arg5[%mul3A_2, %mul3A_9] : memref<10240x128xf32, #tpu.memory_space<hbm>> -> memref<640x16xf32, #tpu.memory_space<hbm>>
      %dma_start3A_11 = arith.constant 0 : i32
      %dma_start3A_12 = tpu.memref_slice %arg16[%mul3A_2, %dma_start3A_11] : memref<10240x16xf32, #tpu.memory_space<vmem_shared>> -> memref<640x16xf32, #tpu.memory_space<vmem_shared>>
      tpu.enqueue_dma source(%dma_start3A_12 : memref<640x16xf32, #tpu.memory_space<vmem_shared>>) target(%dma_start3A : memref<640x16xf32, #tpu.memory_space<hbm>>) target_semaphore(%run_scoped3A_10 : memref<!tpu.dma_semaphore, #tpu.memory_space<semaphore_mem>>)
      %dma_wait3A = tpu.memref_slice %arg5[%mul3A_2, %mul3A_9] : memref<10240x128xf32, #tpu.memory_space<hbm>> -> memref<640x16xf32, #tpu.memory_space<hbm>>
      %dma_wait3A_13 = arith.constant 0 : i32
      %dma_wait3A_14 = tpu.memref_slice %arg16[%mul3A_2, %dma_wait3A_13] : memref<10240x16xf32, #tpu.memory_space<vmem_shared>> -> memref<640x16xf32, #tpu.memory_space<vmem_shared>>
      tpu.wait_dma2 semaphore(%run_scoped3A_10 : memref<!tpu.dma_semaphore, #tpu.memory_space<semaphore_mem>>) src(%dma_wait3A_14 : memref<640x16xf32, #tpu.memory_space<vmem_shared>>) dst(%dma_wait3A : memref<640x16xf32, #tpu.memory_space<hbm>>)
      tpu.yield
    }) : () -> ()
    return
  }
}

#map = affine_map<(d0, d1) -> (0, 0)>
#map1 = affine_map<(d0, d1) -> (0, 0, 0, 0)>
module attributes {stable_mosaic.version = 14 : i64} {
  func.func @k(%arg0: i32, %arg1: i32, %arg2: memref<10000x16xf32, #tpu.memory_space<hbm>>, %arg3: memref<2x32x80x128xi32, #tpu.memory_space<hbm>>, %arg4: memref<10240x16xf32, #tpu.memory_space<hbm>>, %arg5: memref<10240x128xf32, #tpu.memory_space<hbm>>, %arg6: memref<80x128xi32, #tpu.memory_space<vmem>>, %arg7: memref<80x128xi32, #tpu.memory_space<vmem>>, %arg8: memref<128x16xf32, #tpu.memory_space<vmem>>, %arg9: memref<128x16xf32, #tpu.memory_space<vmem>>, %arg10: memref<128x16xf32, #tpu.memory_space<vmem>>, %arg11: memref<128x16xf32, #tpu.memory_space<vmem>>, %arg12: memref<128x16xf32, #tpu.memory_space<vmem>>, %arg13: memref<128x16xf32, #tpu.memory_space<vmem>>, %arg14: memref<128x16xf32, #tpu.memory_space<vmem>>, %arg15: memref<128x16xf32, #tpu.memory_space<vmem>>, %arg16: memref<!tpu.dma_semaphore, #tpu.memory_space<semaphore_mem>>, %arg17: memref<!tpu.dma_semaphore, #tpu.memory_space<semaphore_mem>>, %arg18: memref<!tpu.dma_semaphore, #tpu.memory_space<semaphore_mem>>, %arg19: memref<!tpu.dma_semaphore, #tpu.memory_space<semaphore_mem>>, %arg20: memref<!tpu.dma_semaphore, #tpu.memory_space<semaphore_mem>>, %arg21: memref<!tpu.dma_semaphore, #tpu.memory_space<semaphore_mem>>, %arg22: memref<!tpu.dma_semaphore, #tpu.memory_space<semaphore_mem>>, %arg23: memref<!tpu.dma_semaphore, #tpu.memory_space<semaphore_mem>>, %arg24: memref<!tpu.dma_semaphore, #tpu.memory_space<semaphore_mem>>, %arg25: memref<!tpu.dma_semaphore, #tpu.memory_space<semaphore_mem>>, %arg26: memref<!tpu.dma_semaphore, #tpu.memory_space<semaphore_mem>>, %arg27: memref<!tpu.dma_semaphore, #tpu.memory_space<semaphore_mem>>, %arg28: memref<!tpu.dma_semaphore, #tpu.memory_space<semaphore_mem>>, %arg29: memref<!tpu.dma_semaphore, #tpu.memory_space<semaphore_mem>>, %arg30: memref<!tpu.dma_semaphore, #tpu.memory_space<semaphore_mem>>, %arg31: memref<!tpu.dma_semaphore, #tpu.memory_space<semaphore_mem>>, %arg32: memref<10240x16xf32, #tpu.memory_space<vmem_shared>>) attributes {dimension_semantics = [#tpu.dimension_semantics<core_parallel>, #tpu.dimension_semantics<subcore_parallel>], iteration_bounds = array<i64: 2, 16>, scalar_prefetch = 0 : i64, scratch_operands = 27 : i64, tpu.core_type = #tpu.core_type<sc_vector_subcore>, window_params = [{transform_indices = #map}, {transform_indices = #map1}, {transform_indices = #map}, {transform_indices = #map}]} {
    %mul3A = arith.constant 16 : i32
    %mul3A_0 = arith.muli %arg0, %mul3A : i32
    %add3A = arith.addi %mul3A_0, %arg1 : i32
    %run_scoped3A = arith.constant 0 : i32
    "tpu.region"() ({
      %run_scoped3A_233 = tpu.sem_alloc : memref<!tpu.dma_semaphore, #tpu.memory_space<semaphore_mem>>
      %dma_start3A_234 = arith.constant 0 : i32
      %dma_start3A_235 = arith.constant 0 : i32
      %dma_start3A_236 = arith.constant 0 : i32
      %dma_start3A_237 = tpu.memref_slice %arg3[%run_scoped3A, %dma_start3A_234, %dma_start3A_235, %dma_start3A_236] : memref<2x32x80x128xi32, #tpu.memory_space<hbm>> -> memref<1x32x80x128xi32, #tpu.memory_space<hbm>>
      %dma_start3A_238 = tpu.memref_squeeze %dma_start3A_237 : memref<1x32x80x128xi32, #tpu.memory_space<hbm>> -> memref<32x80x128xi32, #tpu.memory_space<hbm>>
      %dma_start3A_239 = arith.constant 0 : i32
      %dma_start3A_240 = arith.constant 0 : i32
      %dma_start3A_241 = tpu.memref_slice %dma_start3A_238[%add3A, %dma_start3A_239, %dma_start3A_240] : memref<32x80x128xi32, #tpu.memory_space<hbm>> -> memref<1x80x128xi32, #tpu.memory_space<hbm>>
      %dma_start3A_242 = tpu.memref_squeeze %dma_start3A_241 : memref<1x80x128xi32, #tpu.memory_space<hbm>> -> memref<80x128xi32, #tpu.memory_space<hbm>>
      %dma_start3A_243 = arith.constant 0 : i32
      %dma_start3A_244 = arith.constant 0 : i32
      %dma_start3A_245 = arith.constant 0 : i32
      %dma_start3A_246 = tpu.memref_slice %arg3[%run_scoped3A, %dma_start3A_243, %dma_start3A_244, %dma_start3A_245] : memref<2x32x80x128xi32, #tpu.memory_space<hbm>> -> memref<1x32x80x128xi32, #tpu.memory_space<hbm>>
      %dma_start3A_247 = tpu.memref_squeeze %dma_start3A_246 : memref<1x32x80x128xi32, #tpu.memory_space<hbm>> -> memref<32x80x128xi32, #tpu.memory_space<hbm>>
      %dma_start3A_248 = arith.constant 0 : i32
      %dma_start3A_249 = arith.constant 0 : i32
      %dma_start3A_250 = tpu.memref_slice %dma_start3A_247[%add3A, %dma_start3A_248, %dma_start3A_249] : memref<32x80x128xi32, #tpu.memory_space<hbm>> -> memref<1x80x128xi32, #tpu.memory_space<hbm>>
      %dma_start3A_251 = tpu.memref_squeeze %dma_start3A_250 : memref<1x80x128xi32, #tpu.memory_space<hbm>> -> memref<80x128xi32, #tpu.memory_space<hbm>>
      tpu.enqueue_dma source(%dma_start3A_251 : memref<80x128xi32, #tpu.memory_space<hbm>>) target(%arg6 : memref<80x128xi32, #tpu.memory_space<vmem>>) target_semaphore(%run_scoped3A_233 : memref<!tpu.dma_semaphore, #tpu.memory_space<semaphore_mem>>)
      %dma_wait3A_252 = arith.constant 0 : i32
      %dma_wait3A_253 = arith.constant 0 : i32
      %dma_wait3A_254 = arith.constant 0 : i32
      %dma_wait3A_255 = tpu.memref_slice %arg3[%run_scoped3A, %dma_wait3A_252, %dma_wait3A_253, %dma_wait3A_254] : memref<2x32x80x128xi32, #tpu.memory_space<hbm>> -> memref<1x32x80x128xi32, #tpu.memory_space<hbm>>
      %dma_wait3A_256 = tpu.memref_squeeze %dma_wait3A_255 : memref<1x32x80x128xi32, #tpu.memory_space<hbm>> -> memref<32x80x128xi32, #tpu.memory_space<hbm>>
      %dma_wait3A_257 = arith.constant 0 : i32
      %dma_wait3A_258 = arith.constant 0 : i32
      %dma_wait3A_259 = tpu.memref_slice %dma_wait3A_256[%add3A, %dma_wait3A_257, %dma_wait3A_258] : memref<32x80x128xi32, #tpu.memory_space<hbm>> -> memref<1x80x128xi32, #tpu.memory_space<hbm>>
      %dma_wait3A_260 = tpu.memref_squeeze %dma_wait3A_259 : memref<1x80x128xi32, #tpu.memory_space<hbm>> -> memref<80x128xi32, #tpu.memory_space<hbm>>
      %dma_wait3A_261 = arith.constant 0 : i32
      %dma_wait3A_262 = arith.constant 0 : i32
      %dma_wait3A_263 = arith.constant 0 : i32
      %dma_wait3A_264 = tpu.memref_slice %arg3[%run_scoped3A, %dma_wait3A_261, %dma_wait3A_262, %dma_wait3A_263] : memref<2x32x80x128xi32, #tpu.memory_space<hbm>> -> memref<1x32x80x128xi32, #tpu.memory_space<hbm>>
      %dma_wait3A_265 = tpu.memref_squeeze %dma_wait3A_264 : memref<1x32x80x128xi32, #tpu.memory_space<hbm>> -> memref<32x80x128xi32, #tpu.memory_space<hbm>>
      %dma_wait3A_266 = arith.constant 0 : i32
      %dma_wait3A_267 = arith.constant 0 : i32
      %dma_wait3A_268 = tpu.memref_slice %dma_wait3A_265[%add3A, %dma_wait3A_266, %dma_wait3A_267] : memref<32x80x128xi32, #tpu.memory_space<hbm>> -> memref<1x80x128xi32, #tpu.memory_space<hbm>>
      %dma_wait3A_269 = tpu.memref_squeeze %dma_wait3A_268 : memref<1x80x128xi32, #tpu.memory_space<hbm>> -> memref<80x128xi32, #tpu.memory_space<hbm>>
      tpu.wait_dma2 semaphore(%run_scoped3A_233 : memref<!tpu.dma_semaphore, #tpu.memory_space<semaphore_mem>>) src(%dma_wait3A_269 : memref<80x128xi32, #tpu.memory_space<hbm>>) dst(%arg6 : memref<80x128xi32, #tpu.memory_space<vmem>>)
      tpu.yield
    }) : () -> ()
    %run_scoped3A_1 = arith.constant 1 : i32
    "tpu.region"() ({
      %run_scoped3A_233 = tpu.sem_alloc : memref<!tpu.dma_semaphore, #tpu.memory_space<semaphore_mem>>
      %dma_start3A_234 = arith.constant 0 : i32
      %dma_start3A_235 = arith.constant 0 : i32
      %dma_start3A_236 = arith.constant 0 : i32
      %dma_start3A_237 = tpu.memref_slice %arg3[%run_scoped3A_1, %dma_start3A_234, %dma_start3A_235, %dma_start3A_236] : memref<2x32x80x128xi32, #tpu.memory_space<hbm>> -> memref<1x32x80x128xi32, #tpu.memory_space<hbm>>
      %dma_start3A_238 = tpu.memref_squeeze %dma_start3A_237 : memref<1x32x80x128xi32, #tpu.memory_space<hbm>> -> memref<32x80x128xi32, #tpu.memory_space<hbm>>
      %dma_start3A_239 = arith.constant 0 : i32
      %dma_start3A_240 = arith.constant 0 : i32
      %dma_start3A_241 = tpu.memref_slice %dma_start3A_238[%add3A, %dma_start3A_239, %dma_start3A_240] : memref<32x80x128xi32, #tpu.memory_space<hbm>> -> memref<1x80x128xi32, #tpu.memory_space<hbm>>
      %dma_start3A_242 = tpu.memref_squeeze %dma_start3A_241 : memref<1x80x128xi32, #tpu.memory_space<hbm>> -> memref<80x128xi32, #tpu.memory_space<hbm>>
      %dma_start3A_243 = arith.constant 0 : i32
      %dma_start3A_244 = arith.constant 0 : i32
      %dma_start3A_245 = arith.constant 0 : i32
      %dma_start3A_246 = tpu.memref_slice %arg3[%run_scoped3A_1, %dma_start3A_243, %dma_start3A_244, %dma_start3A_245] : memref<2x32x80x128xi32, #tpu.memory_space<hbm>> -> memref<1x32x80x128xi32, #tpu.memory_space<hbm>>
      %dma_start3A_247 = tpu.memref_squeeze %dma_start3A_246 : memref<1x32x80x128xi32, #tpu.memory_space<hbm>> -> memref<32x80x128xi32, #tpu.memory_space<hbm>>
      %dma_start3A_248 = arith.constant 0 : i32
      %dma_start3A_249 = arith.constant 0 : i32
      %dma_start3A_250 = tpu.memref_slice %dma_start3A_247[%add3A, %dma_start3A_248, %dma_start3A_249] : memref<32x80x128xi32, #tpu.memory_space<hbm>> -> memref<1x80x128xi32, #tpu.memory_space<hbm>>
      %dma_start3A_251 = tpu.memref_squeeze %dma_start3A_250 : memref<1x80x128xi32, #tpu.memory_space<hbm>> -> memref<80x128xi32, #tpu.memory_space<hbm>>
      tpu.enqueue_dma source(%dma_start3A_251 : memref<80x128xi32, #tpu.memory_space<hbm>>) target(%arg7 : memref<80x128xi32, #tpu.memory_space<vmem>>) target_semaphore(%run_scoped3A_233 : memref<!tpu.dma_semaphore, #tpu.memory_space<semaphore_mem>>)
      %dma_wait3A_252 = arith.constant 0 : i32
      %dma_wait3A_253 = arith.constant 0 : i32
      %dma_wait3A_254 = arith.constant 0 : i32
      %dma_wait3A_255 = tpu.memref_slice %arg3[%run_scoped3A_1, %dma_wait3A_252, %dma_wait3A_253, %dma_wait3A_254] : memref<2x32x80x128xi32, #tpu.memory_space<hbm>> -> memref<1x32x80x128xi32, #tpu.memory_space<hbm>>
      %dma_wait3A_256 = tpu.memref_squeeze %dma_wait3A_255 : memref<1x32x80x128xi32, #tpu.memory_space<hbm>> -> memref<32x80x128xi32, #tpu.memory_space<hbm>>
      %dma_wait3A_257 = arith.constant 0 : i32
      %dma_wait3A_258 = arith.constant 0 : i32
      %dma_wait3A_259 = tpu.memref_slice %dma_wait3A_256[%add3A, %dma_wait3A_257, %dma_wait3A_258] : memref<32x80x128xi32, #tpu.memory_space<hbm>> -> memref<1x80x128xi32, #tpu.memory_space<hbm>>
      %dma_wait3A_260 = tpu.memref_squeeze %dma_wait3A_259 : memref<1x80x128xi32, #tpu.memory_space<hbm>> -> memref<80x128xi32, #tpu.memory_space<hbm>>
      %dma_wait3A_261 = arith.constant 0 : i32
      %dma_wait3A_262 = arith.constant 0 : i32
      %dma_wait3A_263 = arith.constant 0 : i32
      %dma_wait3A_264 = tpu.memref_slice %arg3[%run_scoped3A_1, %dma_wait3A_261, %dma_wait3A_262, %dma_wait3A_263] : memref<2x32x80x128xi32, #tpu.memory_space<hbm>> -> memref<1x32x80x128xi32, #tpu.memory_space<hbm>>
      %dma_wait3A_265 = tpu.memref_squeeze %dma_wait3A_264 : memref<1x32x80x128xi32, #tpu.memory_space<hbm>> -> memref<32x80x128xi32, #tpu.memory_space<hbm>>
      %dma_wait3A_266 = arith.constant 0 : i32
      %dma_wait3A_267 = arith.constant 0 : i32
      %dma_wait3A_268 = tpu.memref_slice %dma_wait3A_265[%add3A, %dma_wait3A_266, %dma_wait3A_267] : memref<32x80x128xi32, #tpu.memory_space<hbm>> -> memref<1x80x128xi32, #tpu.memory_space<hbm>>
      %dma_wait3A_269 = tpu.memref_squeeze %dma_wait3A_268 : memref<1x80x128xi32, #tpu.memory_space<hbm>> -> memref<80x128xi32, #tpu.memory_space<hbm>>
      tpu.wait_dma2 semaphore(%run_scoped3A_233 : memref<!tpu.dma_semaphore, #tpu.memory_space<semaphore_mem>>) src(%dma_wait3A_269 : memref<80x128xi32, #tpu.memory_space<hbm>>) dst(%arg7 : memref<80x128xi32, #tpu.memory_space<vmem>>)
      tpu.yield
    }) : () -> ()
    %mul3A_2 = arith.constant 640 : i32
    %mul3A_3 = arith.muli %arg1, %mul3A_2 : i32
    "tpu.region"() ({
      %run_scoped3A_233 = tpu.sem_alloc : memref<!tpu.dma_semaphore, #tpu.memory_space<semaphore_mem>>
      %dma_start3A_234 = arith.constant 0 : i32
      %dma_start3A_235 = tpu.memref_slice %arg32[%mul3A_3, %dma_start3A_234] : memref<10240x16xf32, #tpu.memory_space<vmem_shared>> -> memref<640x16xf32, #tpu.memory_space<vmem_shared>>
      %dma_start3A_236 = arith.constant 0 : i32
      %dma_start3A_237 = tpu.memref_slice %arg4[%mul3A_3, %dma_start3A_236] : memref<10240x16xf32, #tpu.memory_space<hbm>> -> memref<640x16xf32, #tpu.memory_space<hbm>>
      tpu.enqueue_dma source(%dma_start3A_237 : memref<640x16xf32, #tpu.memory_space<hbm>>) target(%dma_start3A_235 : memref<640x16xf32, #tpu.memory_space<vmem_shared>>) target_semaphore(%run_scoped3A_233 : memref<!tpu.dma_semaphore, #tpu.memory_space<semaphore_mem>>)
      %dma_wait3A_238 = arith.constant 0 : i32
      %dma_wait3A_239 = tpu.memref_slice %arg32[%mul3A_3, %dma_wait3A_238] : memref<10240x16xf32, #tpu.memory_space<vmem_shared>> -> memref<640x16xf32, #tpu.memory_space<vmem_shared>>
      %dma_wait3A_240 = arith.constant 0 : i32
      %dma_wait3A_241 = tpu.memref_slice %arg4[%mul3A_3, %dma_wait3A_240] : memref<10240x16xf32, #tpu.memory_space<hbm>> -> memref<640x16xf32, #tpu.memory_space<hbm>>
      tpu.wait_dma2 semaphore(%run_scoped3A_233 : memref<!tpu.dma_semaphore, #tpu.memory_space<semaphore_mem>>) src(%dma_wait3A_241 : memref<640x16xf32, #tpu.memory_space<hbm>>) dst(%dma_wait3A_239 : memref<640x16xf32, #tpu.memory_space<vmem_shared>>)
      tpu.yield
    }) : () -> ()
    %barrier3A = arith.constant 0 : index
    tpu.barrier barrier_id(%barrier3A)
    %dma_start3A = arith.constant 0 : i32
    %dma_start3A_4 = arith.constant 0 : i32
    %dma_start3A_5 = tpu.memref_slice %arg6[%dma_start3A, %dma_start3A_4] : memref<80x128xi32, #tpu.memory_space<vmem>> -> memref<1x128xi32, #tpu.memory_space<vmem>>
    %dma_start3A_6 = tpu.memref_squeeze %dma_start3A_5 : memref<1x128xi32, #tpu.memory_space<vmem>> -> memref<128xi32, #tpu.memory_space<vmem>>
    %dma_start3A_7 = arith.constant 0 : i32
    %dma_start3A_8 = arith.constant 0 : i32
    %dma_start3A_9 = tpu.memref_slice %arg2[%dma_start3A_7, %dma_start3A_8] : memref<10000x16xf32, #tpu.memory_space<hbm>> -> memref<10000x16xf32, #tpu.memory_space<hbm>>
    tpu.enqueue_indirect_dma source(%dma_start3A_9 : memref<10000x16xf32, #tpu.memory_space<hbm>>) target(%arg8 : memref<128x16xf32, #tpu.memory_space<vmem>>) offsets(%dma_start3A_6 : memref<128xi32, #tpu.memory_space<vmem>>) semaphore(%arg16 : memref<!tpu.dma_semaphore, #tpu.memory_space<semaphore_mem>>)
    %dma_start3A_10 = arith.constant 1 : i32
    %dma_start3A_11 = arith.constant 0 : i32
    %dma_start3A_12 = tpu.memref_slice %arg6[%dma_start3A_10, %dma_start3A_11] : memref<80x128xi32, #tpu.memory_space<vmem>> -> memref<1x128xi32, #tpu.memory_space<vmem>>
    %dma_start3A_13 = tpu.memref_squeeze %dma_start3A_12 : memref<1x128xi32, #tpu.memory_space<vmem>> -> memref<128xi32, #tpu.memory_space<vmem>>
    %dma_start3A_14 = arith.constant 0 : i32
    %dma_start3A_15 = arith.constant 0 : i32
    %dma_start3A_16 = tpu.memref_slice %arg2[%dma_start3A_14, %dma_start3A_15] : memref<10000x16xf32, #tpu.memory_space<hbm>> -> memref<10000x16xf32, #tpu.memory_space<hbm>>
    tpu.enqueue_indirect_dma source(%dma_start3A_16 : memref<10000x16xf32, #tpu.memory_space<hbm>>) target(%arg9 : memref<128x16xf32, #tpu.memory_space<vmem>>) offsets(%dma_start3A_13 : memref<128xi32, #tpu.memory_space<vmem>>) semaphore(%arg17 : memref<!tpu.dma_semaphore, #tpu.memory_space<semaphore_mem>>)
    %dma_start3A_17 = arith.constant 2 : i32
    %dma_start3A_18 = arith.constant 0 : i32
    %dma_start3A_19 = tpu.memref_slice %arg6[%dma_start3A_17, %dma_start3A_18] : memref<80x128xi32, #tpu.memory_space<vmem>> -> memref<1x128xi32, #tpu.memory_space<vmem>>
    %dma_start3A_20 = tpu.memref_squeeze %dma_start3A_19 : memref<1x128xi32, #tpu.memory_space<vmem>> -> memref<128xi32, #tpu.memory_space<vmem>>
    %dma_start3A_21 = arith.constant 0 : i32
    %dma_start3A_22 = arith.constant 0 : i32
    %dma_start3A_23 = tpu.memref_slice %arg2[%dma_start3A_21, %dma_start3A_22] : memref<10000x16xf32, #tpu.memory_space<hbm>> -> memref<10000x16xf32, #tpu.memory_space<hbm>>
    tpu.enqueue_indirect_dma source(%dma_start3A_23 : memref<10000x16xf32, #tpu.memory_space<hbm>>) target(%arg10 : memref<128x16xf32, #tpu.memory_space<vmem>>) offsets(%dma_start3A_20 : memref<128xi32, #tpu.memory_space<vmem>>) semaphore(%arg18 : memref<!tpu.dma_semaphore, #tpu.memory_space<semaphore_mem>>)
    %dma_start3A_24 = arith.constant 3 : i32
    %dma_start3A_25 = arith.constant 0 : i32
    %dma_start3A_26 = tpu.memref_slice %arg6[%dma_start3A_24, %dma_start3A_25] : memref<80x128xi32, #tpu.memory_space<vmem>> -> memref<1x128xi32, #tpu.memory_space<vmem>>
    %dma_start3A_27 = tpu.memref_squeeze %dma_start3A_26 : memref<1x128xi32, #tpu.memory_space<vmem>> -> memref<128xi32, #tpu.memory_space<vmem>>
    %dma_start3A_28 = arith.constant 0 : i32
    %dma_start3A_29 = arith.constant 0 : i32
    %dma_start3A_30 = tpu.memref_slice %arg2[%dma_start3A_28, %dma_start3A_29] : memref<10000x16xf32, #tpu.memory_space<hbm>> -> memref<10000x16xf32, #tpu.memory_space<hbm>>
    tpu.enqueue_indirect_dma source(%dma_start3A_30 : memref<10000x16xf32, #tpu.memory_space<hbm>>) target(%arg11 : memref<128x16xf32, #tpu.memory_space<vmem>>) offsets(%dma_start3A_27 : memref<128xi32, #tpu.memory_space<vmem>>) semaphore(%arg19 : memref<!tpu.dma_semaphore, #tpu.memory_space<semaphore_mem>>)
    %dma_start3A_31 = arith.constant 4 : i32
    %dma_start3A_32 = arith.constant 0 : i32
    %dma_start3A_33 = tpu.memref_slice %arg6[%dma_start3A_31, %dma_start3A_32] : memref<80x128xi32, #tpu.memory_space<vmem>> -> memref<1x128xi32, #tpu.memory_space<vmem>>
    %dma_start3A_34 = tpu.memref_squeeze %dma_start3A_33 : memref<1x128xi32, #tpu.memory_space<vmem>> -> memref<128xi32, #tpu.memory_space<vmem>>
    %dma_start3A_35 = arith.constant 0 : i32
    %dma_start3A_36 = arith.constant 0 : i32
    %dma_start3A_37 = tpu.memref_slice %arg2[%dma_start3A_35, %dma_start3A_36] : memref<10000x16xf32, #tpu.memory_space<hbm>> -> memref<10000x16xf32, #tpu.memory_space<hbm>>
    tpu.enqueue_indirect_dma source(%dma_start3A_37 : memref<10000x16xf32, #tpu.memory_space<hbm>>) target(%arg12 : memref<128x16xf32, #tpu.memory_space<vmem>>) offsets(%dma_start3A_34 : memref<128xi32, #tpu.memory_space<vmem>>) semaphore(%arg20 : memref<!tpu.dma_semaphore, #tpu.memory_space<semaphore_mem>>)
    %dma_start3A_38 = arith.constant 5 : i32
    %dma_start3A_39 = arith.constant 0 : i32
    %dma_start3A_40 = tpu.memref_slice %arg6[%dma_start3A_38, %dma_start3A_39] : memref<80x128xi32, #tpu.memory_space<vmem>> -> memref<1x128xi32, #tpu.memory_space<vmem>>
    %dma_start3A_41 = tpu.memref_squeeze %dma_start3A_40 : memref<1x128xi32, #tpu.memory_space<vmem>> -> memref<128xi32, #tpu.memory_space<vmem>>
    %dma_start3A_42 = arith.constant 0 : i32
    %dma_start3A_43 = arith.constant 0 : i32
    %dma_start3A_44 = tpu.memref_slice %arg2[%dma_start3A_42, %dma_start3A_43] : memref<10000x16xf32, #tpu.memory_space<hbm>> -> memref<10000x16xf32, #tpu.memory_space<hbm>>
    tpu.enqueue_indirect_dma source(%dma_start3A_44 : memref<10000x16xf32, #tpu.memory_space<hbm>>) target(%arg13 : memref<128x16xf32, #tpu.memory_space<vmem>>) offsets(%dma_start3A_41 : memref<128xi32, #tpu.memory_space<vmem>>) semaphore(%arg21 : memref<!tpu.dma_semaphore, #tpu.memory_space<semaphore_mem>>)
    %dma_start3A_45 = arith.constant 6 : i32
    %dma_start3A_46 = arith.constant 0 : i32
    %dma_start3A_47 = tpu.memref_slice %arg6[%dma_start3A_45, %dma_start3A_46] : memref<80x128xi32, #tpu.memory_space<vmem>> -> memref<1x128xi32, #tpu.memory_space<vmem>>
    %dma_start3A_48 = tpu.memref_squeeze %dma_start3A_47 : memref<1x128xi32, #tpu.memory_space<vmem>> -> memref<128xi32, #tpu.memory_space<vmem>>
    %dma_start3A_49 = arith.constant 0 : i32
    %dma_start3A_50 = arith.constant 0 : i32
    %dma_start3A_51 = tpu.memref_slice %arg2[%dma_start3A_49, %dma_start3A_50] : memref<10000x16xf32, #tpu.memory_space<hbm>> -> memref<10000x16xf32, #tpu.memory_space<hbm>>
    tpu.enqueue_indirect_dma source(%dma_start3A_51 : memref<10000x16xf32, #tpu.memory_space<hbm>>) target(%arg14 : memref<128x16xf32, #tpu.memory_space<vmem>>) offsets(%dma_start3A_48 : memref<128xi32, #tpu.memory_space<vmem>>) semaphore(%arg22 : memref<!tpu.dma_semaphore, #tpu.memory_space<semaphore_mem>>)
    %dma_start3A_52 = arith.constant 7 : i32
    %dma_start3A_53 = arith.constant 0 : i32
    %dma_start3A_54 = tpu.memref_slice %arg6[%dma_start3A_52, %dma_start3A_53] : memref<80x128xi32, #tpu.memory_space<vmem>> -> memref<1x128xi32, #tpu.memory_space<vmem>>
    %dma_start3A_55 = tpu.memref_squeeze %dma_start3A_54 : memref<1x128xi32, #tpu.memory_space<vmem>> -> memref<128xi32, #tpu.memory_space<vmem>>
    %dma_start3A_56 = arith.constant 0 : i32
    %dma_start3A_57 = arith.constant 0 : i32
    %dma_start3A_58 = tpu.memref_slice %arg2[%dma_start3A_56, %dma_start3A_57] : memref<10000x16xf32, #tpu.memory_space<hbm>> -> memref<10000x16xf32, #tpu.memory_space<hbm>>
    tpu.enqueue_indirect_dma source(%dma_start3A_58 : memref<10000x16xf32, #tpu.memory_space<hbm>>) target(%arg15 : memref<128x16xf32, #tpu.memory_space<vmem>>) offsets(%dma_start3A_55 : memref<128xi32, #tpu.memory_space<vmem>>) semaphore(%arg23 : memref<!tpu.dma_semaphore, #tpu.memory_space<semaphore_mem>>)
    %scan3A = arith.constant 0 : i32
    %scan3A_59 = arith.constant 9 : i32
    %scan3A_60 = arith.addi %scan3A, %scan3A_59 : i32
    %scan3A_61 = arith.constant 1 : i32
    scf.for %scan3A_233 = %scan3A to %scan3A_60 step %scan3A_61  : i32 {
      %mul3A_234 = arith.constant 1 : i32
      %mul3A_235 = arith.muli %scan3A_233, %mul3A_234 : i32
      %add3A_236 = arith.constant 0 : i32
      %add3A_237 = arith.addi %add3A_236, %mul3A_235 : i32
      %mul3A_238 = arith.constant 8 : i32
      %mul3A_239 = arith.muli %add3A_237, %mul3A_238 : i32
      %add3A_240 = arith.constant 0 : i32
      %add3A_241 = arith.addi %mul3A_239, %add3A_240 : i32
      %dma_wait3A_242 = arith.constant 0 : i32
      %dma_wait3A_243 = tpu.memref_slice %arg6[%add3A_241, %dma_wait3A_242] : memref<80x128xi32, #tpu.memory_space<vmem>> -> memref<1x128xi32, #tpu.memory_space<vmem>>
      %dma_wait3A_244 = tpu.memref_squeeze %dma_wait3A_243 : memref<1x128xi32, #tpu.memory_space<vmem>> -> memref<128xi32, #tpu.memory_space<vmem>>
      %dma_wait3A_245 = arith.constant 0 : i32
      %dma_wait3A_246 = arith.constant 0 : i32
      %dma_wait3A_247 = tpu.memref_slice %arg2[%dma_wait3A_245, %dma_wait3A_246] : memref<10000x16xf32, #tpu.memory_space<hbm>> -> memref<10000x16xf32, #tpu.memory_space<hbm>>
      tpu.wait_indirect_dma semaphore(%arg16 : memref<!tpu.dma_semaphore, #tpu.memory_space<semaphore_mem>>) src(%dma_wait3A_247 : memref<10000x16xf32, #tpu.memory_space<hbm>>) dst(%arg8 : memref<128x16xf32, #tpu.memory_space<vmem>>)
      %add3A_248 = arith.constant 0 : i32
      %add3A_249 = arith.addi %mul3A_239, %add3A_248 : i32
      %dma_start3A_250 = arith.constant 0 : i32
      %dma_start3A_251 = tpu.memref_slice %arg7[%add3A_249, %dma_start3A_250] : memref<80x128xi32, #tpu.memory_space<vmem>> -> memref<1x128xi32, #tpu.memory_space<vmem>>
      %dma_start3A_252 = tpu.memref_squeeze %dma_start3A_251 : memref<1x128xi32, #tpu.memory_space<vmem>> -> memref<128xi32, #tpu.memory_space<vmem>>
      %dma_start3A_253 = arith.constant 0 : i32
      %dma_start3A_254 = arith.constant 0 : i32
      %dma_start3A_255 = tpu.memref_slice %arg32[%dma_start3A_253, %dma_start3A_254] : memref<10240x16xf32, #tpu.memory_space<vmem_shared>> -> memref<10240x16xf32, #tpu.memory_space<vmem_shared>>
      tpu.enqueue_indirect_dma source(%arg8 : memref<128x16xf32, #tpu.memory_space<vmem>>) target(%dma_start3A_255 : memref<10240x16xf32, #tpu.memory_space<vmem_shared>>) offsets(%dma_start3A_252 : memref<128xi32, #tpu.memory_space<vmem>>) semaphore(%arg24 : memref<!tpu.dma_semaphore, #tpu.memory_space<semaphore_mem>>) {add = true}
      %add3A_256 = arith.constant 1 : i32
      %add3A_257 = arith.addi %mul3A_239, %add3A_256 : i32
      %dma_wait3A_258 = arith.constant 0 : i32
      %dma_wait3A_259 = tpu.memref_slice %arg6[%add3A_257, %dma_wait3A_258] : memref<80x128xi32, #tpu.memory_space<vmem>> -> memref<1x128xi32, #tpu.memory_space<vmem>>
      %dma_wait3A_260 = tpu.memref_squeeze %dma_wait3A_259 : memref<1x128xi32, #tpu.memory_space<vmem>> -> memref<128xi32, #tpu.memory_space<vmem>>
      %dma_wait3A_261 = arith.constant 0 : i32
      %dma_wait3A_262 = arith.constant 0 : i32
      %dma_wait3A_263 = tpu.memref_slice %arg2[%dma_wait3A_261, %dma_wait3A_262] : memref<10000x16xf32, #tpu.memory_space<hbm>> -> memref<10000x16xf32, #tpu.memory_space<hbm>>
      tpu.wait_indirect_dma semaphore(%arg17 : memref<!tpu.dma_semaphore, #tpu.memory_space<semaphore_mem>>) src(%dma_wait3A_263 : memref<10000x16xf32, #tpu.memory_space<hbm>>) dst(%arg9 : memref<128x16xf32, #tpu.memory_space<vmem>>)
      %add3A_264 = arith.constant 1 : i32
      %add3A_265 = arith.addi %mul3A_239, %add3A_264 : i32
      %dma_start3A_266 = arith.constant 0 : i32
      %dma_start3A_267 = tpu.memref_slice %arg7[%add3A_265, %dma_start3A_266] : memref<80x128xi32, #tpu.memory_space<vmem>> -> memref<1x128xi32, #tpu.memory_space<vmem>>
      %dma_start3A_268 = tpu.memref_squeeze %dma_start3A_267 : memref<1x128xi32, #tpu.memory_space<vmem>> -> memref<128xi32, #tpu.memory_space<vmem>>
      %dma_start3A_269 = arith.constant 0 : i32
      %dma_start3A_270 = arith.constant 0 : i32
      %dma_start3A_271 = tpu.memref_slice %arg32[%dma_start3A_269, %dma_start3A_270] : memref<10240x16xf32, #tpu.memory_space<vmem_shared>> -> memref<10240x16xf32, #tpu.memory_space<vmem_shared>>
      tpu.enqueue_indirect_dma source(%arg9 : memref<128x16xf32, #tpu.memory_space<vmem>>) target(%dma_start3A_271 : memref<10240x16xf32, #tpu.memory_space<vmem_shared>>) offsets(%dma_start3A_268 : memref<128xi32, #tpu.memory_space<vmem>>) semaphore(%arg25 : memref<!tpu.dma_semaphore, #tpu.memory_space<semaphore_mem>>) {add = true}
      %add3A_272 = arith.constant 2 : i32
      %add3A_273 = arith.addi %mul3A_239, %add3A_272 : i32
      %dma_wait3A_274 = arith.constant 0 : i32
      %dma_wait3A_275 = tpu.memref_slice %arg6[%add3A_273, %dma_wait3A_274] : memref<80x128xi32, #tpu.memory_space<vmem>> -> memref<1x128xi32, #tpu.memory_space<vmem>>
      %dma_wait3A_276 = tpu.memref_squeeze %dma_wait3A_275 : memref<1x128xi32, #tpu.memory_space<vmem>> -> memref<128xi32, #tpu.memory_space<vmem>>
      %dma_wait3A_277 = arith.constant 0 : i32
      %dma_wait3A_278 = arith.constant 0 : i32
      %dma_wait3A_279 = tpu.memref_slice %arg2[%dma_wait3A_277, %dma_wait3A_278] : memref<10000x16xf32, #tpu.memory_space<hbm>> -> memref<10000x16xf32, #tpu.memory_space<hbm>>
      tpu.wait_indirect_dma semaphore(%arg18 : memref<!tpu.dma_semaphore, #tpu.memory_space<semaphore_mem>>) src(%dma_wait3A_279 : memref<10000x16xf32, #tpu.memory_space<hbm>>) dst(%arg10 : memref<128x16xf32, #tpu.memory_space<vmem>>)
      %add3A_280 = arith.constant 2 : i32
      %add3A_281 = arith.addi %mul3A_239, %add3A_280 : i32
      %dma_start3A_282 = arith.constant 0 : i32
      %dma_start3A_283 = tpu.memref_slice %arg7[%add3A_281, %dma_start3A_282] : memref<80x128xi32, #tpu.memory_space<vmem>> -> memref<1x128xi32, #tpu.memory_space<vmem>>
      %dma_start3A_284 = tpu.memref_squeeze %dma_start3A_283 : memref<1x128xi32, #tpu.memory_space<vmem>> -> memref<128xi32, #tpu.memory_space<vmem>>
      %dma_start3A_285 = arith.constant 0 : i32
      %dma_start3A_286 = arith.constant 0 : i32
      %dma_start3A_287 = tpu.memref_slice %arg32[%dma_start3A_285, %dma_start3A_286] : memref<10240x16xf32, #tpu.memory_space<vmem_shared>> -> memref<10240x16xf32, #tpu.memory_space<vmem_shared>>
      tpu.enqueue_indirect_dma source(%arg10 : memref<128x16xf32, #tpu.memory_space<vmem>>) target(%dma_start3A_287 : memref<10240x16xf32, #tpu.memory_space<vmem_shared>>) offsets(%dma_start3A_284 : memref<128xi32, #tpu.memory_space<vmem>>) semaphore(%arg26 : memref<!tpu.dma_semaphore, #tpu.memory_space<semaphore_mem>>) {add = true}
      %add3A_288 = arith.constant 3 : i32
      %add3A_289 = arith.addi %mul3A_239, %add3A_288 : i32
      %dma_wait3A_290 = arith.constant 0 : i32
      %dma_wait3A_291 = tpu.memref_slice %arg6[%add3A_289, %dma_wait3A_290] : memref<80x128xi32, #tpu.memory_space<vmem>> -> memref<1x128xi32, #tpu.memory_space<vmem>>
      %dma_wait3A_292 = tpu.memref_squeeze %dma_wait3A_291 : memref<1x128xi32, #tpu.memory_space<vmem>> -> memref<128xi32, #tpu.memory_space<vmem>>
      %dma_wait3A_293 = arith.constant 0 : i32
      %dma_wait3A_294 = arith.constant 0 : i32
      %dma_wait3A_295 = tpu.memref_slice %arg2[%dma_wait3A_293, %dma_wait3A_294] : memref<10000x16xf32, #tpu.memory_space<hbm>> -> memref<10000x16xf32, #tpu.memory_space<hbm>>
      tpu.wait_indirect_dma semaphore(%arg19 : memref<!tpu.dma_semaphore, #tpu.memory_space<semaphore_mem>>) src(%dma_wait3A_295 : memref<10000x16xf32, #tpu.memory_space<hbm>>) dst(%arg11 : memref<128x16xf32, #tpu.memory_space<vmem>>)
      %add3A_296 = arith.constant 3 : i32
      %add3A_297 = arith.addi %mul3A_239, %add3A_296 : i32
      %dma_start3A_298 = arith.constant 0 : i32
      %dma_start3A_299 = tpu.memref_slice %arg7[%add3A_297, %dma_start3A_298] : memref<80x128xi32, #tpu.memory_space<vmem>> -> memref<1x128xi32, #tpu.memory_space<vmem>>
      %dma_start3A_300 = tpu.memref_squeeze %dma_start3A_299 : memref<1x128xi32, #tpu.memory_space<vmem>> -> memref<128xi32, #tpu.memory_space<vmem>>
      %dma_start3A_301 = arith.constant 0 : i32
      %dma_start3A_302 = arith.constant 0 : i32
      %dma_start3A_303 = tpu.memref_slice %arg32[%dma_start3A_301, %dma_start3A_302] : memref<10240x16xf32, #tpu.memory_space<vmem_shared>> -> memref<10240x16xf32, #tpu.memory_space<vmem_shared>>
      tpu.enqueue_indirect_dma source(%arg11 : memref<128x16xf32, #tpu.memory_space<vmem>>) target(%dma_start3A_303 : memref<10240x16xf32, #tpu.memory_space<vmem_shared>>) offsets(%dma_start3A_300 : memref<128xi32, #tpu.memory_space<vmem>>) semaphore(%arg27 : memref<!tpu.dma_semaphore, #tpu.memory_space<semaphore_mem>>) {add = true}
      %add3A_304 = arith.constant 4 : i32
      %add3A_305 = arith.addi %mul3A_239, %add3A_304 : i32
      %dma_wait3A_306 = arith.constant 0 : i32
      %dma_wait3A_307 = tpu.memref_slice %arg6[%add3A_305, %dma_wait3A_306] : memref<80x128xi32, #tpu.memory_space<vmem>> -> memref<1x128xi32, #tpu.memory_space<vmem>>
      %dma_wait3A_308 = tpu.memref_squeeze %dma_wait3A_307 : memref<1x128xi32, #tpu.memory_space<vmem>> -> memref<128xi32, #tpu.memory_space<vmem>>
      %dma_wait3A_309 = arith.constant 0 : i32
      %dma_wait3A_310 = arith.constant 0 : i32
      %dma_wait3A_311 = tpu.memref_slice %arg2[%dma_wait3A_309, %dma_wait3A_310] : memref<10000x16xf32, #tpu.memory_space<hbm>> -> memref<10000x16xf32, #tpu.memory_space<hbm>>
      tpu.wait_indirect_dma semaphore(%arg20 : memref<!tpu.dma_semaphore, #tpu.memory_space<semaphore_mem>>) src(%dma_wait3A_311 : memref<10000x16xf32, #tpu.memory_space<hbm>>) dst(%arg12 : memref<128x16xf32, #tpu.memory_space<vmem>>)
      %add3A_312 = arith.constant 4 : i32
      %add3A_313 = arith.addi %mul3A_239, %add3A_312 : i32
      %dma_start3A_314 = arith.constant 0 : i32
      %dma_start3A_315 = tpu.memref_slice %arg7[%add3A_313, %dma_start3A_314] : memref<80x128xi32, #tpu.memory_space<vmem>> -> memref<1x128xi32, #tpu.memory_space<vmem>>
      %dma_start3A_316 = tpu.memref_squeeze %dma_start3A_315 : memref<1x128xi32, #tpu.memory_space<vmem>> -> memref<128xi32, #tpu.memory_space<vmem>>
      %dma_start3A_317 = arith.constant 0 : i32
      %dma_start3A_318 = arith.constant 0 : i32
      %dma_start3A_319 = tpu.memref_slice %arg32[%dma_start3A_317, %dma_start3A_318] : memref<10240x16xf32, #tpu.memory_space<vmem_shared>> -> memref<10240x16xf32, #tpu.memory_space<vmem_shared>>
      tpu.enqueue_indirect_dma source(%arg12 : memref<128x16xf32, #tpu.memory_space<vmem>>) target(%dma_start3A_319 : memref<10240x16xf32, #tpu.memory_space<vmem_shared>>) offsets(%dma_start3A_316 : memref<128xi32, #tpu.memory_space<vmem>>) semaphore(%arg28 : memref<!tpu.dma_semaphore, #tpu.memory_space<semaphore_mem>>) {add = true}
      %add3A_320 = arith.constant 5 : i32
      %add3A_321 = arith.addi %mul3A_239, %add3A_320 : i32
      %dma_wait3A_322 = arith.constant 0 : i32
      %dma_wait3A_323 = tpu.memref_slice %arg6[%add3A_321, %dma_wait3A_322] : memref<80x128xi32, #tpu.memory_space<vmem>> -> memref<1x128xi32, #tpu.memory_space<vmem>>
      %dma_wait3A_324 = tpu.memref_squeeze %dma_wait3A_323 : memref<1x128xi32, #tpu.memory_space<vmem>> -> memref<128xi32, #tpu.memory_space<vmem>>
      %dma_wait3A_325 = arith.constant 0 : i32
      %dma_wait3A_326 = arith.constant 0 : i32
      %dma_wait3A_327 = tpu.memref_slice %arg2[%dma_wait3A_325, %dma_wait3A_326] : memref<10000x16xf32, #tpu.memory_space<hbm>> -> memref<10000x16xf32, #tpu.memory_space<hbm>>
      tpu.wait_indirect_dma semaphore(%arg21 : memref<!tpu.dma_semaphore, #tpu.memory_space<semaphore_mem>>) src(%dma_wait3A_327 : memref<10000x16xf32, #tpu.memory_space<hbm>>) dst(%arg13 : memref<128x16xf32, #tpu.memory_space<vmem>>)
      %add3A_328 = arith.constant 5 : i32
      %add3A_329 = arith.addi %mul3A_239, %add3A_328 : i32
      %dma_start3A_330 = arith.constant 0 : i32
      %dma_start3A_331 = tpu.memref_slice %arg7[%add3A_329, %dma_start3A_330] : memref<80x128xi32, #tpu.memory_space<vmem>> -> memref<1x128xi32, #tpu.memory_space<vmem>>
      %dma_start3A_332 = tpu.memref_squeeze %dma_start3A_331 : memref<1x128xi32, #tpu.memory_space<vmem>> -> memref<128xi32, #tpu.memory_space<vmem>>
      %dma_start3A_333 = arith.constant 0 : i32
      %dma_start3A_334 = arith.constant 0 : i32
      %dma_start3A_335 = tpu.memref_slice %arg32[%dma_start3A_333, %dma_start3A_334] : memref<10240x16xf32, #tpu.memory_space<vmem_shared>> -> memref<10240x16xf32, #tpu.memory_space<vmem_shared>>
      tpu.enqueue_indirect_dma source(%arg13 : memref<128x16xf32, #tpu.memory_space<vmem>>) target(%dma_start3A_335 : memref<10240x16xf32, #tpu.memory_space<vmem_shared>>) offsets(%dma_start3A_332 : memref<128xi32, #tpu.memory_space<vmem>>) semaphore(%arg29 : memref<!tpu.dma_semaphore, #tpu.memory_space<semaphore_mem>>) {add = true}
      %add3A_336 = arith.constant 6 : i32
      %add3A_337 = arith.addi %mul3A_239, %add3A_336 : i32
      %dma_wait3A_338 = arith.constant 0 : i32
      %dma_wait3A_339 = tpu.memref_slice %arg6[%add3A_337, %dma_wait3A_338] : memref<80x128xi32, #tpu.memory_space<vmem>> -> memref<1x128xi32, #tpu.memory_space<vmem>>
      %dma_wait3A_340 = tpu.memref_squeeze %dma_wait3A_339 : memref<1x128xi32, #tpu.memory_space<vmem>> -> memref<128xi32, #tpu.memory_space<vmem>>
      %dma_wait3A_341 = arith.constant 0 : i32
      %dma_wait3A_342 = arith.constant 0 : i32
      %dma_wait3A_343 = tpu.memref_slice %arg2[%dma_wait3A_341, %dma_wait3A_342] : memref<10000x16xf32, #tpu.memory_space<hbm>> -> memref<10000x16xf32, #tpu.memory_space<hbm>>
      tpu.wait_indirect_dma semaphore(%arg22 : memref<!tpu.dma_semaphore, #tpu.memory_space<semaphore_mem>>) src(%dma_wait3A_343 : memref<10000x16xf32, #tpu.memory_space<hbm>>) dst(%arg14 : memref<128x16xf32, #tpu.memory_space<vmem>>)
      %add3A_344 = arith.constant 6 : i32
      %add3A_345 = arith.addi %mul3A_239, %add3A_344 : i32
      %dma_start3A_346 = arith.constant 0 : i32
      %dma_start3A_347 = tpu.memref_slice %arg7[%add3A_345, %dma_start3A_346] : memref<80x128xi32, #tpu.memory_space<vmem>> -> memref<1x128xi32, #tpu.memory_space<vmem>>
      %dma_start3A_348 = tpu.memref_squeeze %dma_start3A_347 : memref<1x128xi32, #tpu.memory_space<vmem>> -> memref<128xi32, #tpu.memory_space<vmem>>
      %dma_start3A_349 = arith.constant 0 : i32
      %dma_start3A_350 = arith.constant 0 : i32
      %dma_start3A_351 = tpu.memref_slice %arg32[%dma_start3A_349, %dma_start3A_350] : memref<10240x16xf32, #tpu.memory_space<vmem_shared>> -> memref<10240x16xf32, #tpu.memory_space<vmem_shared>>
      tpu.enqueue_indirect_dma source(%arg14 : memref<128x16xf32, #tpu.memory_space<vmem>>) target(%dma_start3A_351 : memref<10240x16xf32, #tpu.memory_space<vmem_shared>>) offsets(%dma_start3A_348 : memref<128xi32, #tpu.memory_space<vmem>>) semaphore(%arg30 : memref<!tpu.dma_semaphore, #tpu.memory_space<semaphore_mem>>) {add = true}
      %add3A_352 = arith.constant 7 : i32
      %add3A_353 = arith.addi %mul3A_239, %add3A_352 : i32
      %dma_wait3A_354 = arith.constant 0 : i32
      %dma_wait3A_355 = tpu.memref_slice %arg6[%add3A_353, %dma_wait3A_354] : memref<80x128xi32, #tpu.memory_space<vmem>> -> memref<1x128xi32, #tpu.memory_space<vmem>>
      %dma_wait3A_356 = tpu.memref_squeeze %dma_wait3A_355 : memref<1x128xi32, #tpu.memory_space<vmem>> -> memref<128xi32, #tpu.memory_space<vmem>>
      %dma_wait3A_357 = arith.constant 0 : i32
      %dma_wait3A_358 = arith.constant 0 : i32
      %dma_wait3A_359 = tpu.memref_slice %arg2[%dma_wait3A_357, %dma_wait3A_358] : memref<10000x16xf32, #tpu.memory_space<hbm>> -> memref<10000x16xf32, #tpu.memory_space<hbm>>
      tpu.wait_indirect_dma semaphore(%arg23 : memref<!tpu.dma_semaphore, #tpu.memory_space<semaphore_mem>>) src(%dma_wait3A_359 : memref<10000x16xf32, #tpu.memory_space<hbm>>) dst(%arg15 : memref<128x16xf32, #tpu.memory_space<vmem>>)
      %add3A_360 = arith.constant 7 : i32
      %add3A_361 = arith.addi %mul3A_239, %add3A_360 : i32
      %dma_start3A_362 = arith.constant 0 : i32
      %dma_start3A_363 = tpu.memref_slice %arg7[%add3A_361, %dma_start3A_362] : memref<80x128xi32, #tpu.memory_space<vmem>> -> memref<1x128xi32, #tpu.memory_space<vmem>>
      %dma_start3A_364 = tpu.memref_squeeze %dma_start3A_363 : memref<1x128xi32, #tpu.memory_space<vmem>> -> memref<128xi32, #tpu.memory_space<vmem>>
      %dma_start3A_365 = arith.constant 0 : i32
      %dma_start3A_366 = arith.constant 0 : i32
      %dma_start3A_367 = tpu.memref_slice %arg32[%dma_start3A_365, %dma_start3A_366] : memref<10240x16xf32, #tpu.memory_space<vmem_shared>> -> memref<10240x16xf32, #tpu.memory_space<vmem_shared>>
      tpu.enqueue_indirect_dma source(%arg15 : memref<128x16xf32, #tpu.memory_space<vmem>>) target(%dma_start3A_367 : memref<10240x16xf32, #tpu.memory_space<vmem_shared>>) offsets(%dma_start3A_364 : memref<128xi32, #tpu.memory_space<vmem>>) semaphore(%arg31 : memref<!tpu.dma_semaphore, #tpu.memory_space<semaphore_mem>>) {add = true}
      %add3A_368 = arith.constant 0 : i32
      %add3A_369 = arith.addi %mul3A_239, %add3A_368 : i32
      %dma_wait3A_370 = arith.constant 0 : i32
      %dma_wait3A_371 = tpu.memref_slice %arg7[%add3A_369, %dma_wait3A_370] : memref<80x128xi32, #tpu.memory_space<vmem>> -> memref<1x128xi32, #tpu.memory_space<vmem>>
      %dma_wait3A_372 = tpu.memref_squeeze %dma_wait3A_371 : memref<1x128xi32, #tpu.memory_space<vmem>> -> memref<128xi32, #tpu.memory_space<vmem>>
      %dma_wait3A_373 = arith.constant 0 : i32
      %dma_wait3A_374 = arith.constant 0 : i32
      %dma_wait3A_375 = tpu.memref_slice %arg32[%dma_wait3A_373, %dma_wait3A_374] : memref<10240x16xf32, #tpu.memory_space<vmem_shared>> -> memref<10240x16xf32, #tpu.memory_space<vmem_shared>>
      tpu.wait_indirect_dma semaphore(%arg24 : memref<!tpu.dma_semaphore, #tpu.memory_space<semaphore_mem>>) src(%arg8 : memref<128x16xf32, #tpu.memory_space<vmem>>) dst(%dma_wait3A_375 : memref<10240x16xf32, #tpu.memory_space<vmem_shared>>)
      %add3A_376 = arith.constant 8 : i32
      %add3A_377 = arith.addi %mul3A_239, %add3A_376 : i32
      %add3A_378 = arith.constant 0 : i32
      %add3A_379 = arith.addi %add3A_377, %add3A_378 : i32
      %dma_start3A_380 = arith.constant 0 : i32
      %dma_start3A_381 = tpu.memref_slice %arg6[%add3A_379, %dma_start3A_380] : memref<80x128xi32, #tpu.memory_space<vmem>> -> memref<1x128xi32, #tpu.memory_space<vmem>>
      %dma_start3A_382 = tpu.memref_squeeze %dma_start3A_381 : memref<1x128xi32, #tpu.memory_space<vmem>> -> memref<128xi32, #tpu.memory_space<vmem>>
      %dma_start3A_383 = arith.constant 0 : i32
      %dma_start3A_384 = arith.constant 0 : i32
      %dma_start3A_385 = tpu.memref_slice %arg2[%dma_start3A_383, %dma_start3A_384] : memref<10000x16xf32, #tpu.memory_space<hbm>> -> memref<10000x16xf32, #tpu.memory_space<hbm>>
      tpu.enqueue_indirect_dma source(%dma_start3A_385 : memref<10000x16xf32, #tpu.memory_space<hbm>>) target(%arg8 : memref<128x16xf32, #tpu.memory_space<vmem>>) offsets(%dma_start3A_382 : memref<128xi32, #tpu.memory_space<vmem>>) semaphore(%arg16 : memref<!tpu.dma_semaphore, #tpu.memory_space<semaphore_mem>>)
      %add3A_386 = arith.constant 1 : i32
      %add3A_387 = arith.addi %mul3A_239, %add3A_386 : i32
      %dma_wait3A_388 = arith.constant 0 : i32
      %dma_wait3A_389 = tpu.memref_slice %arg7[%add3A_387, %dma_wait3A_388] : memref<80x128xi32, #tpu.memory_space<vmem>> -> memref<1x128xi32, #tpu.memory_space<vmem>>
      %dma_wait3A_390 = tpu.memref_squeeze %dma_wait3A_389 : memref<1x128xi32, #tpu.memory_space<vmem>> -> memref<128xi32, #tpu.memory_space<vmem>>
      %dma_wait3A_391 = arith.constant 0 : i32
      %dma_wait3A_392 = arith.constant 0 : i32
      %dma_wait3A_393 = tpu.memref_slice %arg32[%dma_wait3A_391, %dma_wait3A_392] : memref<10240x16xf32, #tpu.memory_space<vmem_shared>> -> memref<10240x16xf32, #tpu.memory_space<vmem_shared>>
      tpu.wait_indirect_dma semaphore(%arg25 : memref<!tpu.dma_semaphore, #tpu.memory_space<semaphore_mem>>) src(%arg9 : memref<128x16xf32, #tpu.memory_space<vmem>>) dst(%dma_wait3A_393 : memref<10240x16xf32, #tpu.memory_space<vmem_shared>>)
      %add3A_394 = arith.constant 8 : i32
      %add3A_395 = arith.addi %mul3A_239, %add3A_394 : i32
      %add3A_396 = arith.constant 1 : i32
      %add3A_397 = arith.addi %add3A_395, %add3A_396 : i32
      %dma_start3A_398 = arith.constant 0 : i32
      %dma_start3A_399 = tpu.memref_slice %arg6[%add3A_397, %dma_start3A_398] : memref<80x128xi32, #tpu.memory_space<vmem>> -> memref<1x128xi32, #tpu.memory_space<vmem>>
      %dma_start3A_400 = tpu.memref_squeeze %dma_start3A_399 : memref<1x128xi32, #tpu.memory_space<vmem>> -> memref<128xi32, #tpu.memory_space<vmem>>
      %dma_start3A_401 = arith.constant 0 : i32
      %dma_start3A_402 = arith.constant 0 : i32
      %dma_start3A_403 = tpu.memref_slice %arg2[%dma_start3A_401, %dma_start3A_402] : memref<10000x16xf32, #tpu.memory_space<hbm>> -> memref<10000x16xf32, #tpu.memory_space<hbm>>
      tpu.enqueue_indirect_dma source(%dma_start3A_403 : memref<10000x16xf32, #tpu.memory_space<hbm>>) target(%arg9 : memref<128x16xf32, #tpu.memory_space<vmem>>) offsets(%dma_start3A_400 : memref<128xi32, #tpu.memory_space<vmem>>) semaphore(%arg17 : memref<!tpu.dma_semaphore, #tpu.memory_space<semaphore_mem>>)
      %add3A_404 = arith.constant 2 : i32
      %add3A_405 = arith.addi %mul3A_239, %add3A_404 : i32
      %dma_wait3A_406 = arith.constant 0 : i32
      %dma_wait3A_407 = tpu.memref_slice %arg7[%add3A_405, %dma_wait3A_406] : memref<80x128xi32, #tpu.memory_space<vmem>> -> memref<1x128xi32, #tpu.memory_space<vmem>>
      %dma_wait3A_408 = tpu.memref_squeeze %dma_wait3A_407 : memref<1x128xi32, #tpu.memory_space<vmem>> -> memref<128xi32, #tpu.memory_space<vmem>>
      %dma_wait3A_409 = arith.constant 0 : i32
      %dma_wait3A_410 = arith.constant 0 : i32
      %dma_wait3A_411 = tpu.memref_slice %arg32[%dma_wait3A_409, %dma_wait3A_410] : memref<10240x16xf32, #tpu.memory_space<vmem_shared>> -> memref<10240x16xf32, #tpu.memory_space<vmem_shared>>
      tpu.wait_indirect_dma semaphore(%arg26 : memref<!tpu.dma_semaphore, #tpu.memory_space<semaphore_mem>>) src(%arg10 : memref<128x16xf32, #tpu.memory_space<vmem>>) dst(%dma_wait3A_411 : memref<10240x16xf32, #tpu.memory_space<vmem_shared>>)
      %add3A_412 = arith.constant 8 : i32
      %add3A_413 = arith.addi %mul3A_239, %add3A_412 : i32
      %add3A_414 = arith.constant 2 : i32
      %add3A_415 = arith.addi %add3A_413, %add3A_414 : i32
      %dma_start3A_416 = arith.constant 0 : i32
      %dma_start3A_417 = tpu.memref_slice %arg6[%add3A_415, %dma_start3A_416] : memref<80x128xi32, #tpu.memory_space<vmem>> -> memref<1x128xi32, #tpu.memory_space<vmem>>
      %dma_start3A_418 = tpu.memref_squeeze %dma_start3A_417 : memref<1x128xi32, #tpu.memory_space<vmem>> -> memref<128xi32, #tpu.memory_space<vmem>>
      %dma_start3A_419 = arith.constant 0 : i32
      %dma_start3A_420 = arith.constant 0 : i32
      %dma_start3A_421 = tpu.memref_slice %arg2[%dma_start3A_419, %dma_start3A_420] : memref<10000x16xf32, #tpu.memory_space<hbm>> -> memref<10000x16xf32, #tpu.memory_space<hbm>>
      tpu.enqueue_indirect_dma source(%dma_start3A_421 : memref<10000x16xf32, #tpu.memory_space<hbm>>) target(%arg10 : memref<128x16xf32, #tpu.memory_space<vmem>>) offsets(%dma_start3A_418 : memref<128xi32, #tpu.memory_space<vmem>>) semaphore(%arg18 : memref<!tpu.dma_semaphore, #tpu.memory_space<semaphore_mem>>)
      %add3A_422 = arith.constant 3 : i32
      %add3A_423 = arith.addi %mul3A_239, %add3A_422 : i32
      %dma_wait3A_424 = arith.constant 0 : i32
      %dma_wait3A_425 = tpu.memref_slice %arg7[%add3A_423, %dma_wait3A_424] : memref<80x128xi32, #tpu.memory_space<vmem>> -> memref<1x128xi32, #tpu.memory_space<vmem>>
      %dma_wait3A_426 = tpu.memref_squeeze %dma_wait3A_425 : memref<1x128xi32, #tpu.memory_space<vmem>> -> memref<128xi32, #tpu.memory_space<vmem>>
      %dma_wait3A_427 = arith.constant 0 : i32
      %dma_wait3A_428 = arith.constant 0 : i32
      %dma_wait3A_429 = tpu.memref_slice %arg32[%dma_wait3A_427, %dma_wait3A_428] : memref<10240x16xf32, #tpu.memory_space<vmem_shared>> -> memref<10240x16xf32, #tpu.memory_space<vmem_shared>>
      tpu.wait_indirect_dma semaphore(%arg27 : memref<!tpu.dma_semaphore, #tpu.memory_space<semaphore_mem>>) src(%arg11 : memref<128x16xf32, #tpu.memory_space<vmem>>) dst(%dma_wait3A_429 : memref<10240x16xf32, #tpu.memory_space<vmem_shared>>)
      %add3A_430 = arith.constant 8 : i32
      %add3A_431 = arith.addi %mul3A_239, %add3A_430 : i32
      %add3A_432 = arith.constant 3 : i32
      %add3A_433 = arith.addi %add3A_431, %add3A_432 : i32
      %dma_start3A_434 = arith.constant 0 : i32
      %dma_start3A_435 = tpu.memref_slice %arg6[%add3A_433, %dma_start3A_434] : memref<80x128xi32, #tpu.memory_space<vmem>> -> memref<1x128xi32, #tpu.memory_space<vmem>>
      %dma_start3A_436 = tpu.memref_squeeze %dma_start3A_435 : memref<1x128xi32, #tpu.memory_space<vmem>> -> memref<128xi32, #tpu.memory_space<vmem>>
      %dma_start3A_437 = arith.constant 0 : i32
      %dma_start3A_438 = arith.constant 0 : i32
      %dma_start3A_439 = tpu.memref_slice %arg2[%dma_start3A_437, %dma_start3A_438] : memref<10000x16xf32, #tpu.memory_space<hbm>> -> memref<10000x16xf32, #tpu.memory_space<hbm>>
      tpu.enqueue_indirect_dma source(%dma_start3A_439 : memref<10000x16xf32, #tpu.memory_space<hbm>>) target(%arg11 : memref<128x16xf32, #tpu.memory_space<vmem>>) offsets(%dma_start3A_436 : memref<128xi32, #tpu.memory_space<vmem>>) semaphore(%arg19 : memref<!tpu.dma_semaphore, #tpu.memory_space<semaphore_mem>>)
      %add3A_440 = arith.constant 4 : i32
      %add3A_441 = arith.addi %mul3A_239, %add3A_440 : i32
      %dma_wait3A_442 = arith.constant 0 : i32
      %dma_wait3A_443 = tpu.memref_slice %arg7[%add3A_441, %dma_wait3A_442] : memref<80x128xi32, #tpu.memory_space<vmem>> -> memref<1x128xi32, #tpu.memory_space<vmem>>
      %dma_wait3A_444 = tpu.memref_squeeze %dma_wait3A_443 : memref<1x128xi32, #tpu.memory_space<vmem>> -> memref<128xi32, #tpu.memory_space<vmem>>
      %dma_wait3A_445 = arith.constant 0 : i32
      %dma_wait3A_446 = arith.constant 0 : i32
      %dma_wait3A_447 = tpu.memref_slice %arg32[%dma_wait3A_445, %dma_wait3A_446] : memref<10240x16xf32, #tpu.memory_space<vmem_shared>> -> memref<10240x16xf32, #tpu.memory_space<vmem_shared>>
      tpu.wait_indirect_dma semaphore(%arg28 : memref<!tpu.dma_semaphore, #tpu.memory_space<semaphore_mem>>) src(%arg12 : memref<128x16xf32, #tpu.memory_space<vmem>>) dst(%dma_wait3A_447 : memref<10240x16xf32, #tpu.memory_space<vmem_shared>>)
      %add3A_448 = arith.constant 8 : i32
      %add3A_449 = arith.addi %mul3A_239, %add3A_448 : i32
      %add3A_450 = arith.constant 4 : i32
      %add3A_451 = arith.addi %add3A_449, %add3A_450 : i32
      %dma_start3A_452 = arith.constant 0 : i32
      %dma_start3A_453 = tpu.memref_slice %arg6[%add3A_451, %dma_start3A_452] : memref<80x128xi32, #tpu.memory_space<vmem>> -> memref<1x128xi32, #tpu.memory_space<vmem>>
      %dma_start3A_454 = tpu.memref_squeeze %dma_start3A_453 : memref<1x128xi32, #tpu.memory_space<vmem>> -> memref<128xi32, #tpu.memory_space<vmem>>
      %dma_start3A_455 = arith.constant 0 : i32
      %dma_start3A_456 = arith.constant 0 : i32
      %dma_start3A_457 = tpu.memref_slice %arg2[%dma_start3A_455, %dma_start3A_456] : memref<10000x16xf32, #tpu.memory_space<hbm>> -> memref<10000x16xf32, #tpu.memory_space<hbm>>
      tpu.enqueue_indirect_dma source(%dma_start3A_457 : memref<10000x16xf32, #tpu.memory_space<hbm>>) target(%arg12 : memref<128x16xf32, #tpu.memory_space<vmem>>) offsets(%dma_start3A_454 : memref<128xi32, #tpu.memory_space<vmem>>) semaphore(%arg20 : memref<!tpu.dma_semaphore, #tpu.memory_space<semaphore_mem>>)
      %add3A_458 = arith.constant 5 : i32
      %add3A_459 = arith.addi %mul3A_239, %add3A_458 : i32
      %dma_wait3A_460 = arith.constant 0 : i32
      %dma_wait3A_461 = tpu.memref_slice %arg7[%add3A_459, %dma_wait3A_460] : memref<80x128xi32, #tpu.memory_space<vmem>> -> memref<1x128xi32, #tpu.memory_space<vmem>>
      %dma_wait3A_462 = tpu.memref_squeeze %dma_wait3A_461 : memref<1x128xi32, #tpu.memory_space<vmem>> -> memref<128xi32, #tpu.memory_space<vmem>>
      %dma_wait3A_463 = arith.constant 0 : i32
      %dma_wait3A_464 = arith.constant 0 : i32
      %dma_wait3A_465 = tpu.memref_slice %arg32[%dma_wait3A_463, %dma_wait3A_464] : memref<10240x16xf32, #tpu.memory_space<vmem_shared>> -> memref<10240x16xf32, #tpu.memory_space<vmem_shared>>
      tpu.wait_indirect_dma semaphore(%arg29 : memref<!tpu.dma_semaphore, #tpu.memory_space<semaphore_mem>>) src(%arg13 : memref<128x16xf32, #tpu.memory_space<vmem>>) dst(%dma_wait3A_465 : memref<10240x16xf32, #tpu.memory_space<vmem_shared>>)
      %add3A_466 = arith.constant 8 : i32
      %add3A_467 = arith.addi %mul3A_239, %add3A_466 : i32
      %add3A_468 = arith.constant 5 : i32
      %add3A_469 = arith.addi %add3A_467, %add3A_468 : i32
      %dma_start3A_470 = arith.constant 0 : i32
      %dma_start3A_471 = tpu.memref_slice %arg6[%add3A_469, %dma_start3A_470] : memref<80x128xi32, #tpu.memory_space<vmem>> -> memref<1x128xi32, #tpu.memory_space<vmem>>
      %dma_start3A_472 = tpu.memref_squeeze %dma_start3A_471 : memref<1x128xi32, #tpu.memory_space<vmem>> -> memref<128xi32, #tpu.memory_space<vmem>>
      %dma_start3A_473 = arith.constant 0 : i32
      %dma_start3A_474 = arith.constant 0 : i32
      %dma_start3A_475 = tpu.memref_slice %arg2[%dma_start3A_473, %dma_start3A_474] : memref<10000x16xf32, #tpu.memory_space<hbm>> -> memref<10000x16xf32, #tpu.memory_space<hbm>>
      tpu.enqueue_indirect_dma source(%dma_start3A_475 : memref<10000x16xf32, #tpu.memory_space<hbm>>) target(%arg13 : memref<128x16xf32, #tpu.memory_space<vmem>>) offsets(%dma_start3A_472 : memref<128xi32, #tpu.memory_space<vmem>>) semaphore(%arg21 : memref<!tpu.dma_semaphore, #tpu.memory_space<semaphore_mem>>)
      %add3A_476 = arith.constant 6 : i32
      %add3A_477 = arith.addi %mul3A_239, %add3A_476 : i32
      %dma_wait3A_478 = arith.constant 0 : i32
      %dma_wait3A_479 = tpu.memref_slice %arg7[%add3A_477, %dma_wait3A_478] : memref<80x128xi32, #tpu.memory_space<vmem>> -> memref<1x128xi32, #tpu.memory_space<vmem>>
      %dma_wait3A_480 = tpu.memref_squeeze %dma_wait3A_479 : memref<1x128xi32, #tpu.memory_space<vmem>> -> memref<128xi32, #tpu.memory_space<vmem>>
      %dma_wait3A_481 = arith.constant 0 : i32
      %dma_wait3A_482 = arith.constant 0 : i32
      %dma_wait3A_483 = tpu.memref_slice %arg32[%dma_wait3A_481, %dma_wait3A_482] : memref<10240x16xf32, #tpu.memory_space<vmem_shared>> -> memref<10240x16xf32, #tpu.memory_space<vmem_shared>>
      tpu.wait_indirect_dma semaphore(%arg30 : memref<!tpu.dma_semaphore, #tpu.memory_space<semaphore_mem>>) src(%arg14 : memref<128x16xf32, #tpu.memory_space<vmem>>) dst(%dma_wait3A_483 : memref<10240x16xf32, #tpu.memory_space<vmem_shared>>)
      %add3A_484 = arith.constant 8 : i32
      %add3A_485 = arith.addi %mul3A_239, %add3A_484 : i32
      %add3A_486 = arith.constant 6 : i32
      %add3A_487 = arith.addi %add3A_485, %add3A_486 : i32
      %dma_start3A_488 = arith.constant 0 : i32
      %dma_start3A_489 = tpu.memref_slice %arg6[%add3A_487, %dma_start3A_488] : memref<80x128xi32, #tpu.memory_space<vmem>> -> memref<1x128xi32, #tpu.memory_space<vmem>>
      %dma_start3A_490 = tpu.memref_squeeze %dma_start3A_489 : memref<1x128xi32, #tpu.memory_space<vmem>> -> memref<128xi32, #tpu.memory_space<vmem>>
      %dma_start3A_491 = arith.constant 0 : i32
      %dma_start3A_492 = arith.constant 0 : i32
      %dma_start3A_493 = tpu.memref_slice %arg2[%dma_start3A_491, %dma_start3A_492] : memref<10000x16xf32, #tpu.memory_space<hbm>> -> memref<10000x16xf32, #tpu.memory_space<hbm>>
      tpu.enqueue_indirect_dma source(%dma_start3A_493 : memref<10000x16xf32, #tpu.memory_space<hbm>>) target(%arg14 : memref<128x16xf32, #tpu.memory_space<vmem>>) offsets(%dma_start3A_490 : memref<128xi32, #tpu.memory_space<vmem>>) semaphore(%arg22 : memref<!tpu.dma_semaphore, #tpu.memory_space<semaphore_mem>>)
      %add3A_494 = arith.constant 7 : i32
      %add3A_495 = arith.addi %mul3A_239, %add3A_494 : i32
      %dma_wait3A_496 = arith.constant 0 : i32
      %dma_wait3A_497 = tpu.memref_slice %arg7[%add3A_495, %dma_wait3A_496] : memref<80x128xi32, #tpu.memory_space<vmem>> -> memref<1x128xi32, #tpu.memory_space<vmem>>
      %dma_wait3A_498 = tpu.memref_squeeze %dma_wait3A_497 : memref<1x128xi32, #tpu.memory_space<vmem>> -> memref<128xi32, #tpu.memory_space<vmem>>
      %dma_wait3A_499 = arith.constant 0 : i32
      %dma_wait3A_500 = arith.constant 0 : i32
      %dma_wait3A_501 = tpu.memref_slice %arg32[%dma_wait3A_499, %dma_wait3A_500] : memref<10240x16xf32, #tpu.memory_space<vmem_shared>> -> memref<10240x16xf32, #tpu.memory_space<vmem_shared>>
      tpu.wait_indirect_dma semaphore(%arg31 : memref<!tpu.dma_semaphore, #tpu.memory_space<semaphore_mem>>) src(%arg15 : memref<128x16xf32, #tpu.memory_space<vmem>>) dst(%dma_wait3A_501 : memref<10240x16xf32, #tpu.memory_space<vmem_shared>>)
      %add3A_502 = arith.constant 8 : i32
      %add3A_503 = arith.addi %mul3A_239, %add3A_502 : i32
      %add3A_504 = arith.constant 7 : i32
      %add3A_505 = arith.addi %add3A_503, %add3A_504 : i32
      %dma_start3A_506 = arith.constant 0 : i32
      %dma_start3A_507 = tpu.memref_slice %arg6[%add3A_505, %dma_start3A_506] : memref<80x128xi32, #tpu.memory_space<vmem>> -> memref<1x128xi32, #tpu.memory_space<vmem>>
      %dma_start3A_508 = tpu.memref_squeeze %dma_start3A_507 : memref<1x128xi32, #tpu.memory_space<vmem>> -> memref<128xi32, #tpu.memory_space<vmem>>
      %dma_start3A_509 = arith.constant 0 : i32
      %dma_start3A_510 = arith.constant 0 : i32
      %dma_start3A_511 = tpu.memref_slice %arg2[%dma_start3A_509, %dma_start3A_510] : memref<10000x16xf32, #tpu.memory_space<hbm>> -> memref<10000x16xf32, #tpu.memory_space<hbm>>
      tpu.enqueue_indirect_dma source(%dma_start3A_511 : memref<10000x16xf32, #tpu.memory_space<hbm>>) target(%arg15 : memref<128x16xf32, #tpu.memory_space<vmem>>) offsets(%dma_start3A_508 : memref<128xi32, #tpu.memory_space<vmem>>) semaphore(%arg23 : memref<!tpu.dma_semaphore, #tpu.memory_space<semaphore_mem>>)
    }
    %scan3A_62 = arith.constant 9 : i32
    %dma_wait3A = arith.constant 72 : i32
    %dma_wait3A_63 = arith.constant 0 : i32
    %dma_wait3A_64 = tpu.memref_slice %arg6[%dma_wait3A, %dma_wait3A_63] : memref<80x128xi32, #tpu.memory_space<vmem>> -> memref<1x128xi32, #tpu.memory_space<vmem>>
    %dma_wait3A_65 = tpu.memref_squeeze %dma_wait3A_64 : memref<1x128xi32, #tpu.memory_space<vmem>> -> memref<128xi32, #tpu.memory_space<vmem>>
    %dma_wait3A_66 = arith.constant 0 : i32
    %dma_wait3A_67 = arith.constant 0 : i32
    %dma_wait3A_68 = tpu.memref_slice %arg2[%dma_wait3A_66, %dma_wait3A_67] : memref<10000x16xf32, #tpu.memory_space<hbm>> -> memref<10000x16xf32, #tpu.memory_space<hbm>>
    tpu.wait_indirect_dma semaphore(%arg16 : memref<!tpu.dma_semaphore, #tpu.memory_space<semaphore_mem>>) src(%dma_wait3A_68 : memref<10000x16xf32, #tpu.memory_space<hbm>>) dst(%arg8 : memref<128x16xf32, #tpu.memory_space<vmem>>)
    %dma_start3A_69 = arith.constant 72 : i32
    %dma_start3A_70 = arith.constant 0 : i32
    %dma_start3A_71 = tpu.memref_slice %arg7[%dma_start3A_69, %dma_start3A_70] : memref<80x128xi32, #tpu.memory_space<vmem>> -> memref<1x128xi32, #tpu.memory_space<vmem>>
    %dma_start3A_72 = tpu.memref_squeeze %dma_start3A_71 : memref<1x128xi32, #tpu.memory_space<vmem>> -> memref<128xi32, #tpu.memory_space<vmem>>
    %dma_start3A_73 = arith.constant 0 : i32
    %dma_start3A_74 = arith.constant 0 : i32
    %dma_start3A_75 = tpu.memref_slice %arg32[%dma_start3A_73, %dma_start3A_74] : memref<10240x16xf32, #tpu.memory_space<vmem_shared>> -> memref<10240x16xf32, #tpu.memory_space<vmem_shared>>
    tpu.enqueue_indirect_dma source(%arg8 : memref<128x16xf32, #tpu.memory_space<vmem>>) target(%dma_start3A_75 : memref<10240x16xf32, #tpu.memory_space<vmem_shared>>) offsets(%dma_start3A_72 : memref<128xi32, #tpu.memory_space<vmem>>) semaphore(%arg24 : memref<!tpu.dma_semaphore, #tpu.memory_space<semaphore_mem>>) {add = true}
    %dma_wait3A_76 = arith.constant 73 : i32
    %dma_wait3A_77 = arith.constant 0 : i32
    %dma_wait3A_78 = tpu.memref_slice %arg6[%dma_wait3A_76, %dma_wait3A_77] : memref<80x128xi32, #tpu.memory_space<vmem>> -> memref<1x128xi32, #tpu.memory_space<vmem>>
    %dma_wait3A_79 = tpu.memref_squeeze %dma_wait3A_78 : memref<1x128xi32, #tpu.memory_space<vmem>> -> memref<128xi32, #tpu.memory_space<vmem>>
    %dma_wait3A_80 = arith.constant 0 : i32
    %dma_wait3A_81 = arith.constant 0 : i32
    %dma_wait3A_82 = tpu.memref_slice %arg2[%dma_wait3A_80, %dma_wait3A_81] : memref<10000x16xf32, #tpu.memory_space<hbm>> -> memref<10000x16xf32, #tpu.memory_space<hbm>>
    tpu.wait_indirect_dma semaphore(%arg17 : memref<!tpu.dma_semaphore, #tpu.memory_space<semaphore_mem>>) src(%dma_wait3A_82 : memref<10000x16xf32, #tpu.memory_space<hbm>>) dst(%arg9 : memref<128x16xf32, #tpu.memory_space<vmem>>)
    %dma_start3A_83 = arith.constant 73 : i32
    %dma_start3A_84 = arith.constant 0 : i32
    %dma_start3A_85 = tpu.memref_slice %arg7[%dma_start3A_83, %dma_start3A_84] : memref<80x128xi32, #tpu.memory_space<vmem>> -> memref<1x128xi32, #tpu.memory_space<vmem>>
    %dma_start3A_86 = tpu.memref_squeeze %dma_start3A_85 : memref<1x128xi32, #tpu.memory_space<vmem>> -> memref<128xi32, #tpu.memory_space<vmem>>
    %dma_start3A_87 = arith.constant 0 : i32
    %dma_start3A_88 = arith.constant 0 : i32
    %dma_start3A_89 = tpu.memref_slice %arg32[%dma_start3A_87, %dma_start3A_88] : memref<10240x16xf32, #tpu.memory_space<vmem_shared>> -> memref<10240x16xf32, #tpu.memory_space<vmem_shared>>
    tpu.enqueue_indirect_dma source(%arg9 : memref<128x16xf32, #tpu.memory_space<vmem>>) target(%dma_start3A_89 : memref<10240x16xf32, #tpu.memory_space<vmem_shared>>) offsets(%dma_start3A_86 : memref<128xi32, #tpu.memory_space<vmem>>) semaphore(%arg25 : memref<!tpu.dma_semaphore, #tpu.memory_space<semaphore_mem>>) {add = true}
    %dma_wait3A_90 = arith.constant 74 : i32
    %dma_wait3A_91 = arith.constant 0 : i32
    %dma_wait3A_92 = tpu.memref_slice %arg6[%dma_wait3A_90, %dma_wait3A_91] : memref<80x128xi32, #tpu.memory_space<vmem>> -> memref<1x128xi32, #tpu.memory_space<vmem>>
    %dma_wait3A_93 = tpu.memref_squeeze %dma_wait3A_92 : memref<1x128xi32, #tpu.memory_space<vmem>> -> memref<128xi32, #tpu.memory_space<vmem>>
    %dma_wait3A_94 = arith.constant 0 : i32
    %dma_wait3A_95 = arith.constant 0 : i32
    %dma_wait3A_96 = tpu.memref_slice %arg2[%dma_wait3A_94, %dma_wait3A_95] : memref<10000x16xf32, #tpu.memory_space<hbm>> -> memref<10000x16xf32, #tpu.memory_space<hbm>>
    tpu.wait_indirect_dma semaphore(%arg18 : memref<!tpu.dma_semaphore, #tpu.memory_space<semaphore_mem>>) src(%dma_wait3A_96 : memref<10000x16xf32, #tpu.memory_space<hbm>>) dst(%arg10 : memref<128x16xf32, #tpu.memory_space<vmem>>)
    %dma_start3A_97 = arith.constant 74 : i32
    %dma_start3A_98 = arith.constant 0 : i32
    %dma_start3A_99 = tpu.memref_slice %arg7[%dma_start3A_97, %dma_start3A_98] : memref<80x128xi32, #tpu.memory_space<vmem>> -> memref<1x128xi32, #tpu.memory_space<vmem>>
    %dma_start3A_100 = tpu.memref_squeeze %dma_start3A_99 : memref<1x128xi32, #tpu.memory_space<vmem>> -> memref<128xi32, #tpu.memory_space<vmem>>
    %dma_start3A_101 = arith.constant 0 : i32
    %dma_start3A_102 = arith.constant 0 : i32
    %dma_start3A_103 = tpu.memref_slice %arg32[%dma_start3A_101, %dma_start3A_102] : memref<10240x16xf32, #tpu.memory_space<vmem_shared>> -> memref<10240x16xf32, #tpu.memory_space<vmem_shared>>
    tpu.enqueue_indirect_dma source(%arg10 : memref<128x16xf32, #tpu.memory_space<vmem>>) target(%dma_start3A_103 : memref<10240x16xf32, #tpu.memory_space<vmem_shared>>) offsets(%dma_start3A_100 : memref<128xi32, #tpu.memory_space<vmem>>) semaphore(%arg26 : memref<!tpu.dma_semaphore, #tpu.memory_space<semaphore_mem>>) {add = true}
    %dma_wait3A_104 = arith.constant 75 : i32
    %dma_wait3A_105 = arith.constant 0 : i32
    %dma_wait3A_106 = tpu.memref_slice %arg6[%dma_wait3A_104, %dma_wait3A_105] : memref<80x128xi32, #tpu.memory_space<vmem>> -> memref<1x128xi32, #tpu.memory_space<vmem>>
    %dma_wait3A_107 = tpu.memref_squeeze %dma_wait3A_106 : memref<1x128xi32, #tpu.memory_space<vmem>> -> memref<128xi32, #tpu.memory_space<vmem>>
    %dma_wait3A_108 = arith.constant 0 : i32
    %dma_wait3A_109 = arith.constant 0 : i32
    %dma_wait3A_110 = tpu.memref_slice %arg2[%dma_wait3A_108, %dma_wait3A_109] : memref<10000x16xf32, #tpu.memory_space<hbm>> -> memref<10000x16xf32, #tpu.memory_space<hbm>>
    tpu.wait_indirect_dma semaphore(%arg19 : memref<!tpu.dma_semaphore, #tpu.memory_space<semaphore_mem>>) src(%dma_wait3A_110 : memref<10000x16xf32, #tpu.memory_space<hbm>>) dst(%arg11 : memref<128x16xf32, #tpu.memory_space<vmem>>)
    %dma_start3A_111 = arith.constant 75 : i32
    %dma_start3A_112 = arith.constant 0 : i32
    %dma_start3A_113 = tpu.memref_slice %arg7[%dma_start3A_111, %dma_start3A_112] : memref<80x128xi32, #tpu.memory_space<vmem>> -> memref<1x128xi32, #tpu.memory_space<vmem>>
    %dma_start3A_114 = tpu.memref_squeeze %dma_start3A_113 : memref<1x128xi32, #tpu.memory_space<vmem>> -> memref<128xi32, #tpu.memory_space<vmem>>
    %dma_start3A_115 = arith.constant 0 : i32
    %dma_start3A_116 = arith.constant 0 : i32
    %dma_start3A_117 = tpu.memref_slice %arg32[%dma_start3A_115, %dma_start3A_116] : memref<10240x16xf32, #tpu.memory_space<vmem_shared>> -> memref<10240x16xf32, #tpu.memory_space<vmem_shared>>
    tpu.enqueue_indirect_dma source(%arg11 : memref<128x16xf32, #tpu.memory_space<vmem>>) target(%dma_start3A_117 : memref<10240x16xf32, #tpu.memory_space<vmem_shared>>) offsets(%dma_start3A_114 : memref<128xi32, #tpu.memory_space<vmem>>) semaphore(%arg27 : memref<!tpu.dma_semaphore, #tpu.memory_space<semaphore_mem>>) {add = true}
    %dma_wait3A_118 = arith.constant 76 : i32
    %dma_wait3A_119 = arith.constant 0 : i32
    %dma_wait3A_120 = tpu.memref_slice %arg6[%dma_wait3A_118, %dma_wait3A_119] : memref<80x128xi32, #tpu.memory_space<vmem>> -> memref<1x128xi32, #tpu.memory_space<vmem>>
    %dma_wait3A_121 = tpu.memref_squeeze %dma_wait3A_120 : memref<1x128xi32, #tpu.memory_space<vmem>> -> memref<128xi32, #tpu.memory_space<vmem>>
    %dma_wait3A_122 = arith.constant 0 : i32
    %dma_wait3A_123 = arith.constant 0 : i32
    %dma_wait3A_124 = tpu.memref_slice %arg2[%dma_wait3A_122, %dma_wait3A_123] : memref<10000x16xf32, #tpu.memory_space<hbm>> -> memref<10000x16xf32, #tpu.memory_space<hbm>>
    tpu.wait_indirect_dma semaphore(%arg20 : memref<!tpu.dma_semaphore, #tpu.memory_space<semaphore_mem>>) src(%dma_wait3A_124 : memref<10000x16xf32, #tpu.memory_space<hbm>>) dst(%arg12 : memref<128x16xf32, #tpu.memory_space<vmem>>)
    %dma_start3A_125 = arith.constant 76 : i32
    %dma_start3A_126 = arith.constant 0 : i32
    %dma_start3A_127 = tpu.memref_slice %arg7[%dma_start3A_125, %dma_start3A_126] : memref<80x128xi32, #tpu.memory_space<vmem>> -> memref<1x128xi32, #tpu.memory_space<vmem>>
    %dma_start3A_128 = tpu.memref_squeeze %dma_start3A_127 : memref<1x128xi32, #tpu.memory_space<vmem>> -> memref<128xi32, #tpu.memory_space<vmem>>
    %dma_start3A_129 = arith.constant 0 : i32
    %dma_start3A_130 = arith.constant 0 : i32
    %dma_start3A_131 = tpu.memref_slice %arg32[%dma_start3A_129, %dma_start3A_130] : memref<10240x16xf32, #tpu.memory_space<vmem_shared>> -> memref<10240x16xf32, #tpu.memory_space<vmem_shared>>
    tpu.enqueue_indirect_dma source(%arg12 : memref<128x16xf32, #tpu.memory_space<vmem>>) target(%dma_start3A_131 : memref<10240x16xf32, #tpu.memory_space<vmem_shared>>) offsets(%dma_start3A_128 : memref<128xi32, #tpu.memory_space<vmem>>) semaphore(%arg28 : memref<!tpu.dma_semaphore, #tpu.memory_space<semaphore_mem>>) {add = true}
    %dma_wait3A_132 = arith.constant 77 : i32
    %dma_wait3A_133 = arith.constant 0 : i32
    %dma_wait3A_134 = tpu.memref_slice %arg6[%dma_wait3A_132, %dma_wait3A_133] : memref<80x128xi32, #tpu.memory_space<vmem>> -> memref<1x128xi32, #tpu.memory_space<vmem>>
    %dma_wait3A_135 = tpu.memref_squeeze %dma_wait3A_134 : memref<1x128xi32, #tpu.memory_space<vmem>> -> memref<128xi32, #tpu.memory_space<vmem>>
    %dma_wait3A_136 = arith.constant 0 : i32
    %dma_wait3A_137 = arith.constant 0 : i32
    %dma_wait3A_138 = tpu.memref_slice %arg2[%dma_wait3A_136, %dma_wait3A_137] : memref<10000x16xf32, #tpu.memory_space<hbm>> -> memref<10000x16xf32, #tpu.memory_space<hbm>>
    tpu.wait_indirect_dma semaphore(%arg21 : memref<!tpu.dma_semaphore, #tpu.memory_space<semaphore_mem>>) src(%dma_wait3A_138 : memref<10000x16xf32, #tpu.memory_space<hbm>>) dst(%arg13 : memref<128x16xf32, #tpu.memory_space<vmem>>)
    %dma_start3A_139 = arith.constant 77 : i32
    %dma_start3A_140 = arith.constant 0 : i32
    %dma_start3A_141 = tpu.memref_slice %arg7[%dma_start3A_139, %dma_start3A_140] : memref<80x128xi32, #tpu.memory_space<vmem>> -> memref<1x128xi32, #tpu.memory_space<vmem>>
    %dma_start3A_142 = tpu.memref_squeeze %dma_start3A_141 : memref<1x128xi32, #tpu.memory_space<vmem>> -> memref<128xi32, #tpu.memory_space<vmem>>
    %dma_start3A_143 = arith.constant 0 : i32
    %dma_start3A_144 = arith.constant 0 : i32
    %dma_start3A_145 = tpu.memref_slice %arg32[%dma_start3A_143, %dma_start3A_144] : memref<10240x16xf32, #tpu.memory_space<vmem_shared>> -> memref<10240x16xf32, #tpu.memory_space<vmem_shared>>
    tpu.enqueue_indirect_dma source(%arg13 : memref<128x16xf32, #tpu.memory_space<vmem>>) target(%dma_start3A_145 : memref<10240x16xf32, #tpu.memory_space<vmem_shared>>) offsets(%dma_start3A_142 : memref<128xi32, #tpu.memory_space<vmem>>) semaphore(%arg29 : memref<!tpu.dma_semaphore, #tpu.memory_space<semaphore_mem>>) {add = true}
    %dma_wait3A_146 = arith.constant 78 : i32
    %dma_wait3A_147 = arith.constant 0 : i32
    %dma_wait3A_148 = tpu.memref_slice %arg6[%dma_wait3A_146, %dma_wait3A_147] : memref<80x128xi32, #tpu.memory_space<vmem>> -> memref<1x128xi32, #tpu.memory_space<vmem>>
    %dma_wait3A_149 = tpu.memref_squeeze %dma_wait3A_148 : memref<1x128xi32, #tpu.memory_space<vmem>> -> memref<128xi32, #tpu.memory_space<vmem>>
    %dma_wait3A_150 = arith.constant 0 : i32
    %dma_wait3A_151 = arith.constant 0 : i32
    %dma_wait3A_152 = tpu.memref_slice %arg2[%dma_wait3A_150, %dma_wait3A_151] : memref<10000x16xf32, #tpu.memory_space<hbm>> -> memref<10000x16xf32, #tpu.memory_space<hbm>>
    tpu.wait_indirect_dma semaphore(%arg22 : memref<!tpu.dma_semaphore, #tpu.memory_space<semaphore_mem>>) src(%dma_wait3A_152 : memref<10000x16xf32, #tpu.memory_space<hbm>>) dst(%arg14 : memref<128x16xf32, #tpu.memory_space<vmem>>)
    %dma_start3A_153 = arith.constant 78 : i32
    %dma_start3A_154 = arith.constant 0 : i32
    %dma_start3A_155 = tpu.memref_slice %arg7[%dma_start3A_153, %dma_start3A_154] : memref<80x128xi32, #tpu.memory_space<vmem>> -> memref<1x128xi32, #tpu.memory_space<vmem>>
    %dma_start3A_156 = tpu.memref_squeeze %dma_start3A_155 : memref<1x128xi32, #tpu.memory_space<vmem>> -> memref<128xi32, #tpu.memory_space<vmem>>
    %dma_start3A_157 = arith.constant 0 : i32
    %dma_start3A_158 = arith.constant 0 : i32
    %dma_start3A_159 = tpu.memref_slice %arg32[%dma_start3A_157, %dma_start3A_158] : memref<10240x16xf32, #tpu.memory_space<vmem_shared>> -> memref<10240x16xf32, #tpu.memory_space<vmem_shared>>
    tpu.enqueue_indirect_dma source(%arg14 : memref<128x16xf32, #tpu.memory_space<vmem>>) target(%dma_start3A_159 : memref<10240x16xf32, #tpu.memory_space<vmem_shared>>) offsets(%dma_start3A_156 : memref<128xi32, #tpu.memory_space<vmem>>) semaphore(%arg30 : memref<!tpu.dma_semaphore, #tpu.memory_space<semaphore_mem>>) {add = true}
    %dma_wait3A_160 = arith.constant 79 : i32
    %dma_wait3A_161 = arith.constant 0 : i32
    %dma_wait3A_162 = tpu.memref_slice %arg6[%dma_wait3A_160, %dma_wait3A_161] : memref<80x128xi32, #tpu.memory_space<vmem>> -> memref<1x128xi32, #tpu.memory_space<vmem>>
    %dma_wait3A_163 = tpu.memref_squeeze %dma_wait3A_162 : memref<1x128xi32, #tpu.memory_space<vmem>> -> memref<128xi32, #tpu.memory_space<vmem>>
    %dma_wait3A_164 = arith.constant 0 : i32
    %dma_wait3A_165 = arith.constant 0 : i32
    %dma_wait3A_166 = tpu.memref_slice %arg2[%dma_wait3A_164, %dma_wait3A_165] : memref<10000x16xf32, #tpu.memory_space<hbm>> -> memref<10000x16xf32, #tpu.memory_space<hbm>>
    tpu.wait_indirect_dma semaphore(%arg23 : memref<!tpu.dma_semaphore, #tpu.memory_space<semaphore_mem>>) src(%dma_wait3A_166 : memref<10000x16xf32, #tpu.memory_space<hbm>>) dst(%arg15 : memref<128x16xf32, #tpu.memory_space<vmem>>)
    %dma_start3A_167 = arith.constant 79 : i32
    %dma_start3A_168 = arith.constant 0 : i32
    %dma_start3A_169 = tpu.memref_slice %arg7[%dma_start3A_167, %dma_start3A_168] : memref<80x128xi32, #tpu.memory_space<vmem>> -> memref<1x128xi32, #tpu.memory_space<vmem>>
    %dma_start3A_170 = tpu.memref_squeeze %dma_start3A_169 : memref<1x128xi32, #tpu.memory_space<vmem>> -> memref<128xi32, #tpu.memory_space<vmem>>
    %dma_start3A_171 = arith.constant 0 : i32
    %dma_start3A_172 = arith.constant 0 : i32
    %dma_start3A_173 = tpu.memref_slice %arg32[%dma_start3A_171, %dma_start3A_172] : memref<10240x16xf32, #tpu.memory_space<vmem_shared>> -> memref<10240x16xf32, #tpu.memory_space<vmem_shared>>
    tpu.enqueue_indirect_dma source(%arg15 : memref<128x16xf32, #tpu.memory_space<vmem>>) target(%dma_start3A_173 : memref<10240x16xf32, #tpu.memory_space<vmem_shared>>) offsets(%dma_start3A_170 : memref<128xi32, #tpu.memory_space<vmem>>) semaphore(%arg31 : memref<!tpu.dma_semaphore, #tpu.memory_space<semaphore_mem>>) {add = true}
    %dma_wait3A_174 = arith.constant 72 : i32
    %dma_wait3A_175 = arith.constant 0 : i32
    %dma_wait3A_176 = tpu.memref_slice %arg7[%dma_wait3A_174, %dma_wait3A_175] : memref<80x128xi32, #tpu.memory_space<vmem>> -> memref<1x128xi32, #tpu.memory_space<vmem>>
    %dma_wait3A_177 = tpu.memref_squeeze %dma_wait3A_176 : memref<1x128xi32, #tpu.memory_space<vmem>> -> memref<128xi32, #tpu.memory_space<vmem>>
    %dma_wait3A_178 = arith.constant 0 : i32
    %dma_wait3A_179 = arith.constant 0 : i32
    %dma_wait3A_180 = tpu.memref_slice %arg32[%dma_wait3A_178, %dma_wait3A_179] : memref<10240x16xf32, #tpu.memory_space<vmem_shared>> -> memref<10240x16xf32, #tpu.memory_space<vmem_shared>>
    tpu.wait_indirect_dma semaphore(%arg24 : memref<!tpu.dma_semaphore, #tpu.memory_space<semaphore_mem>>) src(%arg8 : memref<128x16xf32, #tpu.memory_space<vmem>>) dst(%dma_wait3A_180 : memref<10240x16xf32, #tpu.memory_space<vmem_shared>>)
    %dma_wait3A_181 = arith.constant 73 : i32
    %dma_wait3A_182 = arith.constant 0 : i32
    %dma_wait3A_183 = tpu.memref_slice %arg7[%dma_wait3A_181, %dma_wait3A_182] : memref<80x128xi32, #tpu.memory_space<vmem>> -> memref<1x128xi32, #tpu.memory_space<vmem>>
    %dma_wait3A_184 = tpu.memref_squeeze %dma_wait3A_183 : memref<1x128xi32, #tpu.memory_space<vmem>> -> memref<128xi32, #tpu.memory_space<vmem>>
    %dma_wait3A_185 = arith.constant 0 : i32
    %dma_wait3A_186 = arith.constant 0 : i32
    %dma_wait3A_187 = tpu.memref_slice %arg32[%dma_wait3A_185, %dma_wait3A_186] : memref<10240x16xf32, #tpu.memory_space<vmem_shared>> -> memref<10240x16xf32, #tpu.memory_space<vmem_shared>>
    tpu.wait_indirect_dma semaphore(%arg25 : memref<!tpu.dma_semaphore, #tpu.memory_space<semaphore_mem>>) src(%arg9 : memref<128x16xf32, #tpu.memory_space<vmem>>) dst(%dma_wait3A_187 : memref<10240x16xf32, #tpu.memory_space<vmem_shared>>)
    %dma_wait3A_188 = arith.constant 74 : i32
    %dma_wait3A_189 = arith.constant 0 : i32
    %dma_wait3A_190 = tpu.memref_slice %arg7[%dma_wait3A_188, %dma_wait3A_189] : memref<80x128xi32, #tpu.memory_space<vmem>> -> memref<1x128xi32, #tpu.memory_space<vmem>>
    %dma_wait3A_191 = tpu.memref_squeeze %dma_wait3A_190 : memref<1x128xi32, #tpu.memory_space<vmem>> -> memref<128xi32, #tpu.memory_space<vmem>>
    %dma_wait3A_192 = arith.constant 0 : i32
    %dma_wait3A_193 = arith.constant 0 : i32
    %dma_wait3A_194 = tpu.memref_slice %arg32[%dma_wait3A_192, %dma_wait3A_193] : memref<10240x16xf32, #tpu.memory_space<vmem_shared>> -> memref<10240x16xf32, #tpu.memory_space<vmem_shared>>
    tpu.wait_indirect_dma semaphore(%arg26 : memref<!tpu.dma_semaphore, #tpu.memory_space<semaphore_mem>>) src(%arg10 : memref<128x16xf32, #tpu.memory_space<vmem>>) dst(%dma_wait3A_194 : memref<10240x16xf32, #tpu.memory_space<vmem_shared>>)
    %dma_wait3A_195 = arith.constant 75 : i32
    %dma_wait3A_196 = arith.constant 0 : i32
    %dma_wait3A_197 = tpu.memref_slice %arg7[%dma_wait3A_195, %dma_wait3A_196] : memref<80x128xi32, #tpu.memory_space<vmem>> -> memref<1x128xi32, #tpu.memory_space<vmem>>
    %dma_wait3A_198 = tpu.memref_squeeze %dma_wait3A_197 : memref<1x128xi32, #tpu.memory_space<vmem>> -> memref<128xi32, #tpu.memory_space<vmem>>
    %dma_wait3A_199 = arith.constant 0 : i32
    %dma_wait3A_200 = arith.constant 0 : i32
    %dma_wait3A_201 = tpu.memref_slice %arg32[%dma_wait3A_199, %dma_wait3A_200] : memref<10240x16xf32, #tpu.memory_space<vmem_shared>> -> memref<10240x16xf32, #tpu.memory_space<vmem_shared>>
    tpu.wait_indirect_dma semaphore(%arg27 : memref<!tpu.dma_semaphore, #tpu.memory_space<semaphore_mem>>) src(%arg11 : memref<128x16xf32, #tpu.memory_space<vmem>>) dst(%dma_wait3A_201 : memref<10240x16xf32, #tpu.memory_space<vmem_shared>>)
    %dma_wait3A_202 = arith.constant 76 : i32
    %dma_wait3A_203 = arith.constant 0 : i32
    %dma_wait3A_204 = tpu.memref_slice %arg7[%dma_wait3A_202, %dma_wait3A_203] : memref<80x128xi32, #tpu.memory_space<vmem>> -> memref<1x128xi32, #tpu.memory_space<vmem>>
    %dma_wait3A_205 = tpu.memref_squeeze %dma_wait3A_204 : memref<1x128xi32, #tpu.memory_space<vmem>> -> memref<128xi32, #tpu.memory_space<vmem>>
    %dma_wait3A_206 = arith.constant 0 : i32
    %dma_wait3A_207 = arith.constant 0 : i32
    %dma_wait3A_208 = tpu.memref_slice %arg32[%dma_wait3A_206, %dma_wait3A_207] : memref<10240x16xf32, #tpu.memory_space<vmem_shared>> -> memref<10240x16xf32, #tpu.memory_space<vmem_shared>>
    tpu.wait_indirect_dma semaphore(%arg28 : memref<!tpu.dma_semaphore, #tpu.memory_space<semaphore_mem>>) src(%arg12 : memref<128x16xf32, #tpu.memory_space<vmem>>) dst(%dma_wait3A_208 : memref<10240x16xf32, #tpu.memory_space<vmem_shared>>)
    %dma_wait3A_209 = arith.constant 77 : i32
    %dma_wait3A_210 = arith.constant 0 : i32
    %dma_wait3A_211 = tpu.memref_slice %arg7[%dma_wait3A_209, %dma_wait3A_210] : memref<80x128xi32, #tpu.memory_space<vmem>> -> memref<1x128xi32, #tpu.memory_space<vmem>>
    %dma_wait3A_212 = tpu.memref_squeeze %dma_wait3A_211 : memref<1x128xi32, #tpu.memory_space<vmem>> -> memref<128xi32, #tpu.memory_space<vmem>>
    %dma_wait3A_213 = arith.constant 0 : i32
    %dma_wait3A_214 = arith.constant 0 : i32
    %dma_wait3A_215 = tpu.memref_slice %arg32[%dma_wait3A_213, %dma_wait3A_214] : memref<10240x16xf32, #tpu.memory_space<vmem_shared>> -> memref<10240x16xf32, #tpu.memory_space<vmem_shared>>
    tpu.wait_indirect_dma semaphore(%arg29 : memref<!tpu.dma_semaphore, #tpu.memory_space<semaphore_mem>>) src(%arg13 : memref<128x16xf32, #tpu.memory_space<vmem>>) dst(%dma_wait3A_215 : memref<10240x16xf32, #tpu.memory_space<vmem_shared>>)
    %dma_wait3A_216 = arith.constant 78 : i32
    %dma_wait3A_217 = arith.constant 0 : i32
    %dma_wait3A_218 = tpu.memref_slice %arg7[%dma_wait3A_216, %dma_wait3A_217] : memref<80x128xi32, #tpu.memory_space<vmem>> -> memref<1x128xi32, #tpu.memory_space<vmem>>
    %dma_wait3A_219 = tpu.memref_squeeze %dma_wait3A_218 : memref<1x128xi32, #tpu.memory_space<vmem>> -> memref<128xi32, #tpu.memory_space<vmem>>
    %dma_wait3A_220 = arith.constant 0 : i32
    %dma_wait3A_221 = arith.constant 0 : i32
    %dma_wait3A_222 = tpu.memref_slice %arg32[%dma_wait3A_220, %dma_wait3A_221] : memref<10240x16xf32, #tpu.memory_space<vmem_shared>> -> memref<10240x16xf32, #tpu.memory_space<vmem_shared>>
    tpu.wait_indirect_dma semaphore(%arg30 : memref<!tpu.dma_semaphore, #tpu.memory_space<semaphore_mem>>) src(%arg14 : memref<128x16xf32, #tpu.memory_space<vmem>>) dst(%dma_wait3A_222 : memref<10240x16xf32, #tpu.memory_space<vmem_shared>>)
    %dma_wait3A_223 = arith.constant 79 : i32
    %dma_wait3A_224 = arith.constant 0 : i32
    %dma_wait3A_225 = tpu.memref_slice %arg7[%dma_wait3A_223, %dma_wait3A_224] : memref<80x128xi32, #tpu.memory_space<vmem>> -> memref<1x128xi32, #tpu.memory_space<vmem>>
    %dma_wait3A_226 = tpu.memref_squeeze %dma_wait3A_225 : memref<1x128xi32, #tpu.memory_space<vmem>> -> memref<128xi32, #tpu.memory_space<vmem>>
    %dma_wait3A_227 = arith.constant 0 : i32
    %dma_wait3A_228 = arith.constant 0 : i32
    %dma_wait3A_229 = tpu.memref_slice %arg32[%dma_wait3A_227, %dma_wait3A_228] : memref<10240x16xf32, #tpu.memory_space<vmem_shared>> -> memref<10240x16xf32, #tpu.memory_space<vmem_shared>>
    tpu.wait_indirect_dma semaphore(%arg31 : memref<!tpu.dma_semaphore, #tpu.memory_space<semaphore_mem>>) src(%arg15 : memref<128x16xf32, #tpu.memory_space<vmem>>) dst(%dma_wait3A_229 : memref<10240x16xf32, #tpu.memory_space<vmem_shared>>)
    %barrier3A_230 = arith.constant 0 : index
    tpu.barrier barrier_id(%barrier3A_230)
    %mul3A_231 = arith.constant 64 : i32
    %mul3A_232 = arith.muli %arg0, %mul3A_231 : i32
    "tpu.region"() ({
      %run_scoped3A_233 = tpu.sem_alloc : memref<!tpu.dma_semaphore, #tpu.memory_space<semaphore_mem>>
      %dma_start3A_234 = tpu.memref_slice %arg5[%mul3A_3, %mul3A_232] : memref<10240x128xf32, #tpu.memory_space<hbm>> -> memref<640x16xf32, #tpu.memory_space<hbm>>
      %dma_start3A_235 = arith.constant 0 : i32
      %dma_start3A_236 = tpu.memref_slice %arg32[%mul3A_3, %dma_start3A_235] : memref<10240x16xf32, #tpu.memory_space<vmem_shared>> -> memref<640x16xf32, #tpu.memory_space<vmem_shared>>
      tpu.enqueue_dma source(%dma_start3A_236 : memref<640x16xf32, #tpu.memory_space<vmem_shared>>) target(%dma_start3A_234 : memref<640x16xf32, #tpu.memory_space<hbm>>) target_semaphore(%run_scoped3A_233 : memref<!tpu.dma_semaphore, #tpu.memory_space<semaphore_mem>>)
      %dma_wait3A_237 = tpu.memref_slice %arg5[%mul3A_3, %mul3A_232] : memref<10240x128xf32, #tpu.memory_space<hbm>> -> memref<640x16xf32, #tpu.memory_space<hbm>>
      %dma_wait3A_238 = arith.constant 0 : i32
      %dma_wait3A_239 = tpu.memref_slice %arg32[%mul3A_3, %dma_wait3A_238] : memref<10240x16xf32, #tpu.memory_space<vmem_shared>> -> memref<640x16xf32, #tpu.memory_space<vmem_shared>>
      tpu.wait_dma2 semaphore(%run_scoped3A_233 : memref<!tpu.dma_semaphore, #tpu.memory_space<semaphore_mem>>) src(%dma_wait3A_239 : memref<640x16xf32, #tpu.memory_space<vmem_shared>>) dst(%dma_wait3A_237 : memref<640x16xf32, #tpu.memory_space<hbm>>)
      tpu.yield
    }) : () -> ()
    return
  }
}

#map = affine_map<(d0, d1) -> (0, 0)>
#map1 = affine_map<(d0, d1) -> (0, 0, 0, 0)>
module attributes {stable_mosaic.version = 14 : i64} {
  func.func @k(%arg0: i32, %arg1: i32, %arg2: memref<10000x64xf32, #tpu.memory_space<hbm>>, %arg3: memref<2x32x80x128xi32, #tpu.memory_space<hbm>>, %arg4: memref<10240x64xf32, #tpu.memory_space<hbm>>, %arg5: memref<10240x128xf32, #tpu.memory_space<hbm>>, %arg6: memref<80x128xi32, #tpu.memory_space<vmem>>, %arg7: memref<80x128xi32, #tpu.memory_space<vmem>>, %arg8: memref<128x64xf32, #tpu.memory_space<vmem>>, %arg9: memref<128x64xf32, #tpu.memory_space<vmem>>, %arg10: memref<128x64xf32, #tpu.memory_space<vmem>>, %arg11: memref<128x64xf32, #tpu.memory_space<vmem>>, %arg12: memref<128x64xf32, #tpu.memory_space<vmem>>, %arg13: memref<128x64xf32, #tpu.memory_space<vmem>>, %arg14: memref<128x64xf32, #tpu.memory_space<vmem>>, %arg15: memref<128x64xf32, #tpu.memory_space<vmem>>, %arg16: memref<!tpu.dma_semaphore, #tpu.memory_space<semaphore_mem>>, %arg17: memref<!tpu.dma_semaphore, #tpu.memory_space<semaphore_mem>>, %arg18: memref<!tpu.dma_semaphore, #tpu.memory_space<semaphore_mem>>, %arg19: memref<!tpu.dma_semaphore, #tpu.memory_space<semaphore_mem>>, %arg20: memref<!tpu.dma_semaphore, #tpu.memory_space<semaphore_mem>>, %arg21: memref<!tpu.dma_semaphore, #tpu.memory_space<semaphore_mem>>, %arg22: memref<!tpu.dma_semaphore, #tpu.memory_space<semaphore_mem>>, %arg23: memref<!tpu.dma_semaphore, #tpu.memory_space<semaphore_mem>>, %arg24: memref<!tpu.dma_semaphore, #tpu.memory_space<semaphore_mem>>, %arg25: memref<!tpu.dma_semaphore, #tpu.memory_space<semaphore_mem>>, %arg26: memref<!tpu.dma_semaphore, #tpu.memory_space<semaphore_mem>>, %arg27: memref<!tpu.dma_semaphore, #tpu.memory_space<semaphore_mem>>, %arg28: memref<!tpu.dma_semaphore, #tpu.memory_space<semaphore_mem>>, %arg29: memref<!tpu.dma_semaphore, #tpu.memory_space<semaphore_mem>>, %arg30: memref<!tpu.dma_semaphore, #tpu.memory_space<semaphore_mem>>, %arg31: memref<!tpu.dma_semaphore, #tpu.memory_space<semaphore_mem>>, %arg32: memref<10240x64xf32, #tpu.memory_space<vmem_shared>>) attributes {dimension_semantics = [#tpu.dimension_semantics<core_parallel>, #tpu.dimension_semantics<subcore_parallel>], iteration_bounds = array<i64: 2, 16>, scalar_prefetch = 0 : i64, scratch_operands = 27 : i64, tpu.core_type = #tpu.core_type<sc_vector_subcore>, window_params = [{transform_indices = #map}, {transform_indices = #map1}, {transform_indices = #map}, {transform_indices = #map}]} {
    %mul3A = arith.constant 16 : i32
    %mul3A_0 = arith.muli %arg0, %mul3A : i32
    %add3A = arith.addi %mul3A_0, %arg1 : i32
    %run_scoped3A = arith.constant 0 : i32
    "tpu.region"() ({
      %run_scoped3A_233 = tpu.sem_alloc : memref<!tpu.dma_semaphore, #tpu.memory_space<semaphore_mem>>
      %dma_start3A_234 = arith.constant 0 : i32
      %dma_start3A_235 = arith.constant 0 : i32
      %dma_start3A_236 = arith.constant 0 : i32
      %dma_start3A_237 = tpu.memref_slice %arg3[%run_scoped3A, %dma_start3A_234, %dma_start3A_235, %dma_start3A_236] : memref<2x32x80x128xi32, #tpu.memory_space<hbm>> -> memref<1x32x80x128xi32, #tpu.memory_space<hbm>>
      %dma_start3A_238 = tpu.memref_squeeze %dma_start3A_237 : memref<1x32x80x128xi32, #tpu.memory_space<hbm>> -> memref<32x80x128xi32, #tpu.memory_space<hbm>>
      %dma_start3A_239 = arith.constant 0 : i32
      %dma_start3A_240 = arith.constant 0 : i32
      %dma_start3A_241 = tpu.memref_slice %dma_start3A_238[%add3A, %dma_start3A_239, %dma_start3A_240] : memref<32x80x128xi32, #tpu.memory_space<hbm>> -> memref<1x80x128xi32, #tpu.memory_space<hbm>>
      %dma_start3A_242 = tpu.memref_squeeze %dma_start3A_241 : memref<1x80x128xi32, #tpu.memory_space<hbm>> -> memref<80x128xi32, #tpu.memory_space<hbm>>
      %dma_start3A_243 = arith.constant 0 : i32
      %dma_start3A_244 = arith.constant 0 : i32
      %dma_start3A_245 = arith.constant 0 : i32
      %dma_start3A_246 = tpu.memref_slice %arg3[%run_scoped3A, %dma_start3A_243, %dma_start3A_244, %dma_start3A_245] : memref<2x32x80x128xi32, #tpu.memory_space<hbm>> -> memref<1x32x80x128xi32, #tpu.memory_space<hbm>>
      %dma_start3A_247 = tpu.memref_squeeze %dma_start3A_246 : memref<1x32x80x128xi32, #tpu.memory_space<hbm>> -> memref<32x80x128xi32, #tpu.memory_space<hbm>>
      %dma_start3A_248 = arith.constant 0 : i32
      %dma_start3A_249 = arith.constant 0 : i32
      %dma_start3A_250 = tpu.memref_slice %dma_start3A_247[%add3A, %dma_start3A_248, %dma_start3A_249] : memref<32x80x128xi32, #tpu.memory_space<hbm>> -> memref<1x80x128xi32, #tpu.memory_space<hbm>>
      %dma_start3A_251 = tpu.memref_squeeze %dma_start3A_250 : memref<1x80x128xi32, #tpu.memory_space<hbm>> -> memref<80x128xi32, #tpu.memory_space<hbm>>
      tpu.enqueue_dma source(%dma_start3A_251 : memref<80x128xi32, #tpu.memory_space<hbm>>) target(%arg6 : memref<80x128xi32, #tpu.memory_space<vmem>>) target_semaphore(%run_scoped3A_233 : memref<!tpu.dma_semaphore, #tpu.memory_space<semaphore_mem>>)
      %dma_wait3A_252 = arith.constant 0 : i32
      %dma_wait3A_253 = arith.constant 0 : i32
      %dma_wait3A_254 = arith.constant 0 : i32
      %dma_wait3A_255 = tpu.memref_slice %arg3[%run_scoped3A, %dma_wait3A_252, %dma_wait3A_253, %dma_wait3A_254] : memref<2x32x80x128xi32, #tpu.memory_space<hbm>> -> memref<1x32x80x128xi32, #tpu.memory_space<hbm>>
      %dma_wait3A_256 = tpu.memref_squeeze %dma_wait3A_255 : memref<1x32x80x128xi32, #tpu.memory_space<hbm>> -> memref<32x80x128xi32, #tpu.memory_space<hbm>>
      %dma_wait3A_257 = arith.constant 0 : i32
      %dma_wait3A_258 = arith.constant 0 : i32
      %dma_wait3A_259 = tpu.memref_slice %dma_wait3A_256[%add3A, %dma_wait3A_257, %dma_wait3A_258] : memref<32x80x128xi32, #tpu.memory_space<hbm>> -> memref<1x80x128xi32, #tpu.memory_space<hbm>>
      %dma_wait3A_260 = tpu.memref_squeeze %dma_wait3A_259 : memref<1x80x128xi32, #tpu.memory_space<hbm>> -> memref<80x128xi32, #tpu.memory_space<hbm>>
      %dma_wait3A_261 = arith.constant 0 : i32
      %dma_wait3A_262 = arith.constant 0 : i32
      %dma_wait3A_263 = arith.constant 0 : i32
      %dma_wait3A_264 = tpu.memref_slice %arg3[%run_scoped3A, %dma_wait3A_261, %dma_wait3A_262, %dma_wait3A_263] : memref<2x32x80x128xi32, #tpu.memory_space<hbm>> -> memref<1x32x80x128xi32, #tpu.memory_space<hbm>>
      %dma_wait3A_265 = tpu.memref_squeeze %dma_wait3A_264 : memref<1x32x80x128xi32, #tpu.memory_space<hbm>> -> memref<32x80x128xi32, #tpu.memory_space<hbm>>
      %dma_wait3A_266 = arith.constant 0 : i32
      %dma_wait3A_267 = arith.constant 0 : i32
      %dma_wait3A_268 = tpu.memref_slice %dma_wait3A_265[%add3A, %dma_wait3A_266, %dma_wait3A_267] : memref<32x80x128xi32, #tpu.memory_space<hbm>> -> memref<1x80x128xi32, #tpu.memory_space<hbm>>
      %dma_wait3A_269 = tpu.memref_squeeze %dma_wait3A_268 : memref<1x80x128xi32, #tpu.memory_space<hbm>> -> memref<80x128xi32, #tpu.memory_space<hbm>>
      tpu.wait_dma2 semaphore(%run_scoped3A_233 : memref<!tpu.dma_semaphore, #tpu.memory_space<semaphore_mem>>) src(%dma_wait3A_269 : memref<80x128xi32, #tpu.memory_space<hbm>>) dst(%arg6 : memref<80x128xi32, #tpu.memory_space<vmem>>)
      tpu.yield
    }) : () -> ()
    %run_scoped3A_1 = arith.constant 1 : i32
    "tpu.region"() ({
      %run_scoped3A_233 = tpu.sem_alloc : memref<!tpu.dma_semaphore, #tpu.memory_space<semaphore_mem>>
      %dma_start3A_234 = arith.constant 0 : i32
      %dma_start3A_235 = arith.constant 0 : i32
      %dma_start3A_236 = arith.constant 0 : i32
      %dma_start3A_237 = tpu.memref_slice %arg3[%run_scoped3A_1, %dma_start3A_234, %dma_start3A_235, %dma_start3A_236] : memref<2x32x80x128xi32, #tpu.memory_space<hbm>> -> memref<1x32x80x128xi32, #tpu.memory_space<hbm>>
      %dma_start3A_238 = tpu.memref_squeeze %dma_start3A_237 : memref<1x32x80x128xi32, #tpu.memory_space<hbm>> -> memref<32x80x128xi32, #tpu.memory_space<hbm>>
      %dma_start3A_239 = arith.constant 0 : i32
      %dma_start3A_240 = arith.constant 0 : i32
      %dma_start3A_241 = tpu.memref_slice %dma_start3A_238[%add3A, %dma_start3A_239, %dma_start3A_240] : memref<32x80x128xi32, #tpu.memory_space<hbm>> -> memref<1x80x128xi32, #tpu.memory_space<hbm>>
      %dma_start3A_242 = tpu.memref_squeeze %dma_start3A_241 : memref<1x80x128xi32, #tpu.memory_space<hbm>> -> memref<80x128xi32, #tpu.memory_space<hbm>>
      %dma_start3A_243 = arith.constant 0 : i32
      %dma_start3A_244 = arith.constant 0 : i32
      %dma_start3A_245 = arith.constant 0 : i32
      %dma_start3A_246 = tpu.memref_slice %arg3[%run_scoped3A_1, %dma_start3A_243, %dma_start3A_244, %dma_start3A_245] : memref<2x32x80x128xi32, #tpu.memory_space<hbm>> -> memref<1x32x80x128xi32, #tpu.memory_space<hbm>>
      %dma_start3A_247 = tpu.memref_squeeze %dma_start3A_246 : memref<1x32x80x128xi32, #tpu.memory_space<hbm>> -> memref<32x80x128xi32, #tpu.memory_space<hbm>>
      %dma_start3A_248 = arith.constant 0 : i32
      %dma_start3A_249 = arith.constant 0 : i32
      %dma_start3A_250 = tpu.memref_slice %dma_start3A_247[%add3A, %dma_start3A_248, %dma_start3A_249] : memref<32x80x128xi32, #tpu.memory_space<hbm>> -> memref<1x80x128xi32, #tpu.memory_space<hbm>>
      %dma_start3A_251 = tpu.memref_squeeze %dma_start3A_250 : memref<1x80x128xi32, #tpu.memory_space<hbm>> -> memref<80x128xi32, #tpu.memory_space<hbm>>
      tpu.enqueue_dma source(%dma_start3A_251 : memref<80x128xi32, #tpu.memory_space<hbm>>) target(%arg7 : memref<80x128xi32, #tpu.memory_space<vmem>>) target_semaphore(%run_scoped3A_233 : memref<!tpu.dma_semaphore, #tpu.memory_space<semaphore_mem>>)
      %dma_wait3A_252 = arith.constant 0 : i32
      %dma_wait3A_253 = arith.constant 0 : i32
      %dma_wait3A_254 = arith.constant 0 : i32
      %dma_wait3A_255 = tpu.memref_slice %arg3[%run_scoped3A_1, %dma_wait3A_252, %dma_wait3A_253, %dma_wait3A_254] : memref<2x32x80x128xi32, #tpu.memory_space<hbm>> -> memref<1x32x80x128xi32, #tpu.memory_space<hbm>>
      %dma_wait3A_256 = tpu.memref_squeeze %dma_wait3A_255 : memref<1x32x80x128xi32, #tpu.memory_space<hbm>> -> memref<32x80x128xi32, #tpu.memory_space<hbm>>
      %dma_wait3A_257 = arith.constant 0 : i32
      %dma_wait3A_258 = arith.constant 0 : i32
      %dma_wait3A_259 = tpu.memref_slice %dma_wait3A_256[%add3A, %dma_wait3A_257, %dma_wait3A_258] : memref<32x80x128xi32, #tpu.memory_space<hbm>> -> memref<1x80x128xi32, #tpu.memory_space<hbm>>
      %dma_wait3A_260 = tpu.memref_squeeze %dma_wait3A_259 : memref<1x80x128xi32, #tpu.memory_space<hbm>> -> memref<80x128xi32, #tpu.memory_space<hbm>>
      %dma_wait3A_261 = arith.constant 0 : i32
      %dma_wait3A_262 = arith.constant 0 : i32
      %dma_wait3A_263 = arith.constant 0 : i32
      %dma_wait3A_264 = tpu.memref_slice %arg3[%run_scoped3A_1, %dma_wait3A_261, %dma_wait3A_262, %dma_wait3A_263] : memref<2x32x80x128xi32, #tpu.memory_space<hbm>> -> memref<1x32x80x128xi32, #tpu.memory_space<hbm>>
      %dma_wait3A_265 = tpu.memref_squeeze %dma_wait3A_264 : memref<1x32x80x128xi32, #tpu.memory_space<hbm>> -> memref<32x80x128xi32, #tpu.memory_space<hbm>>
      %dma_wait3A_266 = arith.constant 0 : i32
      %dma_wait3A_267 = arith.constant 0 : i32
      %dma_wait3A_268 = tpu.memref_slice %dma_wait3A_265[%add3A, %dma_wait3A_266, %dma_wait3A_267] : memref<32x80x128xi32, #tpu.memory_space<hbm>> -> memref<1x80x128xi32, #tpu.memory_space<hbm>>
      %dma_wait3A_269 = tpu.memref_squeeze %dma_wait3A_268 : memref<1x80x128xi32, #tpu.memory_space<hbm>> -> memref<80x128xi32, #tpu.memory_space<hbm>>
      tpu.wait_dma2 semaphore(%run_scoped3A_233 : memref<!tpu.dma_semaphore, #tpu.memory_space<semaphore_mem>>) src(%dma_wait3A_269 : memref<80x128xi32, #tpu.memory_space<hbm>>) dst(%arg7 : memref<80x128xi32, #tpu.memory_space<vmem>>)
      tpu.yield
    }) : () -> ()
    %mul3A_2 = arith.constant 640 : i32
    %mul3A_3 = arith.muli %arg1, %mul3A_2 : i32
    "tpu.region"() ({
      %run_scoped3A_233 = tpu.sem_alloc : memref<!tpu.dma_semaphore, #tpu.memory_space<semaphore_mem>>
      %dma_start3A_234 = arith.constant 0 : i32
      %dma_start3A_235 = tpu.memref_slice %arg32[%mul3A_3, %dma_start3A_234] : memref<10240x64xf32, #tpu.memory_space<vmem_shared>> -> memref<640x64xf32, #tpu.memory_space<vmem_shared>>
      %dma_start3A_236 = arith.constant 0 : i32
      %dma_start3A_237 = tpu.memref_slice %arg4[%mul3A_3, %dma_start3A_236] : memref<10240x64xf32, #tpu.memory_space<hbm>> -> memref<640x64xf32, #tpu.memory_space<hbm>>
      tpu.enqueue_dma source(%dma_start3A_237 : memref<640x64xf32, #tpu.memory_space<hbm>>) target(%dma_start3A_235 : memref<640x64xf32, #tpu.memory_space<vmem_shared>>) target_semaphore(%run_scoped3A_233 : memref<!tpu.dma_semaphore, #tpu.memory_space<semaphore_mem>>)
      %dma_wait3A_238 = arith.constant 0 : i32
      %dma_wait3A_239 = tpu.memref_slice %arg32[%mul3A_3, %dma_wait3A_238] : memref<10240x64xf32, #tpu.memory_space<vmem_shared>> -> memref<640x64xf32, #tpu.memory_space<vmem_shared>>
      %dma_wait3A_240 = arith.constant 0 : i32
      %dma_wait3A_241 = tpu.memref_slice %arg4[%mul3A_3, %dma_wait3A_240] : memref<10240x64xf32, #tpu.memory_space<hbm>> -> memref<640x64xf32, #tpu.memory_space<hbm>>
      tpu.wait_dma2 semaphore(%run_scoped3A_233 : memref<!tpu.dma_semaphore, #tpu.memory_space<semaphore_mem>>) src(%dma_wait3A_241 : memref<640x64xf32, #tpu.memory_space<hbm>>) dst(%dma_wait3A_239 : memref<640x64xf32, #tpu.memory_space<vmem_shared>>)
      tpu.yield
    }) : () -> ()
    %barrier3A = arith.constant 0 : index
    tpu.barrier barrier_id(%barrier3A)
    %dma_start3A = arith.constant 0 : i32
    %dma_start3A_4 = arith.constant 0 : i32
    %dma_start3A_5 = tpu.memref_slice %arg6[%dma_start3A, %dma_start3A_4] : memref<80x128xi32, #tpu.memory_space<vmem>> -> memref<1x128xi32, #tpu.memory_space<vmem>>
    %dma_start3A_6 = tpu.memref_squeeze %dma_start3A_5 : memref<1x128xi32, #tpu.memory_space<vmem>> -> memref<128xi32, #tpu.memory_space<vmem>>
    %dma_start3A_7 = arith.constant 0 : i32
    %dma_start3A_8 = arith.constant 0 : i32
    %dma_start3A_9 = tpu.memref_slice %arg2[%dma_start3A_7, %dma_start3A_8] : memref<10000x64xf32, #tpu.memory_space<hbm>> -> memref<10000x64xf32, #tpu.memory_space<hbm>>
    tpu.enqueue_indirect_dma source(%dma_start3A_9 : memref<10000x64xf32, #tpu.memory_space<hbm>>) target(%arg8 : memref<128x64xf32, #tpu.memory_space<vmem>>) offsets(%dma_start3A_6 : memref<128xi32, #tpu.memory_space<vmem>>) semaphore(%arg16 : memref<!tpu.dma_semaphore, #tpu.memory_space<semaphore_mem>>)
    %dma_start3A_10 = arith.constant 1 : i32
    %dma_start3A_11 = arith.constant 0 : i32
    %dma_start3A_12 = tpu.memref_slice %arg6[%dma_start3A_10, %dma_start3A_11] : memref<80x128xi32, #tpu.memory_space<vmem>> -> memref<1x128xi32, #tpu.memory_space<vmem>>
    %dma_start3A_13 = tpu.memref_squeeze %dma_start3A_12 : memref<1x128xi32, #tpu.memory_space<vmem>> -> memref<128xi32, #tpu.memory_space<vmem>>
    %dma_start3A_14 = arith.constant 0 : i32
    %dma_start3A_15 = arith.constant 0 : i32
    %dma_start3A_16 = tpu.memref_slice %arg2[%dma_start3A_14, %dma_start3A_15] : memref<10000x64xf32, #tpu.memory_space<hbm>> -> memref<10000x64xf32, #tpu.memory_space<hbm>>
    tpu.enqueue_indirect_dma source(%dma_start3A_16 : memref<10000x64xf32, #tpu.memory_space<hbm>>) target(%arg9 : memref<128x64xf32, #tpu.memory_space<vmem>>) offsets(%dma_start3A_13 : memref<128xi32, #tpu.memory_space<vmem>>) semaphore(%arg17 : memref<!tpu.dma_semaphore, #tpu.memory_space<semaphore_mem>>)
    %dma_start3A_17 = arith.constant 2 : i32
    %dma_start3A_18 = arith.constant 0 : i32
    %dma_start3A_19 = tpu.memref_slice %arg6[%dma_start3A_17, %dma_start3A_18] : memref<80x128xi32, #tpu.memory_space<vmem>> -> memref<1x128xi32, #tpu.memory_space<vmem>>
    %dma_start3A_20 = tpu.memref_squeeze %dma_start3A_19 : memref<1x128xi32, #tpu.memory_space<vmem>> -> memref<128xi32, #tpu.memory_space<vmem>>
    %dma_start3A_21 = arith.constant 0 : i32
    %dma_start3A_22 = arith.constant 0 : i32
    %dma_start3A_23 = tpu.memref_slice %arg2[%dma_start3A_21, %dma_start3A_22] : memref<10000x64xf32, #tpu.memory_space<hbm>> -> memref<10000x64xf32, #tpu.memory_space<hbm>>
    tpu.enqueue_indirect_dma source(%dma_start3A_23 : memref<10000x64xf32, #tpu.memory_space<hbm>>) target(%arg10 : memref<128x64xf32, #tpu.memory_space<vmem>>) offsets(%dma_start3A_20 : memref<128xi32, #tpu.memory_space<vmem>>) semaphore(%arg18 : memref<!tpu.dma_semaphore, #tpu.memory_space<semaphore_mem>>)
    %dma_start3A_24 = arith.constant 3 : i32
    %dma_start3A_25 = arith.constant 0 : i32
    %dma_start3A_26 = tpu.memref_slice %arg6[%dma_start3A_24, %dma_start3A_25] : memref<80x128xi32, #tpu.memory_space<vmem>> -> memref<1x128xi32, #tpu.memory_space<vmem>>
    %dma_start3A_27 = tpu.memref_squeeze %dma_start3A_26 : memref<1x128xi32, #tpu.memory_space<vmem>> -> memref<128xi32, #tpu.memory_space<vmem>>
    %dma_start3A_28 = arith.constant 0 : i32
    %dma_start3A_29 = arith.constant 0 : i32
    %dma_start3A_30 = tpu.memref_slice %arg2[%dma_start3A_28, %dma_start3A_29] : memref<10000x64xf32, #tpu.memory_space<hbm>> -> memref<10000x64xf32, #tpu.memory_space<hbm>>
    tpu.enqueue_indirect_dma source(%dma_start3A_30 : memref<10000x64xf32, #tpu.memory_space<hbm>>) target(%arg11 : memref<128x64xf32, #tpu.memory_space<vmem>>) offsets(%dma_start3A_27 : memref<128xi32, #tpu.memory_space<vmem>>) semaphore(%arg19 : memref<!tpu.dma_semaphore, #tpu.memory_space<semaphore_mem>>)
    %dma_start3A_31 = arith.constant 4 : i32
    %dma_start3A_32 = arith.constant 0 : i32
    %dma_start3A_33 = tpu.memref_slice %arg6[%dma_start3A_31, %dma_start3A_32] : memref<80x128xi32, #tpu.memory_space<vmem>> -> memref<1x128xi32, #tpu.memory_space<vmem>>
    %dma_start3A_34 = tpu.memref_squeeze %dma_start3A_33 : memref<1x128xi32, #tpu.memory_space<vmem>> -> memref<128xi32, #tpu.memory_space<vmem>>
    %dma_start3A_35 = arith.constant 0 : i32
    %dma_start3A_36 = arith.constant 0 : i32
    %dma_start3A_37 = tpu.memref_slice %arg2[%dma_start3A_35, %dma_start3A_36] : memref<10000x64xf32, #tpu.memory_space<hbm>> -> memref<10000x64xf32, #tpu.memory_space<hbm>>
    tpu.enqueue_indirect_dma source(%dma_start3A_37 : memref<10000x64xf32, #tpu.memory_space<hbm>>) target(%arg12 : memref<128x64xf32, #tpu.memory_space<vmem>>) offsets(%dma_start3A_34 : memref<128xi32, #tpu.memory_space<vmem>>) semaphore(%arg20 : memref<!tpu.dma_semaphore, #tpu.memory_space<semaphore_mem>>)
    %dma_start3A_38 = arith.constant 5 : i32
    %dma_start3A_39 = arith.constant 0 : i32
    %dma_start3A_40 = tpu.memref_slice %arg6[%dma_start3A_38, %dma_start3A_39] : memref<80x128xi32, #tpu.memory_space<vmem>> -> memref<1x128xi32, #tpu.memory_space<vmem>>
    %dma_start3A_41 = tpu.memref_squeeze %dma_start3A_40 : memref<1x128xi32, #tpu.memory_space<vmem>> -> memref<128xi32, #tpu.memory_space<vmem>>
    %dma_start3A_42 = arith.constant 0 : i32
    %dma_start3A_43 = arith.constant 0 : i32
    %dma_start3A_44 = tpu.memref_slice %arg2[%dma_start3A_42, %dma_start3A_43] : memref<10000x64xf32, #tpu.memory_space<hbm>> -> memref<10000x64xf32, #tpu.memory_space<hbm>>
    tpu.enqueue_indirect_dma source(%dma_start3A_44 : memref<10000x64xf32, #tpu.memory_space<hbm>>) target(%arg13 : memref<128x64xf32, #tpu.memory_space<vmem>>) offsets(%dma_start3A_41 : memref<128xi32, #tpu.memory_space<vmem>>) semaphore(%arg21 : memref<!tpu.dma_semaphore, #tpu.memory_space<semaphore_mem>>)
    %dma_start3A_45 = arith.constant 6 : i32
    %dma_start3A_46 = arith.constant 0 : i32
    %dma_start3A_47 = tpu.memref_slice %arg6[%dma_start3A_45, %dma_start3A_46] : memref<80x128xi32, #tpu.memory_space<vmem>> -> memref<1x128xi32, #tpu.memory_space<vmem>>
    %dma_start3A_48 = tpu.memref_squeeze %dma_start3A_47 : memref<1x128xi32, #tpu.memory_space<vmem>> -> memref<128xi32, #tpu.memory_space<vmem>>
    %dma_start3A_49 = arith.constant 0 : i32
    %dma_start3A_50 = arith.constant 0 : i32
    %dma_start3A_51 = tpu.memref_slice %arg2[%dma_start3A_49, %dma_start3A_50] : memref<10000x64xf32, #tpu.memory_space<hbm>> -> memref<10000x64xf32, #tpu.memory_space<hbm>>
    tpu.enqueue_indirect_dma source(%dma_start3A_51 : memref<10000x64xf32, #tpu.memory_space<hbm>>) target(%arg14 : memref<128x64xf32, #tpu.memory_space<vmem>>) offsets(%dma_start3A_48 : memref<128xi32, #tpu.memory_space<vmem>>) semaphore(%arg22 : memref<!tpu.dma_semaphore, #tpu.memory_space<semaphore_mem>>)
    %dma_start3A_52 = arith.constant 7 : i32
    %dma_start3A_53 = arith.constant 0 : i32
    %dma_start3A_54 = tpu.memref_slice %arg6[%dma_start3A_52, %dma_start3A_53] : memref<80x128xi32, #tpu.memory_space<vmem>> -> memref<1x128xi32, #tpu.memory_space<vmem>>
    %dma_start3A_55 = tpu.memref_squeeze %dma_start3A_54 : memref<1x128xi32, #tpu.memory_space<vmem>> -> memref<128xi32, #tpu.memory_space<vmem>>
    %dma_start3A_56 = arith.constant 0 : i32
    %dma_start3A_57 = arith.constant 0 : i32
    %dma_start3A_58 = tpu.memref_slice %arg2[%dma_start3A_56, %dma_start3A_57] : memref<10000x64xf32, #tpu.memory_space<hbm>> -> memref<10000x64xf32, #tpu.memory_space<hbm>>
    tpu.enqueue_indirect_dma source(%dma_start3A_58 : memref<10000x64xf32, #tpu.memory_space<hbm>>) target(%arg15 : memref<128x64xf32, #tpu.memory_space<vmem>>) offsets(%dma_start3A_55 : memref<128xi32, #tpu.memory_space<vmem>>) semaphore(%arg23 : memref<!tpu.dma_semaphore, #tpu.memory_space<semaphore_mem>>)
    %scan3A = arith.constant 0 : i32
    %scan3A_59 = arith.constant 9 : i32
    %scan3A_60 = arith.addi %scan3A, %scan3A_59 : i32
    %scan3A_61 = arith.constant 1 : i32
    scf.for %scan3A_233 = %scan3A to %scan3A_60 step %scan3A_61  : i32 {
      %mul3A_234 = arith.constant 1 : i32
      %mul3A_235 = arith.muli %scan3A_233, %mul3A_234 : i32
      %add3A_236 = arith.constant 0 : i32
      %add3A_237 = arith.addi %add3A_236, %mul3A_235 : i32
      %mul3A_238 = arith.constant 8 : i32
      %mul3A_239 = arith.muli %add3A_237, %mul3A_238 : i32
      %add3A_240 = arith.constant 0 : i32
      %add3A_241 = arith.addi %mul3A_239, %add3A_240 : i32
      %dma_wait3A_242 = arith.constant 0 : i32
      %dma_wait3A_243 = tpu.memref_slice %arg6[%add3A_241, %dma_wait3A_242] : memref<80x128xi32, #tpu.memory_space<vmem>> -> memref<1x128xi32, #tpu.memory_space<vmem>>
      %dma_wait3A_244 = tpu.memref_squeeze %dma_wait3A_243 : memref<1x128xi32, #tpu.memory_space<vmem>> -> memref<128xi32, #tpu.memory_space<vmem>>
      %dma_wait3A_245 = arith.constant 0 : i32
      %dma_wait3A_246 = arith.constant 0 : i32
      %dma_wait3A_247 = tpu.memref_slice %arg2[%dma_wait3A_245, %dma_wait3A_246] : memref<10000x64xf32, #tpu.memory_space<hbm>> -> memref<10000x64xf32, #tpu.memory_space<hbm>>
      tpu.wait_indirect_dma semaphore(%arg16 : memref<!tpu.dma_semaphore, #tpu.memory_space<semaphore_mem>>) src(%dma_wait3A_247 : memref<10000x64xf32, #tpu.memory_space<hbm>>) dst(%arg8 : memref<128x64xf32, #tpu.memory_space<vmem>>)
      %add3A_248 = arith.constant 0 : i32
      %add3A_249 = arith.addi %mul3A_239, %add3A_248 : i32
      %dma_start3A_250 = arith.constant 0 : i32
      %dma_start3A_251 = tpu.memref_slice %arg7[%add3A_249, %dma_start3A_250] : memref<80x128xi32, #tpu.memory_space<vmem>> -> memref<1x128xi32, #tpu.memory_space<vmem>>
      %dma_start3A_252 = tpu.memref_squeeze %dma_start3A_251 : memref<1x128xi32, #tpu.memory_space<vmem>> -> memref<128xi32, #tpu.memory_space<vmem>>
      %dma_start3A_253 = arith.constant 0 : i32
      %dma_start3A_254 = arith.constant 0 : i32
      %dma_start3A_255 = tpu.memref_slice %arg32[%dma_start3A_253, %dma_start3A_254] : memref<10240x64xf32, #tpu.memory_space<vmem_shared>> -> memref<10240x64xf32, #tpu.memory_space<vmem_shared>>
      tpu.enqueue_indirect_dma source(%arg8 : memref<128x64xf32, #tpu.memory_space<vmem>>) target(%dma_start3A_255 : memref<10240x64xf32, #tpu.memory_space<vmem_shared>>) offsets(%dma_start3A_252 : memref<128xi32, #tpu.memory_space<vmem>>) semaphore(%arg24 : memref<!tpu.dma_semaphore, #tpu.memory_space<semaphore_mem>>) {add = true}
      %add3A_256 = arith.constant 1 : i32
      %add3A_257 = arith.addi %mul3A_239, %add3A_256 : i32
      %dma_wait3A_258 = arith.constant 0 : i32
      %dma_wait3A_259 = tpu.memref_slice %arg6[%add3A_257, %dma_wait3A_258] : memref<80x128xi32, #tpu.memory_space<vmem>> -> memref<1x128xi32, #tpu.memory_space<vmem>>
      %dma_wait3A_260 = tpu.memref_squeeze %dma_wait3A_259 : memref<1x128xi32, #tpu.memory_space<vmem>> -> memref<128xi32, #tpu.memory_space<vmem>>
      %dma_wait3A_261 = arith.constant 0 : i32
      %dma_wait3A_262 = arith.constant 0 : i32
      %dma_wait3A_263 = tpu.memref_slice %arg2[%dma_wait3A_261, %dma_wait3A_262] : memref<10000x64xf32, #tpu.memory_space<hbm>> -> memref<10000x64xf32, #tpu.memory_space<hbm>>
      tpu.wait_indirect_dma semaphore(%arg17 : memref<!tpu.dma_semaphore, #tpu.memory_space<semaphore_mem>>) src(%dma_wait3A_263 : memref<10000x64xf32, #tpu.memory_space<hbm>>) dst(%arg9 : memref<128x64xf32, #tpu.memory_space<vmem>>)
      %add3A_264 = arith.constant 1 : i32
      %add3A_265 = arith.addi %mul3A_239, %add3A_264 : i32
      %dma_start3A_266 = arith.constant 0 : i32
      %dma_start3A_267 = tpu.memref_slice %arg7[%add3A_265, %dma_start3A_266] : memref<80x128xi32, #tpu.memory_space<vmem>> -> memref<1x128xi32, #tpu.memory_space<vmem>>
      %dma_start3A_268 = tpu.memref_squeeze %dma_start3A_267 : memref<1x128xi32, #tpu.memory_space<vmem>> -> memref<128xi32, #tpu.memory_space<vmem>>
      %dma_start3A_269 = arith.constant 0 : i32
      %dma_start3A_270 = arith.constant 0 : i32
      %dma_start3A_271 = tpu.memref_slice %arg32[%dma_start3A_269, %dma_start3A_270] : memref<10240x64xf32, #tpu.memory_space<vmem_shared>> -> memref<10240x64xf32, #tpu.memory_space<vmem_shared>>
      tpu.enqueue_indirect_dma source(%arg9 : memref<128x64xf32, #tpu.memory_space<vmem>>) target(%dma_start3A_271 : memref<10240x64xf32, #tpu.memory_space<vmem_shared>>) offsets(%dma_start3A_268 : memref<128xi32, #tpu.memory_space<vmem>>) semaphore(%arg25 : memref<!tpu.dma_semaphore, #tpu.memory_space<semaphore_mem>>) {add = true}
      %add3A_272 = arith.constant 2 : i32
      %add3A_273 = arith.addi %mul3A_239, %add3A_272 : i32
      %dma_wait3A_274 = arith.constant 0 : i32
      %dma_wait3A_275 = tpu.memref_slice %arg6[%add3A_273, %dma_wait3A_274] : memref<80x128xi32, #tpu.memory_space<vmem>> -> memref<1x128xi32, #tpu.memory_space<vmem>>
      %dma_wait3A_276 = tpu.memref_squeeze %dma_wait3A_275 : memref<1x128xi32, #tpu.memory_space<vmem>> -> memref<128xi32, #tpu.memory_space<vmem>>
      %dma_wait3A_277 = arith.constant 0 : i32
      %dma_wait3A_278 = arith.constant 0 : i32
      %dma_wait3A_279 = tpu.memref_slice %arg2[%dma_wait3A_277, %dma_wait3A_278] : memref<10000x64xf32, #tpu.memory_space<hbm>> -> memref<10000x64xf32, #tpu.memory_space<hbm>>
      tpu.wait_indirect_dma semaphore(%arg18 : memref<!tpu.dma_semaphore, #tpu.memory_space<semaphore_mem>>) src(%dma_wait3A_279 : memref<10000x64xf32, #tpu.memory_space<hbm>>) dst(%arg10 : memref<128x64xf32, #tpu.memory_space<vmem>>)
      %add3A_280 = arith.constant 2 : i32
      %add3A_281 = arith.addi %mul3A_239, %add3A_280 : i32
      %dma_start3A_282 = arith.constant 0 : i32
      %dma_start3A_283 = tpu.memref_slice %arg7[%add3A_281, %dma_start3A_282] : memref<80x128xi32, #tpu.memory_space<vmem>> -> memref<1x128xi32, #tpu.memory_space<vmem>>
      %dma_start3A_284 = tpu.memref_squeeze %dma_start3A_283 : memref<1x128xi32, #tpu.memory_space<vmem>> -> memref<128xi32, #tpu.memory_space<vmem>>
      %dma_start3A_285 = arith.constant 0 : i32
      %dma_start3A_286 = arith.constant 0 : i32
      %dma_start3A_287 = tpu.memref_slice %arg32[%dma_start3A_285, %dma_start3A_286] : memref<10240x64xf32, #tpu.memory_space<vmem_shared>> -> memref<10240x64xf32, #tpu.memory_space<vmem_shared>>
      tpu.enqueue_indirect_dma source(%arg10 : memref<128x64xf32, #tpu.memory_space<vmem>>) target(%dma_start3A_287 : memref<10240x64xf32, #tpu.memory_space<vmem_shared>>) offsets(%dma_start3A_284 : memref<128xi32, #tpu.memory_space<vmem>>) semaphore(%arg26 : memref<!tpu.dma_semaphore, #tpu.memory_space<semaphore_mem>>) {add = true}
      %add3A_288 = arith.constant 3 : i32
      %add3A_289 = arith.addi %mul3A_239, %add3A_288 : i32
      %dma_wait3A_290 = arith.constant 0 : i32
      %dma_wait3A_291 = tpu.memref_slice %arg6[%add3A_289, %dma_wait3A_290] : memref<80x128xi32, #tpu.memory_space<vmem>> -> memref<1x128xi32, #tpu.memory_space<vmem>>
      %dma_wait3A_292 = tpu.memref_squeeze %dma_wait3A_291 : memref<1x128xi32, #tpu.memory_space<vmem>> -> memref<128xi32, #tpu.memory_space<vmem>>
      %dma_wait3A_293 = arith.constant 0 : i32
      %dma_wait3A_294 = arith.constant 0 : i32
      %dma_wait3A_295 = tpu.memref_slice %arg2[%dma_wait3A_293, %dma_wait3A_294] : memref<10000x64xf32, #tpu.memory_space<hbm>> -> memref<10000x64xf32, #tpu.memory_space<hbm>>
      tpu.wait_indirect_dma semaphore(%arg19 : memref<!tpu.dma_semaphore, #tpu.memory_space<semaphore_mem>>) src(%dma_wait3A_295 : memref<10000x64xf32, #tpu.memory_space<hbm>>) dst(%arg11 : memref<128x64xf32, #tpu.memory_space<vmem>>)
      %add3A_296 = arith.constant 3 : i32
      %add3A_297 = arith.addi %mul3A_239, %add3A_296 : i32
      %dma_start3A_298 = arith.constant 0 : i32
      %dma_start3A_299 = tpu.memref_slice %arg7[%add3A_297, %dma_start3A_298] : memref<80x128xi32, #tpu.memory_space<vmem>> -> memref<1x128xi32, #tpu.memory_space<vmem>>
      %dma_start3A_300 = tpu.memref_squeeze %dma_start3A_299 : memref<1x128xi32, #tpu.memory_space<vmem>> -> memref<128xi32, #tpu.memory_space<vmem>>
      %dma_start3A_301 = arith.constant 0 : i32
      %dma_start3A_302 = arith.constant 0 : i32
      %dma_start3A_303 = tpu.memref_slice %arg32[%dma_start3A_301, %dma_start3A_302] : memref<10240x64xf32, #tpu.memory_space<vmem_shared>> -> memref<10240x64xf32, #tpu.memory_space<vmem_shared>>
      tpu.enqueue_indirect_dma source(%arg11 : memref<128x64xf32, #tpu.memory_space<vmem>>) target(%dma_start3A_303 : memref<10240x64xf32, #tpu.memory_space<vmem_shared>>) offsets(%dma_start3A_300 : memref<128xi32, #tpu.memory_space<vmem>>) semaphore(%arg27 : memref<!tpu.dma_semaphore, #tpu.memory_space<semaphore_mem>>) {add = true}
      %add3A_304 = arith.constant 4 : i32
      %add3A_305 = arith.addi %mul3A_239, %add3A_304 : i32
      %dma_wait3A_306 = arith.constant 0 : i32
      %dma_wait3A_307 = tpu.memref_slice %arg6[%add3A_305, %dma_wait3A_306] : memref<80x128xi32, #tpu.memory_space<vmem>> -> memref<1x128xi32, #tpu.memory_space<vmem>>
      %dma_wait3A_308 = tpu.memref_squeeze %dma_wait3A_307 : memref<1x128xi32, #tpu.memory_space<vmem>> -> memref<128xi32, #tpu.memory_space<vmem>>
      %dma_wait3A_309 = arith.constant 0 : i32
      %dma_wait3A_310 = arith.constant 0 : i32
      %dma_wait3A_311 = tpu.memref_slice %arg2[%dma_wait3A_309, %dma_wait3A_310] : memref<10000x64xf32, #tpu.memory_space<hbm>> -> memref<10000x64xf32, #tpu.memory_space<hbm>>
      tpu.wait_indirect_dma semaphore(%arg20 : memref<!tpu.dma_semaphore, #tpu.memory_space<semaphore_mem>>) src(%dma_wait3A_311 : memref<10000x64xf32, #tpu.memory_space<hbm>>) dst(%arg12 : memref<128x64xf32, #tpu.memory_space<vmem>>)
      %add3A_312 = arith.constant 4 : i32
      %add3A_313 = arith.addi %mul3A_239, %add3A_312 : i32
      %dma_start3A_314 = arith.constant 0 : i32
      %dma_start3A_315 = tpu.memref_slice %arg7[%add3A_313, %dma_start3A_314] : memref<80x128xi32, #tpu.memory_space<vmem>> -> memref<1x128xi32, #tpu.memory_space<vmem>>
      %dma_start3A_316 = tpu.memref_squeeze %dma_start3A_315 : memref<1x128xi32, #tpu.memory_space<vmem>> -> memref<128xi32, #tpu.memory_space<vmem>>
      %dma_start3A_317 = arith.constant 0 : i32
      %dma_start3A_318 = arith.constant 0 : i32
      %dma_start3A_319 = tpu.memref_slice %arg32[%dma_start3A_317, %dma_start3A_318] : memref<10240x64xf32, #tpu.memory_space<vmem_shared>> -> memref<10240x64xf32, #tpu.memory_space<vmem_shared>>
      tpu.enqueue_indirect_dma source(%arg12 : memref<128x64xf32, #tpu.memory_space<vmem>>) target(%dma_start3A_319 : memref<10240x64xf32, #tpu.memory_space<vmem_shared>>) offsets(%dma_start3A_316 : memref<128xi32, #tpu.memory_space<vmem>>) semaphore(%arg28 : memref<!tpu.dma_semaphore, #tpu.memory_space<semaphore_mem>>) {add = true}
      %add3A_320 = arith.constant 5 : i32
      %add3A_321 = arith.addi %mul3A_239, %add3A_320 : i32
      %dma_wait3A_322 = arith.constant 0 : i32
      %dma_wait3A_323 = tpu.memref_slice %arg6[%add3A_321, %dma_wait3A_322] : memref<80x128xi32, #tpu.memory_space<vmem>> -> memref<1x128xi32, #tpu.memory_space<vmem>>
      %dma_wait3A_324 = tpu.memref_squeeze %dma_wait3A_323 : memref<1x128xi32, #tpu.memory_space<vmem>> -> memref<128xi32, #tpu.memory_space<vmem>>
      %dma_wait3A_325 = arith.constant 0 : i32
      %dma_wait3A_326 = arith.constant 0 : i32
      %dma_wait3A_327 = tpu.memref_slice %arg2[%dma_wait3A_325, %dma_wait3A_326] : memref<10000x64xf32, #tpu.memory_space<hbm>> -> memref<10000x64xf32, #tpu.memory_space<hbm>>
      tpu.wait_indirect_dma semaphore(%arg21 : memref<!tpu.dma_semaphore, #tpu.memory_space<semaphore_mem>>) src(%dma_wait3A_327 : memref<10000x64xf32, #tpu.memory_space<hbm>>) dst(%arg13 : memref<128x64xf32, #tpu.memory_space<vmem>>)
      %add3A_328 = arith.constant 5 : i32
      %add3A_329 = arith.addi %mul3A_239, %add3A_328 : i32
      %dma_start3A_330 = arith.constant 0 : i32
      %dma_start3A_331 = tpu.memref_slice %arg7[%add3A_329, %dma_start3A_330] : memref<80x128xi32, #tpu.memory_space<vmem>> -> memref<1x128xi32, #tpu.memory_space<vmem>>
      %dma_start3A_332 = tpu.memref_squeeze %dma_start3A_331 : memref<1x128xi32, #tpu.memory_space<vmem>> -> memref<128xi32, #tpu.memory_space<vmem>>
      %dma_start3A_333 = arith.constant 0 : i32
      %dma_start3A_334 = arith.constant 0 : i32
      %dma_start3A_335 = tpu.memref_slice %arg32[%dma_start3A_333, %dma_start3A_334] : memref<10240x64xf32, #tpu.memory_space<vmem_shared>> -> memref<10240x64xf32, #tpu.memory_space<vmem_shared>>
      tpu.enqueue_indirect_dma source(%arg13 : memref<128x64xf32, #tpu.memory_space<vmem>>) target(%dma_start3A_335 : memref<10240x64xf32, #tpu.memory_space<vmem_shared>>) offsets(%dma_start3A_332 : memref<128xi32, #tpu.memory_space<vmem>>) semaphore(%arg29 : memref<!tpu.dma_semaphore, #tpu.memory_space<semaphore_mem>>) {add = true}
      %add3A_336 = arith.constant 6 : i32
      %add3A_337 = arith.addi %mul3A_239, %add3A_336 : i32
      %dma_wait3A_338 = arith.constant 0 : i32
      %dma_wait3A_339 = tpu.memref_slice %arg6[%add3A_337, %dma_wait3A_338] : memref<80x128xi32, #tpu.memory_space<vmem>> -> memref<1x128xi32, #tpu.memory_space<vmem>>
      %dma_wait3A_340 = tpu.memref_squeeze %dma_wait3A_339 : memref<1x128xi32, #tpu.memory_space<vmem>> -> memref<128xi32, #tpu.memory_space<vmem>>
      %dma_wait3A_341 = arith.constant 0 : i32
      %dma_wait3A_342 = arith.constant 0 : i32
      %dma_wait3A_343 = tpu.memref_slice %arg2[%dma_wait3A_341, %dma_wait3A_342] : memref<10000x64xf32, #tpu.memory_space<hbm>> -> memref<10000x64xf32, #tpu.memory_space<hbm>>
      tpu.wait_indirect_dma semaphore(%arg22 : memref<!tpu.dma_semaphore, #tpu.memory_space<semaphore_mem>>) src(%dma_wait3A_343 : memref<10000x64xf32, #tpu.memory_space<hbm>>) dst(%arg14 : memref<128x64xf32, #tpu.memory_space<vmem>>)
      %add3A_344 = arith.constant 6 : i32
      %add3A_345 = arith.addi %mul3A_239, %add3A_344 : i32
      %dma_start3A_346 = arith.constant 0 : i32
      %dma_start3A_347 = tpu.memref_slice %arg7[%add3A_345, %dma_start3A_346] : memref<80x128xi32, #tpu.memory_space<vmem>> -> memref<1x128xi32, #tpu.memory_space<vmem>>
      %dma_start3A_348 = tpu.memref_squeeze %dma_start3A_347 : memref<1x128xi32, #tpu.memory_space<vmem>> -> memref<128xi32, #tpu.memory_space<vmem>>
      %dma_start3A_349 = arith.constant 0 : i32
      %dma_start3A_350 = arith.constant 0 : i32
      %dma_start3A_351 = tpu.memref_slice %arg32[%dma_start3A_349, %dma_start3A_350] : memref<10240x64xf32, #tpu.memory_space<vmem_shared>> -> memref<10240x64xf32, #tpu.memory_space<vmem_shared>>
      tpu.enqueue_indirect_dma source(%arg14 : memref<128x64xf32, #tpu.memory_space<vmem>>) target(%dma_start3A_351 : memref<10240x64xf32, #tpu.memory_space<vmem_shared>>) offsets(%dma_start3A_348 : memref<128xi32, #tpu.memory_space<vmem>>) semaphore(%arg30 : memref<!tpu.dma_semaphore, #tpu.memory_space<semaphore_mem>>) {add = true}
      %add3A_352 = arith.constant 7 : i32
      %add3A_353 = arith.addi %mul3A_239, %add3A_352 : i32
      %dma_wait3A_354 = arith.constant 0 : i32
      %dma_wait3A_355 = tpu.memref_slice %arg6[%add3A_353, %dma_wait3A_354] : memref<80x128xi32, #tpu.memory_space<vmem>> -> memref<1x128xi32, #tpu.memory_space<vmem>>
      %dma_wait3A_356 = tpu.memref_squeeze %dma_wait3A_355 : memref<1x128xi32, #tpu.memory_space<vmem>> -> memref<128xi32, #tpu.memory_space<vmem>>
      %dma_wait3A_357 = arith.constant 0 : i32
      %dma_wait3A_358 = arith.constant 0 : i32
      %dma_wait3A_359 = tpu.memref_slice %arg2[%dma_wait3A_357, %dma_wait3A_358] : memref<10000x64xf32, #tpu.memory_space<hbm>> -> memref<10000x64xf32, #tpu.memory_space<hbm>>
      tpu.wait_indirect_dma semaphore(%arg23 : memref<!tpu.dma_semaphore, #tpu.memory_space<semaphore_mem>>) src(%dma_wait3A_359 : memref<10000x64xf32, #tpu.memory_space<hbm>>) dst(%arg15 : memref<128x64xf32, #tpu.memory_space<vmem>>)
      %add3A_360 = arith.constant 7 : i32
      %add3A_361 = arith.addi %mul3A_239, %add3A_360 : i32
      %dma_start3A_362 = arith.constant 0 : i32
      %dma_start3A_363 = tpu.memref_slice %arg7[%add3A_361, %dma_start3A_362] : memref<80x128xi32, #tpu.memory_space<vmem>> -> memref<1x128xi32, #tpu.memory_space<vmem>>
      %dma_start3A_364 = tpu.memref_squeeze %dma_start3A_363 : memref<1x128xi32, #tpu.memory_space<vmem>> -> memref<128xi32, #tpu.memory_space<vmem>>
      %dma_start3A_365 = arith.constant 0 : i32
      %dma_start3A_366 = arith.constant 0 : i32
      %dma_start3A_367 = tpu.memref_slice %arg32[%dma_start3A_365, %dma_start3A_366] : memref<10240x64xf32, #tpu.memory_space<vmem_shared>> -> memref<10240x64xf32, #tpu.memory_space<vmem_shared>>
      tpu.enqueue_indirect_dma source(%arg15 : memref<128x64xf32, #tpu.memory_space<vmem>>) target(%dma_start3A_367 : memref<10240x64xf32, #tpu.memory_space<vmem_shared>>) offsets(%dma_start3A_364 : memref<128xi32, #tpu.memory_space<vmem>>) semaphore(%arg31 : memref<!tpu.dma_semaphore, #tpu.memory_space<semaphore_mem>>) {add = true}
      %add3A_368 = arith.constant 0 : i32
      %add3A_369 = arith.addi %mul3A_239, %add3A_368 : i32
      %dma_wait3A_370 = arith.constant 0 : i32
      %dma_wait3A_371 = tpu.memref_slice %arg7[%add3A_369, %dma_wait3A_370] : memref<80x128xi32, #tpu.memory_space<vmem>> -> memref<1x128xi32, #tpu.memory_space<vmem>>
      %dma_wait3A_372 = tpu.memref_squeeze %dma_wait3A_371 : memref<1x128xi32, #tpu.memory_space<vmem>> -> memref<128xi32, #tpu.memory_space<vmem>>
      %dma_wait3A_373 = arith.constant 0 : i32
      %dma_wait3A_374 = arith.constant 0 : i32
      %dma_wait3A_375 = tpu.memref_slice %arg32[%dma_wait3A_373, %dma_wait3A_374] : memref<10240x64xf32, #tpu.memory_space<vmem_shared>> -> memref<10240x64xf32, #tpu.memory_space<vmem_shared>>
      tpu.wait_indirect_dma semaphore(%arg24 : memref<!tpu.dma_semaphore, #tpu.memory_space<semaphore_mem>>) src(%arg8 : memref<128x64xf32, #tpu.memory_space<vmem>>) dst(%dma_wait3A_375 : memref<10240x64xf32, #tpu.memory_space<vmem_shared>>)
      %add3A_376 = arith.constant 8 : i32
      %add3A_377 = arith.addi %mul3A_239, %add3A_376 : i32
      %add3A_378 = arith.constant 0 : i32
      %add3A_379 = arith.addi %add3A_377, %add3A_378 : i32
      %dma_start3A_380 = arith.constant 0 : i32
      %dma_start3A_381 = tpu.memref_slice %arg6[%add3A_379, %dma_start3A_380] : memref<80x128xi32, #tpu.memory_space<vmem>> -> memref<1x128xi32, #tpu.memory_space<vmem>>
      %dma_start3A_382 = tpu.memref_squeeze %dma_start3A_381 : memref<1x128xi32, #tpu.memory_space<vmem>> -> memref<128xi32, #tpu.memory_space<vmem>>
      %dma_start3A_383 = arith.constant 0 : i32
      %dma_start3A_384 = arith.constant 0 : i32
      %dma_start3A_385 = tpu.memref_slice %arg2[%dma_start3A_383, %dma_start3A_384] : memref<10000x64xf32, #tpu.memory_space<hbm>> -> memref<10000x64xf32, #tpu.memory_space<hbm>>
      tpu.enqueue_indirect_dma source(%dma_start3A_385 : memref<10000x64xf32, #tpu.memory_space<hbm>>) target(%arg8 : memref<128x64xf32, #tpu.memory_space<vmem>>) offsets(%dma_start3A_382 : memref<128xi32, #tpu.memory_space<vmem>>) semaphore(%arg16 : memref<!tpu.dma_semaphore, #tpu.memory_space<semaphore_mem>>)
      %add3A_386 = arith.constant 1 : i32
      %add3A_387 = arith.addi %mul3A_239, %add3A_386 : i32
      %dma_wait3A_388 = arith.constant 0 : i32
      %dma_wait3A_389 = tpu.memref_slice %arg7[%add3A_387, %dma_wait3A_388] : memref<80x128xi32, #tpu.memory_space<vmem>> -> memref<1x128xi32, #tpu.memory_space<vmem>>
      %dma_wait3A_390 = tpu.memref_squeeze %dma_wait3A_389 : memref<1x128xi32, #tpu.memory_space<vmem>> -> memref<128xi32, #tpu.memory_space<vmem>>
      %dma_wait3A_391 = arith.constant 0 : i32
      %dma_wait3A_392 = arith.constant 0 : i32
      %dma_wait3A_393 = tpu.memref_slice %arg32[%dma_wait3A_391, %dma_wait3A_392] : memref<10240x64xf32, #tpu.memory_space<vmem_shared>> -> memref<10240x64xf32, #tpu.memory_space<vmem_shared>>
      tpu.wait_indirect_dma semaphore(%arg25 : memref<!tpu.dma_semaphore, #tpu.memory_space<semaphore_mem>>) src(%arg9 : memref<128x64xf32, #tpu.memory_space<vmem>>) dst(%dma_wait3A_393 : memref<10240x64xf32, #tpu.memory_space<vmem_shared>>)
      %add3A_394 = arith.constant 8 : i32
      %add3A_395 = arith.addi %mul3A_239, %add3A_394 : i32
      %add3A_396 = arith.constant 1 : i32
      %add3A_397 = arith.addi %add3A_395, %add3A_396 : i32
      %dma_start3A_398 = arith.constant 0 : i32
      %dma_start3A_399 = tpu.memref_slice %arg6[%add3A_397, %dma_start3A_398] : memref<80x128xi32, #tpu.memory_space<vmem>> -> memref<1x128xi32, #tpu.memory_space<vmem>>
      %dma_start3A_400 = tpu.memref_squeeze %dma_start3A_399 : memref<1x128xi32, #tpu.memory_space<vmem>> -> memref<128xi32, #tpu.memory_space<vmem>>
      %dma_start3A_401 = arith.constant 0 : i32
      %dma_start3A_402 = arith.constant 0 : i32
      %dma_start3A_403 = tpu.memref_slice %arg2[%dma_start3A_401, %dma_start3A_402] : memref<10000x64xf32, #tpu.memory_space<hbm>> -> memref<10000x64xf32, #tpu.memory_space<hbm>>
      tpu.enqueue_indirect_dma source(%dma_start3A_403 : memref<10000x64xf32, #tpu.memory_space<hbm>>) target(%arg9 : memref<128x64xf32, #tpu.memory_space<vmem>>) offsets(%dma_start3A_400 : memref<128xi32, #tpu.memory_space<vmem>>) semaphore(%arg17 : memref<!tpu.dma_semaphore, #tpu.memory_space<semaphore_mem>>)
      %add3A_404 = arith.constant 2 : i32
      %add3A_405 = arith.addi %mul3A_239, %add3A_404 : i32
      %dma_wait3A_406 = arith.constant 0 : i32
      %dma_wait3A_407 = tpu.memref_slice %arg7[%add3A_405, %dma_wait3A_406] : memref<80x128xi32, #tpu.memory_space<vmem>> -> memref<1x128xi32, #tpu.memory_space<vmem>>
      %dma_wait3A_408 = tpu.memref_squeeze %dma_wait3A_407 : memref<1x128xi32, #tpu.memory_space<vmem>> -> memref<128xi32, #tpu.memory_space<vmem>>
      %dma_wait3A_409 = arith.constant 0 : i32
      %dma_wait3A_410 = arith.constant 0 : i32
      %dma_wait3A_411 = tpu.memref_slice %arg32[%dma_wait3A_409, %dma_wait3A_410] : memref<10240x64xf32, #tpu.memory_space<vmem_shared>> -> memref<10240x64xf32, #tpu.memory_space<vmem_shared>>
      tpu.wait_indirect_dma semaphore(%arg26 : memref<!tpu.dma_semaphore, #tpu.memory_space<semaphore_mem>>) src(%arg10 : memref<128x64xf32, #tpu.memory_space<vmem>>) dst(%dma_wait3A_411 : memref<10240x64xf32, #tpu.memory_space<vmem_shared>>)
      %add3A_412 = arith.constant 8 : i32
      %add3A_413 = arith.addi %mul3A_239, %add3A_412 : i32
      %add3A_414 = arith.constant 2 : i32
      %add3A_415 = arith.addi %add3A_413, %add3A_414 : i32
      %dma_start3A_416 = arith.constant 0 : i32
      %dma_start3A_417 = tpu.memref_slice %arg6[%add3A_415, %dma_start3A_416] : memref<80x128xi32, #tpu.memory_space<vmem>> -> memref<1x128xi32, #tpu.memory_space<vmem>>
      %dma_start3A_418 = tpu.memref_squeeze %dma_start3A_417 : memref<1x128xi32, #tpu.memory_space<vmem>> -> memref<128xi32, #tpu.memory_space<vmem>>
      %dma_start3A_419 = arith.constant 0 : i32
      %dma_start3A_420 = arith.constant 0 : i32
      %dma_start3A_421 = tpu.memref_slice %arg2[%dma_start3A_419, %dma_start3A_420] : memref<10000x64xf32, #tpu.memory_space<hbm>> -> memref<10000x64xf32, #tpu.memory_space<hbm>>
      tpu.enqueue_indirect_dma source(%dma_start3A_421 : memref<10000x64xf32, #tpu.memory_space<hbm>>) target(%arg10 : memref<128x64xf32, #tpu.memory_space<vmem>>) offsets(%dma_start3A_418 : memref<128xi32, #tpu.memory_space<vmem>>) semaphore(%arg18 : memref<!tpu.dma_semaphore, #tpu.memory_space<semaphore_mem>>)
      %add3A_422 = arith.constant 3 : i32
      %add3A_423 = arith.addi %mul3A_239, %add3A_422 : i32
      %dma_wait3A_424 = arith.constant 0 : i32
      %dma_wait3A_425 = tpu.memref_slice %arg7[%add3A_423, %dma_wait3A_424] : memref<80x128xi32, #tpu.memory_space<vmem>> -> memref<1x128xi32, #tpu.memory_space<vmem>>
      %dma_wait3A_426 = tpu.memref_squeeze %dma_wait3A_425 : memref<1x128xi32, #tpu.memory_space<vmem>> -> memref<128xi32, #tpu.memory_space<vmem>>
      %dma_wait3A_427 = arith.constant 0 : i32
      %dma_wait3A_428 = arith.constant 0 : i32
      %dma_wait3A_429 = tpu.memref_slice %arg32[%dma_wait3A_427, %dma_wait3A_428] : memref<10240x64xf32, #tpu.memory_space<vmem_shared>> -> memref<10240x64xf32, #tpu.memory_space<vmem_shared>>
      tpu.wait_indirect_dma semaphore(%arg27 : memref<!tpu.dma_semaphore, #tpu.memory_space<semaphore_mem>>) src(%arg11 : memref<128x64xf32, #tpu.memory_space<vmem>>) dst(%dma_wait3A_429 : memref<10240x64xf32, #tpu.memory_space<vmem_shared>>)
      %add3A_430 = arith.constant 8 : i32
      %add3A_431 = arith.addi %mul3A_239, %add3A_430 : i32
      %add3A_432 = arith.constant 3 : i32
      %add3A_433 = arith.addi %add3A_431, %add3A_432 : i32
      %dma_start3A_434 = arith.constant 0 : i32
      %dma_start3A_435 = tpu.memref_slice %arg6[%add3A_433, %dma_start3A_434] : memref<80x128xi32, #tpu.memory_space<vmem>> -> memref<1x128xi32, #tpu.memory_space<vmem>>
      %dma_start3A_436 = tpu.memref_squeeze %dma_start3A_435 : memref<1x128xi32, #tpu.memory_space<vmem>> -> memref<128xi32, #tpu.memory_space<vmem>>
      %dma_start3A_437 = arith.constant 0 : i32
      %dma_start3A_438 = arith.constant 0 : i32
      %dma_start3A_439 = tpu.memref_slice %arg2[%dma_start3A_437, %dma_start3A_438] : memref<10000x64xf32, #tpu.memory_space<hbm>> -> memref<10000x64xf32, #tpu.memory_space<hbm>>
      tpu.enqueue_indirect_dma source(%dma_start3A_439 : memref<10000x64xf32, #tpu.memory_space<hbm>>) target(%arg11 : memref<128x64xf32, #tpu.memory_space<vmem>>) offsets(%dma_start3A_436 : memref<128xi32, #tpu.memory_space<vmem>>) semaphore(%arg19 : memref<!tpu.dma_semaphore, #tpu.memory_space<semaphore_mem>>)
      %add3A_440 = arith.constant 4 : i32
      %add3A_441 = arith.addi %mul3A_239, %add3A_440 : i32
      %dma_wait3A_442 = arith.constant 0 : i32
      %dma_wait3A_443 = tpu.memref_slice %arg7[%add3A_441, %dma_wait3A_442] : memref<80x128xi32, #tpu.memory_space<vmem>> -> memref<1x128xi32, #tpu.memory_space<vmem>>
      %dma_wait3A_444 = tpu.memref_squeeze %dma_wait3A_443 : memref<1x128xi32, #tpu.memory_space<vmem>> -> memref<128xi32, #tpu.memory_space<vmem>>
      %dma_wait3A_445 = arith.constant 0 : i32
      %dma_wait3A_446 = arith.constant 0 : i32
      %dma_wait3A_447 = tpu.memref_slice %arg32[%dma_wait3A_445, %dma_wait3A_446] : memref<10240x64xf32, #tpu.memory_space<vmem_shared>> -> memref<10240x64xf32, #tpu.memory_space<vmem_shared>>
      tpu.wait_indirect_dma semaphore(%arg28 : memref<!tpu.dma_semaphore, #tpu.memory_space<semaphore_mem>>) src(%arg12 : memref<128x64xf32, #tpu.memory_space<vmem>>) dst(%dma_wait3A_447 : memref<10240x64xf32, #tpu.memory_space<vmem_shared>>)
      %add3A_448 = arith.constant 8 : i32
      %add3A_449 = arith.addi %mul3A_239, %add3A_448 : i32
      %add3A_450 = arith.constant 4 : i32
      %add3A_451 = arith.addi %add3A_449, %add3A_450 : i32
      %dma_start3A_452 = arith.constant 0 : i32
      %dma_start3A_453 = tpu.memref_slice %arg6[%add3A_451, %dma_start3A_452] : memref<80x128xi32, #tpu.memory_space<vmem>> -> memref<1x128xi32, #tpu.memory_space<vmem>>
      %dma_start3A_454 = tpu.memref_squeeze %dma_start3A_453 : memref<1x128xi32, #tpu.memory_space<vmem>> -> memref<128xi32, #tpu.memory_space<vmem>>
      %dma_start3A_455 = arith.constant 0 : i32
      %dma_start3A_456 = arith.constant 0 : i32
      %dma_start3A_457 = tpu.memref_slice %arg2[%dma_start3A_455, %dma_start3A_456] : memref<10000x64xf32, #tpu.memory_space<hbm>> -> memref<10000x64xf32, #tpu.memory_space<hbm>>
      tpu.enqueue_indirect_dma source(%dma_start3A_457 : memref<10000x64xf32, #tpu.memory_space<hbm>>) target(%arg12 : memref<128x64xf32, #tpu.memory_space<vmem>>) offsets(%dma_start3A_454 : memref<128xi32, #tpu.memory_space<vmem>>) semaphore(%arg20 : memref<!tpu.dma_semaphore, #tpu.memory_space<semaphore_mem>>)
      %add3A_458 = arith.constant 5 : i32
      %add3A_459 = arith.addi %mul3A_239, %add3A_458 : i32
      %dma_wait3A_460 = arith.constant 0 : i32
      %dma_wait3A_461 = tpu.memref_slice %arg7[%add3A_459, %dma_wait3A_460] : memref<80x128xi32, #tpu.memory_space<vmem>> -> memref<1x128xi32, #tpu.memory_space<vmem>>
      %dma_wait3A_462 = tpu.memref_squeeze %dma_wait3A_461 : memref<1x128xi32, #tpu.memory_space<vmem>> -> memref<128xi32, #tpu.memory_space<vmem>>
      %dma_wait3A_463 = arith.constant 0 : i32
      %dma_wait3A_464 = arith.constant 0 : i32
      %dma_wait3A_465 = tpu.memref_slice %arg32[%dma_wait3A_463, %dma_wait3A_464] : memref<10240x64xf32, #tpu.memory_space<vmem_shared>> -> memref<10240x64xf32, #tpu.memory_space<vmem_shared>>
      tpu.wait_indirect_dma semaphore(%arg29 : memref<!tpu.dma_semaphore, #tpu.memory_space<semaphore_mem>>) src(%arg13 : memref<128x64xf32, #tpu.memory_space<vmem>>) dst(%dma_wait3A_465 : memref<10240x64xf32, #tpu.memory_space<vmem_shared>>)
      %add3A_466 = arith.constant 8 : i32
      %add3A_467 = arith.addi %mul3A_239, %add3A_466 : i32
      %add3A_468 = arith.constant 5 : i32
      %add3A_469 = arith.addi %add3A_467, %add3A_468 : i32
      %dma_start3A_470 = arith.constant 0 : i32
      %dma_start3A_471 = tpu.memref_slice %arg6[%add3A_469, %dma_start3A_470] : memref<80x128xi32, #tpu.memory_space<vmem>> -> memref<1x128xi32, #tpu.memory_space<vmem>>
      %dma_start3A_472 = tpu.memref_squeeze %dma_start3A_471 : memref<1x128xi32, #tpu.memory_space<vmem>> -> memref<128xi32, #tpu.memory_space<vmem>>
      %dma_start3A_473 = arith.constant 0 : i32
      %dma_start3A_474 = arith.constant 0 : i32
      %dma_start3A_475 = tpu.memref_slice %arg2[%dma_start3A_473, %dma_start3A_474] : memref<10000x64xf32, #tpu.memory_space<hbm>> -> memref<10000x64xf32, #tpu.memory_space<hbm>>
      tpu.enqueue_indirect_dma source(%dma_start3A_475 : memref<10000x64xf32, #tpu.memory_space<hbm>>) target(%arg13 : memref<128x64xf32, #tpu.memory_space<vmem>>) offsets(%dma_start3A_472 : memref<128xi32, #tpu.memory_space<vmem>>) semaphore(%arg21 : memref<!tpu.dma_semaphore, #tpu.memory_space<semaphore_mem>>)
      %add3A_476 = arith.constant 6 : i32
      %add3A_477 = arith.addi %mul3A_239, %add3A_476 : i32
      %dma_wait3A_478 = arith.constant 0 : i32
      %dma_wait3A_479 = tpu.memref_slice %arg7[%add3A_477, %dma_wait3A_478] : memref<80x128xi32, #tpu.memory_space<vmem>> -> memref<1x128xi32, #tpu.memory_space<vmem>>
      %dma_wait3A_480 = tpu.memref_squeeze %dma_wait3A_479 : memref<1x128xi32, #tpu.memory_space<vmem>> -> memref<128xi32, #tpu.memory_space<vmem>>
      %dma_wait3A_481 = arith.constant 0 : i32
      %dma_wait3A_482 = arith.constant 0 : i32
      %dma_wait3A_483 = tpu.memref_slice %arg32[%dma_wait3A_481, %dma_wait3A_482] : memref<10240x64xf32, #tpu.memory_space<vmem_shared>> -> memref<10240x64xf32, #tpu.memory_space<vmem_shared>>
      tpu.wait_indirect_dma semaphore(%arg30 : memref<!tpu.dma_semaphore, #tpu.memory_space<semaphore_mem>>) src(%arg14 : memref<128x64xf32, #tpu.memory_space<vmem>>) dst(%dma_wait3A_483 : memref<10240x64xf32, #tpu.memory_space<vmem_shared>>)
      %add3A_484 = arith.constant 8 : i32
      %add3A_485 = arith.addi %mul3A_239, %add3A_484 : i32
      %add3A_486 = arith.constant 6 : i32
      %add3A_487 = arith.addi %add3A_485, %add3A_486 : i32
      %dma_start3A_488 = arith.constant 0 : i32
      %dma_start3A_489 = tpu.memref_slice %arg6[%add3A_487, %dma_start3A_488] : memref<80x128xi32, #tpu.memory_space<vmem>> -> memref<1x128xi32, #tpu.memory_space<vmem>>
      %dma_start3A_490 = tpu.memref_squeeze %dma_start3A_489 : memref<1x128xi32, #tpu.memory_space<vmem>> -> memref<128xi32, #tpu.memory_space<vmem>>
      %dma_start3A_491 = arith.constant 0 : i32
      %dma_start3A_492 = arith.constant 0 : i32
      %dma_start3A_493 = tpu.memref_slice %arg2[%dma_start3A_491, %dma_start3A_492] : memref<10000x64xf32, #tpu.memory_space<hbm>> -> memref<10000x64xf32, #tpu.memory_space<hbm>>
      tpu.enqueue_indirect_dma source(%dma_start3A_493 : memref<10000x64xf32, #tpu.memory_space<hbm>>) target(%arg14 : memref<128x64xf32, #tpu.memory_space<vmem>>) offsets(%dma_start3A_490 : memref<128xi32, #tpu.memory_space<vmem>>) semaphore(%arg22 : memref<!tpu.dma_semaphore, #tpu.memory_space<semaphore_mem>>)
      %add3A_494 = arith.constant 7 : i32
      %add3A_495 = arith.addi %mul3A_239, %add3A_494 : i32
      %dma_wait3A_496 = arith.constant 0 : i32
      %dma_wait3A_497 = tpu.memref_slice %arg7[%add3A_495, %dma_wait3A_496] : memref<80x128xi32, #tpu.memory_space<vmem>> -> memref<1x128xi32, #tpu.memory_space<vmem>>
      %dma_wait3A_498 = tpu.memref_squeeze %dma_wait3A_497 : memref<1x128xi32, #tpu.memory_space<vmem>> -> memref<128xi32, #tpu.memory_space<vmem>>
      %dma_wait3A_499 = arith.constant 0 : i32
      %dma_wait3A_500 = arith.constant 0 : i32
      %dma_wait3A_501 = tpu.memref_slice %arg32[%dma_wait3A_499, %dma_wait3A_500] : memref<10240x64xf32, #tpu.memory_space<vmem_shared>> -> memref<10240x64xf32, #tpu.memory_space<vmem_shared>>
      tpu.wait_indirect_dma semaphore(%arg31 : memref<!tpu.dma_semaphore, #tpu.memory_space<semaphore_mem>>) src(%arg15 : memref<128x64xf32, #tpu.memory_space<vmem>>) dst(%dma_wait3A_501 : memref<10240x64xf32, #tpu.memory_space<vmem_shared>>)
      %add3A_502 = arith.constant 8 : i32
      %add3A_503 = arith.addi %mul3A_239, %add3A_502 : i32
      %add3A_504 = arith.constant 7 : i32
      %add3A_505 = arith.addi %add3A_503, %add3A_504 : i32
      %dma_start3A_506 = arith.constant 0 : i32
      %dma_start3A_507 = tpu.memref_slice %arg6[%add3A_505, %dma_start3A_506] : memref<80x128xi32, #tpu.memory_space<vmem>> -> memref<1x128xi32, #tpu.memory_space<vmem>>
      %dma_start3A_508 = tpu.memref_squeeze %dma_start3A_507 : memref<1x128xi32, #tpu.memory_space<vmem>> -> memref<128xi32, #tpu.memory_space<vmem>>
      %dma_start3A_509 = arith.constant 0 : i32
      %dma_start3A_510 = arith.constant 0 : i32
      %dma_start3A_511 = tpu.memref_slice %arg2[%dma_start3A_509, %dma_start3A_510] : memref<10000x64xf32, #tpu.memory_space<hbm>> -> memref<10000x64xf32, #tpu.memory_space<hbm>>
      tpu.enqueue_indirect_dma source(%dma_start3A_511 : memref<10000x64xf32, #tpu.memory_space<hbm>>) target(%arg15 : memref<128x64xf32, #tpu.memory_space<vmem>>) offsets(%dma_start3A_508 : memref<128xi32, #tpu.memory_space<vmem>>) semaphore(%arg23 : memref<!tpu.dma_semaphore, #tpu.memory_space<semaphore_mem>>)
    }
    %scan3A_62 = arith.constant 9 : i32
    %dma_wait3A = arith.constant 72 : i32
    %dma_wait3A_63 = arith.constant 0 : i32
    %dma_wait3A_64 = tpu.memref_slice %arg6[%dma_wait3A, %dma_wait3A_63] : memref<80x128xi32, #tpu.memory_space<vmem>> -> memref<1x128xi32, #tpu.memory_space<vmem>>
    %dma_wait3A_65 = tpu.memref_squeeze %dma_wait3A_64 : memref<1x128xi32, #tpu.memory_space<vmem>> -> memref<128xi32, #tpu.memory_space<vmem>>
    %dma_wait3A_66 = arith.constant 0 : i32
    %dma_wait3A_67 = arith.constant 0 : i32
    %dma_wait3A_68 = tpu.memref_slice %arg2[%dma_wait3A_66, %dma_wait3A_67] : memref<10000x64xf32, #tpu.memory_space<hbm>> -> memref<10000x64xf32, #tpu.memory_space<hbm>>
    tpu.wait_indirect_dma semaphore(%arg16 : memref<!tpu.dma_semaphore, #tpu.memory_space<semaphore_mem>>) src(%dma_wait3A_68 : memref<10000x64xf32, #tpu.memory_space<hbm>>) dst(%arg8 : memref<128x64xf32, #tpu.memory_space<vmem>>)
    %dma_start3A_69 = arith.constant 72 : i32
    %dma_start3A_70 = arith.constant 0 : i32
    %dma_start3A_71 = tpu.memref_slice %arg7[%dma_start3A_69, %dma_start3A_70] : memref<80x128xi32, #tpu.memory_space<vmem>> -> memref<1x128xi32, #tpu.memory_space<vmem>>
    %dma_start3A_72 = tpu.memref_squeeze %dma_start3A_71 : memref<1x128xi32, #tpu.memory_space<vmem>> -> memref<128xi32, #tpu.memory_space<vmem>>
    %dma_start3A_73 = arith.constant 0 : i32
    %dma_start3A_74 = arith.constant 0 : i32
    %dma_start3A_75 = tpu.memref_slice %arg32[%dma_start3A_73, %dma_start3A_74] : memref<10240x64xf32, #tpu.memory_space<vmem_shared>> -> memref<10240x64xf32, #tpu.memory_space<vmem_shared>>
    tpu.enqueue_indirect_dma source(%arg8 : memref<128x64xf32, #tpu.memory_space<vmem>>) target(%dma_start3A_75 : memref<10240x64xf32, #tpu.memory_space<vmem_shared>>) offsets(%dma_start3A_72 : memref<128xi32, #tpu.memory_space<vmem>>) semaphore(%arg24 : memref<!tpu.dma_semaphore, #tpu.memory_space<semaphore_mem>>) {add = true}
    %dma_wait3A_76 = arith.constant 73 : i32
    %dma_wait3A_77 = arith.constant 0 : i32
    %dma_wait3A_78 = tpu.memref_slice %arg6[%dma_wait3A_76, %dma_wait3A_77] : memref<80x128xi32, #tpu.memory_space<vmem>> -> memref<1x128xi32, #tpu.memory_space<vmem>>
    %dma_wait3A_79 = tpu.memref_squeeze %dma_wait3A_78 : memref<1x128xi32, #tpu.memory_space<vmem>> -> memref<128xi32, #tpu.memory_space<vmem>>
    %dma_wait3A_80 = arith.constant 0 : i32
    %dma_wait3A_81 = arith.constant 0 : i32
    %dma_wait3A_82 = tpu.memref_slice %arg2[%dma_wait3A_80, %dma_wait3A_81] : memref<10000x64xf32, #tpu.memory_space<hbm>> -> memref<10000x64xf32, #tpu.memory_space<hbm>>
    tpu.wait_indirect_dma semaphore(%arg17 : memref<!tpu.dma_semaphore, #tpu.memory_space<semaphore_mem>>) src(%dma_wait3A_82 : memref<10000x64xf32, #tpu.memory_space<hbm>>) dst(%arg9 : memref<128x64xf32, #tpu.memory_space<vmem>>)
    %dma_start3A_83 = arith.constant 73 : i32
    %dma_start3A_84 = arith.constant 0 : i32
    %dma_start3A_85 = tpu.memref_slice %arg7[%dma_start3A_83, %dma_start3A_84] : memref<80x128xi32, #tpu.memory_space<vmem>> -> memref<1x128xi32, #tpu.memory_space<vmem>>
    %dma_start3A_86 = tpu.memref_squeeze %dma_start3A_85 : memref<1x128xi32, #tpu.memory_space<vmem>> -> memref<128xi32, #tpu.memory_space<vmem>>
    %dma_start3A_87 = arith.constant 0 : i32
    %dma_start3A_88 = arith.constant 0 : i32
    %dma_start3A_89 = tpu.memref_slice %arg32[%dma_start3A_87, %dma_start3A_88] : memref<10240x64xf32, #tpu.memory_space<vmem_shared>> -> memref<10240x64xf32, #tpu.memory_space<vmem_shared>>
    tpu.enqueue_indirect_dma source(%arg9 : memref<128x64xf32, #tpu.memory_space<vmem>>) target(%dma_start3A_89 : memref<10240x64xf32, #tpu.memory_space<vmem_shared>>) offsets(%dma_start3A_86 : memref<128xi32, #tpu.memory_space<vmem>>) semaphore(%arg25 : memref<!tpu.dma_semaphore, #tpu.memory_space<semaphore_mem>>) {add = true}
    %dma_wait3A_90 = arith.constant 74 : i32
    %dma_wait3A_91 = arith.constant 0 : i32
    %dma_wait3A_92 = tpu.memref_slice %arg6[%dma_wait3A_90, %dma_wait3A_91] : memref<80x128xi32, #tpu.memory_space<vmem>> -> memref<1x128xi32, #tpu.memory_space<vmem>>
    %dma_wait3A_93 = tpu.memref_squeeze %dma_wait3A_92 : memref<1x128xi32, #tpu.memory_space<vmem>> -> memref<128xi32, #tpu.memory_space<vmem>>
    %dma_wait3A_94 = arith.constant 0 : i32
    %dma_wait3A_95 = arith.constant 0 : i32
    %dma_wait3A_96 = tpu.memref_slice %arg2[%dma_wait3A_94, %dma_wait3A_95] : memref<10000x64xf32, #tpu.memory_space<hbm>> -> memref<10000x64xf32, #tpu.memory_space<hbm>>
    tpu.wait_indirect_dma semaphore(%arg18 : memref<!tpu.dma_semaphore, #tpu.memory_space<semaphore_mem>>) src(%dma_wait3A_96 : memref<10000x64xf32, #tpu.memory_space<hbm>>) dst(%arg10 : memref<128x64xf32, #tpu.memory_space<vmem>>)
    %dma_start3A_97 = arith.constant 74 : i32
    %dma_start3A_98 = arith.constant 0 : i32
    %dma_start3A_99 = tpu.memref_slice %arg7[%dma_start3A_97, %dma_start3A_98] : memref<80x128xi32, #tpu.memory_space<vmem>> -> memref<1x128xi32, #tpu.memory_space<vmem>>
    %dma_start3A_100 = tpu.memref_squeeze %dma_start3A_99 : memref<1x128xi32, #tpu.memory_space<vmem>> -> memref<128xi32, #tpu.memory_space<vmem>>
    %dma_start3A_101 = arith.constant 0 : i32
    %dma_start3A_102 = arith.constant 0 : i32
    %dma_start3A_103 = tpu.memref_slice %arg32[%dma_start3A_101, %dma_start3A_102] : memref<10240x64xf32, #tpu.memory_space<vmem_shared>> -> memref<10240x64xf32, #tpu.memory_space<vmem_shared>>
    tpu.enqueue_indirect_dma source(%arg10 : memref<128x64xf32, #tpu.memory_space<vmem>>) target(%dma_start3A_103 : memref<10240x64xf32, #tpu.memory_space<vmem_shared>>) offsets(%dma_start3A_100 : memref<128xi32, #tpu.memory_space<vmem>>) semaphore(%arg26 : memref<!tpu.dma_semaphore, #tpu.memory_space<semaphore_mem>>) {add = true}
    %dma_wait3A_104 = arith.constant 75 : i32
    %dma_wait3A_105 = arith.constant 0 : i32
    %dma_wait3A_106 = tpu.memref_slice %arg6[%dma_wait3A_104, %dma_wait3A_105] : memref<80x128xi32, #tpu.memory_space<vmem>> -> memref<1x128xi32, #tpu.memory_space<vmem>>
    %dma_wait3A_107 = tpu.memref_squeeze %dma_wait3A_106 : memref<1x128xi32, #tpu.memory_space<vmem>> -> memref<128xi32, #tpu.memory_space<vmem>>
    %dma_wait3A_108 = arith.constant 0 : i32
    %dma_wait3A_109 = arith.constant 0 : i32
    %dma_wait3A_110 = tpu.memref_slice %arg2[%dma_wait3A_108, %dma_wait3A_109] : memref<10000x64xf32, #tpu.memory_space<hbm>> -> memref<10000x64xf32, #tpu.memory_space<hbm>>
    tpu.wait_indirect_dma semaphore(%arg19 : memref<!tpu.dma_semaphore, #tpu.memory_space<semaphore_mem>>) src(%dma_wait3A_110 : memref<10000x64xf32, #tpu.memory_space<hbm>>) dst(%arg11 : memref<128x64xf32, #tpu.memory_space<vmem>>)
    %dma_start3A_111 = arith.constant 75 : i32
    %dma_start3A_112 = arith.constant 0 : i32
    %dma_start3A_113 = tpu.memref_slice %arg7[%dma_start3A_111, %dma_start3A_112] : memref<80x128xi32, #tpu.memory_space<vmem>> -> memref<1x128xi32, #tpu.memory_space<vmem>>
    %dma_start3A_114 = tpu.memref_squeeze %dma_start3A_113 : memref<1x128xi32, #tpu.memory_space<vmem>> -> memref<128xi32, #tpu.memory_space<vmem>>
    %dma_start3A_115 = arith.constant 0 : i32
    %dma_start3A_116 = arith.constant 0 : i32
    %dma_start3A_117 = tpu.memref_slice %arg32[%dma_start3A_115, %dma_start3A_116] : memref<10240x64xf32, #tpu.memory_space<vmem_shared>> -> memref<10240x64xf32, #tpu.memory_space<vmem_shared>>
    tpu.enqueue_indirect_dma source(%arg11 : memref<128x64xf32, #tpu.memory_space<vmem>>) target(%dma_start3A_117 : memref<10240x64xf32, #tpu.memory_space<vmem_shared>>) offsets(%dma_start3A_114 : memref<128xi32, #tpu.memory_space<vmem>>) semaphore(%arg27 : memref<!tpu.dma_semaphore, #tpu.memory_space<semaphore_mem>>) {add = true}
    %dma_wait3A_118 = arith.constant 76 : i32
    %dma_wait3A_119 = arith.constant 0 : i32
    %dma_wait3A_120 = tpu.memref_slice %arg6[%dma_wait3A_118, %dma_wait3A_119] : memref<80x128xi32, #tpu.memory_space<vmem>> -> memref<1x128xi32, #tpu.memory_space<vmem>>
    %dma_wait3A_121 = tpu.memref_squeeze %dma_wait3A_120 : memref<1x128xi32, #tpu.memory_space<vmem>> -> memref<128xi32, #tpu.memory_space<vmem>>
    %dma_wait3A_122 = arith.constant 0 : i32
    %dma_wait3A_123 = arith.constant 0 : i32
    %dma_wait3A_124 = tpu.memref_slice %arg2[%dma_wait3A_122, %dma_wait3A_123] : memref<10000x64xf32, #tpu.memory_space<hbm>> -> memref<10000x64xf32, #tpu.memory_space<hbm>>
    tpu.wait_indirect_dma semaphore(%arg20 : memref<!tpu.dma_semaphore, #tpu.memory_space<semaphore_mem>>) src(%dma_wait3A_124 : memref<10000x64xf32, #tpu.memory_space<hbm>>) dst(%arg12 : memref<128x64xf32, #tpu.memory_space<vmem>>)
    %dma_start3A_125 = arith.constant 76 : i32
    %dma_start3A_126 = arith.constant 0 : i32
    %dma_start3A_127 = tpu.memref_slice %arg7[%dma_start3A_125, %dma_start3A_126] : memref<80x128xi32, #tpu.memory_space<vmem>> -> memref<1x128xi32, #tpu.memory_space<vmem>>
    %dma_start3A_128 = tpu.memref_squeeze %dma_start3A_127 : memref<1x128xi32, #tpu.memory_space<vmem>> -> memref<128xi32, #tpu.memory_space<vmem>>
    %dma_start3A_129 = arith.constant 0 : i32
    %dma_start3A_130 = arith.constant 0 : i32
    %dma_start3A_131 = tpu.memref_slice %arg32[%dma_start3A_129, %dma_start3A_130] : memref<10240x64xf32, #tpu.memory_space<vmem_shared>> -> memref<10240x64xf32, #tpu.memory_space<vmem_shared>>
    tpu.enqueue_indirect_dma source(%arg12 : memref<128x64xf32, #tpu.memory_space<vmem>>) target(%dma_start3A_131 : memref<10240x64xf32, #tpu.memory_space<vmem_shared>>) offsets(%dma_start3A_128 : memref<128xi32, #tpu.memory_space<vmem>>) semaphore(%arg28 : memref<!tpu.dma_semaphore, #tpu.memory_space<semaphore_mem>>) {add = true}
    %dma_wait3A_132 = arith.constant 77 : i32
    %dma_wait3A_133 = arith.constant 0 : i32
    %dma_wait3A_134 = tpu.memref_slice %arg6[%dma_wait3A_132, %dma_wait3A_133] : memref<80x128xi32, #tpu.memory_space<vmem>> -> memref<1x128xi32, #tpu.memory_space<vmem>>
    %dma_wait3A_135 = tpu.memref_squeeze %dma_wait3A_134 : memref<1x128xi32, #tpu.memory_space<vmem>> -> memref<128xi32, #tpu.memory_space<vmem>>
    %dma_wait3A_136 = arith.constant 0 : i32
    %dma_wait3A_137 = arith.constant 0 : i32
    %dma_wait3A_138 = tpu.memref_slice %arg2[%dma_wait3A_136, %dma_wait3A_137] : memref<10000x64xf32, #tpu.memory_space<hbm>> -> memref<10000x64xf32, #tpu.memory_space<hbm>>
    tpu.wait_indirect_dma semaphore(%arg21 : memref<!tpu.dma_semaphore, #tpu.memory_space<semaphore_mem>>) src(%dma_wait3A_138 : memref<10000x64xf32, #tpu.memory_space<hbm>>) dst(%arg13 : memref<128x64xf32, #tpu.memory_space<vmem>>)
    %dma_start3A_139 = arith.constant 77 : i32
    %dma_start3A_140 = arith.constant 0 : i32
    %dma_start3A_141 = tpu.memref_slice %arg7[%dma_start3A_139, %dma_start3A_140] : memref<80x128xi32, #tpu.memory_space<vmem>> -> memref<1x128xi32, #tpu.memory_space<vmem>>
    %dma_start3A_142 = tpu.memref_squeeze %dma_start3A_141 : memref<1x128xi32, #tpu.memory_space<vmem>> -> memref<128xi32, #tpu.memory_space<vmem>>
    %dma_start3A_143 = arith.constant 0 : i32
    %dma_start3A_144 = arith.constant 0 : i32
    %dma_start3A_145 = tpu.memref_slice %arg32[%dma_start3A_143, %dma_start3A_144] : memref<10240x64xf32, #tpu.memory_space<vmem_shared>> -> memref<10240x64xf32, #tpu.memory_space<vmem_shared>>
    tpu.enqueue_indirect_dma source(%arg13 : memref<128x64xf32, #tpu.memory_space<vmem>>) target(%dma_start3A_145 : memref<10240x64xf32, #tpu.memory_space<vmem_shared>>) offsets(%dma_start3A_142 : memref<128xi32, #tpu.memory_space<vmem>>) semaphore(%arg29 : memref<!tpu.dma_semaphore, #tpu.memory_space<semaphore_mem>>) {add = true}
    %dma_wait3A_146 = arith.constant 78 : i32
    %dma_wait3A_147 = arith.constant 0 : i32
    %dma_wait3A_148 = tpu.memref_slice %arg6[%dma_wait3A_146, %dma_wait3A_147] : memref<80x128xi32, #tpu.memory_space<vmem>> -> memref<1x128xi32, #tpu.memory_space<vmem>>
    %dma_wait3A_149 = tpu.memref_squeeze %dma_wait3A_148 : memref<1x128xi32, #tpu.memory_space<vmem>> -> memref<128xi32, #tpu.memory_space<vmem>>
    %dma_wait3A_150 = arith.constant 0 : i32
    %dma_wait3A_151 = arith.constant 0 : i32
    %dma_wait3A_152 = tpu.memref_slice %arg2[%dma_wait3A_150, %dma_wait3A_151] : memref<10000x64xf32, #tpu.memory_space<hbm>> -> memref<10000x64xf32, #tpu.memory_space<hbm>>
    tpu.wait_indirect_dma semaphore(%arg22 : memref<!tpu.dma_semaphore, #tpu.memory_space<semaphore_mem>>) src(%dma_wait3A_152 : memref<10000x64xf32, #tpu.memory_space<hbm>>) dst(%arg14 : memref<128x64xf32, #tpu.memory_space<vmem>>)
    %dma_start3A_153 = arith.constant 78 : i32
    %dma_start3A_154 = arith.constant 0 : i32
    %dma_start3A_155 = tpu.memref_slice %arg7[%dma_start3A_153, %dma_start3A_154] : memref<80x128xi32, #tpu.memory_space<vmem>> -> memref<1x128xi32, #tpu.memory_space<vmem>>
    %dma_start3A_156 = tpu.memref_squeeze %dma_start3A_155 : memref<1x128xi32, #tpu.memory_space<vmem>> -> memref<128xi32, #tpu.memory_space<vmem>>
    %dma_start3A_157 = arith.constant 0 : i32
    %dma_start3A_158 = arith.constant 0 : i32
    %dma_start3A_159 = tpu.memref_slice %arg32[%dma_start3A_157, %dma_start3A_158] : memref<10240x64xf32, #tpu.memory_space<vmem_shared>> -> memref<10240x64xf32, #tpu.memory_space<vmem_shared>>
    tpu.enqueue_indirect_dma source(%arg14 : memref<128x64xf32, #tpu.memory_space<vmem>>) target(%dma_start3A_159 : memref<10240x64xf32, #tpu.memory_space<vmem_shared>>) offsets(%dma_start3A_156 : memref<128xi32, #tpu.memory_space<vmem>>) semaphore(%arg30 : memref<!tpu.dma_semaphore, #tpu.memory_space<semaphore_mem>>) {add = true}
    %dma_wait3A_160 = arith.constant 79 : i32
    %dma_wait3A_161 = arith.constant 0 : i32
    %dma_wait3A_162 = tpu.memref_slice %arg6[%dma_wait3A_160, %dma_wait3A_161] : memref<80x128xi32, #tpu.memory_space<vmem>> -> memref<1x128xi32, #tpu.memory_space<vmem>>
    %dma_wait3A_163 = tpu.memref_squeeze %dma_wait3A_162 : memref<1x128xi32, #tpu.memory_space<vmem>> -> memref<128xi32, #tpu.memory_space<vmem>>
    %dma_wait3A_164 = arith.constant 0 : i32
    %dma_wait3A_165 = arith.constant 0 : i32
    %dma_wait3A_166 = tpu.memref_slice %arg2[%dma_wait3A_164, %dma_wait3A_165] : memref<10000x64xf32, #tpu.memory_space<hbm>> -> memref<10000x64xf32, #tpu.memory_space<hbm>>
    tpu.wait_indirect_dma semaphore(%arg23 : memref<!tpu.dma_semaphore, #tpu.memory_space<semaphore_mem>>) src(%dma_wait3A_166 : memref<10000x64xf32, #tpu.memory_space<hbm>>) dst(%arg15 : memref<128x64xf32, #tpu.memory_space<vmem>>)
    %dma_start3A_167 = arith.constant 79 : i32
    %dma_start3A_168 = arith.constant 0 : i32
    %dma_start3A_169 = tpu.memref_slice %arg7[%dma_start3A_167, %dma_start3A_168] : memref<80x128xi32, #tpu.memory_space<vmem>> -> memref<1x128xi32, #tpu.memory_space<vmem>>
    %dma_start3A_170 = tpu.memref_squeeze %dma_start3A_169 : memref<1x128xi32, #tpu.memory_space<vmem>> -> memref<128xi32, #tpu.memory_space<vmem>>
    %dma_start3A_171 = arith.constant 0 : i32
    %dma_start3A_172 = arith.constant 0 : i32
    %dma_start3A_173 = tpu.memref_slice %arg32[%dma_start3A_171, %dma_start3A_172] : memref<10240x64xf32, #tpu.memory_space<vmem_shared>> -> memref<10240x64xf32, #tpu.memory_space<vmem_shared>>
    tpu.enqueue_indirect_dma source(%arg15 : memref<128x64xf32, #tpu.memory_space<vmem>>) target(%dma_start3A_173 : memref<10240x64xf32, #tpu.memory_space<vmem_shared>>) offsets(%dma_start3A_170 : memref<128xi32, #tpu.memory_space<vmem>>) semaphore(%arg31 : memref<!tpu.dma_semaphore, #tpu.memory_space<semaphore_mem>>) {add = true}
    %dma_wait3A_174 = arith.constant 72 : i32
    %dma_wait3A_175 = arith.constant 0 : i32
    %dma_wait3A_176 = tpu.memref_slice %arg7[%dma_wait3A_174, %dma_wait3A_175] : memref<80x128xi32, #tpu.memory_space<vmem>> -> memref<1x128xi32, #tpu.memory_space<vmem>>
    %dma_wait3A_177 = tpu.memref_squeeze %dma_wait3A_176 : memref<1x128xi32, #tpu.memory_space<vmem>> -> memref<128xi32, #tpu.memory_space<vmem>>
    %dma_wait3A_178 = arith.constant 0 : i32
    %dma_wait3A_179 = arith.constant 0 : i32
    %dma_wait3A_180 = tpu.memref_slice %arg32[%dma_wait3A_178, %dma_wait3A_179] : memref<10240x64xf32, #tpu.memory_space<vmem_shared>> -> memref<10240x64xf32, #tpu.memory_space<vmem_shared>>
    tpu.wait_indirect_dma semaphore(%arg24 : memref<!tpu.dma_semaphore, #tpu.memory_space<semaphore_mem>>) src(%arg8 : memref<128x64xf32, #tpu.memory_space<vmem>>) dst(%dma_wait3A_180 : memref<10240x64xf32, #tpu.memory_space<vmem_shared>>)
    %dma_wait3A_181 = arith.constant 73 : i32
    %dma_wait3A_182 = arith.constant 0 : i32
    %dma_wait3A_183 = tpu.memref_slice %arg7[%dma_wait3A_181, %dma_wait3A_182] : memref<80x128xi32, #tpu.memory_space<vmem>> -> memref<1x128xi32, #tpu.memory_space<vmem>>
    %dma_wait3A_184 = tpu.memref_squeeze %dma_wait3A_183 : memref<1x128xi32, #tpu.memory_space<vmem>> -> memref<128xi32, #tpu.memory_space<vmem>>
    %dma_wait3A_185 = arith.constant 0 : i32
    %dma_wait3A_186 = arith.constant 0 : i32
    %dma_wait3A_187 = tpu.memref_slice %arg32[%dma_wait3A_185, %dma_wait3A_186] : memref<10240x64xf32, #tpu.memory_space<vmem_shared>> -> memref<10240x64xf32, #tpu.memory_space<vmem_shared>>
    tpu.wait_indirect_dma semaphore(%arg25 : memref<!tpu.dma_semaphore, #tpu.memory_space<semaphore_mem>>) src(%arg9 : memref<128x64xf32, #tpu.memory_space<vmem>>) dst(%dma_wait3A_187 : memref<10240x64xf32, #tpu.memory_space<vmem_shared>>)
    %dma_wait3A_188 = arith.constant 74 : i32
    %dma_wait3A_189 = arith.constant 0 : i32
    %dma_wait3A_190 = tpu.memref_slice %arg7[%dma_wait3A_188, %dma_wait3A_189] : memref<80x128xi32, #tpu.memory_space<vmem>> -> memref<1x128xi32, #tpu.memory_space<vmem>>
    %dma_wait3A_191 = tpu.memref_squeeze %dma_wait3A_190 : memref<1x128xi32, #tpu.memory_space<vmem>> -> memref<128xi32, #tpu.memory_space<vmem>>
    %dma_wait3A_192 = arith.constant 0 : i32
    %dma_wait3A_193 = arith.constant 0 : i32
    %dma_wait3A_194 = tpu.memref_slice %arg32[%dma_wait3A_192, %dma_wait3A_193] : memref<10240x64xf32, #tpu.memory_space<vmem_shared>> -> memref<10240x64xf32, #tpu.memory_space<vmem_shared>>
    tpu.wait_indirect_dma semaphore(%arg26 : memref<!tpu.dma_semaphore, #tpu.memory_space<semaphore_mem>>) src(%arg10 : memref<128x64xf32, #tpu.memory_space<vmem>>) dst(%dma_wait3A_194 : memref<10240x64xf32, #tpu.memory_space<vmem_shared>>)
    %dma_wait3A_195 = arith.constant 75 : i32
    %dma_wait3A_196 = arith.constant 0 : i32
    %dma_wait3A_197 = tpu.memref_slice %arg7[%dma_wait3A_195, %dma_wait3A_196] : memref<80x128xi32, #tpu.memory_space<vmem>> -> memref<1x128xi32, #tpu.memory_space<vmem>>
    %dma_wait3A_198 = tpu.memref_squeeze %dma_wait3A_197 : memref<1x128xi32, #tpu.memory_space<vmem>> -> memref<128xi32, #tpu.memory_space<vmem>>
    %dma_wait3A_199 = arith.constant 0 : i32
    %dma_wait3A_200 = arith.constant 0 : i32
    %dma_wait3A_201 = tpu.memref_slice %arg32[%dma_wait3A_199, %dma_wait3A_200] : memref<10240x64xf32, #tpu.memory_space<vmem_shared>> -> memref<10240x64xf32, #tpu.memory_space<vmem_shared>>
    tpu.wait_indirect_dma semaphore(%arg27 : memref<!tpu.dma_semaphore, #tpu.memory_space<semaphore_mem>>) src(%arg11 : memref<128x64xf32, #tpu.memory_space<vmem>>) dst(%dma_wait3A_201 : memref<10240x64xf32, #tpu.memory_space<vmem_shared>>)
    %dma_wait3A_202 = arith.constant 76 : i32
    %dma_wait3A_203 = arith.constant 0 : i32
    %dma_wait3A_204 = tpu.memref_slice %arg7[%dma_wait3A_202, %dma_wait3A_203] : memref<80x128xi32, #tpu.memory_space<vmem>> -> memref<1x128xi32, #tpu.memory_space<vmem>>
    %dma_wait3A_205 = tpu.memref_squeeze %dma_wait3A_204 : memref<1x128xi32, #tpu.memory_space<vmem>> -> memref<128xi32, #tpu.memory_space<vmem>>
    %dma_wait3A_206 = arith.constant 0 : i32
    %dma_wait3A_207 = arith.constant 0 : i32
    %dma_wait3A_208 = tpu.memref_slice %arg32[%dma_wait3A_206, %dma_wait3A_207] : memref<10240x64xf32, #tpu.memory_space<vmem_shared>> -> memref<10240x64xf32, #tpu.memory_space<vmem_shared>>
    tpu.wait_indirect_dma semaphore(%arg28 : memref<!tpu.dma_semaphore, #tpu.memory_space<semaphore_mem>>) src(%arg12 : memref<128x64xf32, #tpu.memory_space<vmem>>) dst(%dma_wait3A_208 : memref<10240x64xf32, #tpu.memory_space<vmem_shared>>)
    %dma_wait3A_209 = arith.constant 77 : i32
    %dma_wait3A_210 = arith.constant 0 : i32
    %dma_wait3A_211 = tpu.memref_slice %arg7[%dma_wait3A_209, %dma_wait3A_210] : memref<80x128xi32, #tpu.memory_space<vmem>> -> memref<1x128xi32, #tpu.memory_space<vmem>>
    %dma_wait3A_212 = tpu.memref_squeeze %dma_wait3A_211 : memref<1x128xi32, #tpu.memory_space<vmem>> -> memref<128xi32, #tpu.memory_space<vmem>>
    %dma_wait3A_213 = arith.constant 0 : i32
    %dma_wait3A_214 = arith.constant 0 : i32
    %dma_wait3A_215 = tpu.memref_slice %arg32[%dma_wait3A_213, %dma_wait3A_214] : memref<10240x64xf32, #tpu.memory_space<vmem_shared>> -> memref<10240x64xf32, #tpu.memory_space<vmem_shared>>
    tpu.wait_indirect_dma semaphore(%arg29 : memref<!tpu.dma_semaphore, #tpu.memory_space<semaphore_mem>>) src(%arg13 : memref<128x64xf32, #tpu.memory_space<vmem>>) dst(%dma_wait3A_215 : memref<10240x64xf32, #tpu.memory_space<vmem_shared>>)
    %dma_wait3A_216 = arith.constant 78 : i32
    %dma_wait3A_217 = arith.constant 0 : i32
    %dma_wait3A_218 = tpu.memref_slice %arg7[%dma_wait3A_216, %dma_wait3A_217] : memref<80x128xi32, #tpu.memory_space<vmem>> -> memref<1x128xi32, #tpu.memory_space<vmem>>
    %dma_wait3A_219 = tpu.memref_squeeze %dma_wait3A_218 : memref<1x128xi32, #tpu.memory_space<vmem>> -> memref<128xi32, #tpu.memory_space<vmem>>
    %dma_wait3A_220 = arith.constant 0 : i32
    %dma_wait3A_221 = arith.constant 0 : i32
    %dma_wait3A_222 = tpu.memref_slice %arg32[%dma_wait3A_220, %dma_wait3A_221] : memref<10240x64xf32, #tpu.memory_space<vmem_shared>> -> memref<10240x64xf32, #tpu.memory_space<vmem_shared>>
    tpu.wait_indirect_dma semaphore(%arg30 : memref<!tpu.dma_semaphore, #tpu.memory_space<semaphore_mem>>) src(%arg14 : memref<128x64xf32, #tpu.memory_space<vmem>>) dst(%dma_wait3A_222 : memref<10240x64xf32, #tpu.memory_space<vmem_shared>>)
    %dma_wait3A_223 = arith.constant 79 : i32
    %dma_wait3A_224 = arith.constant 0 : i32
    %dma_wait3A_225 = tpu.memref_slice %arg7[%dma_wait3A_223, %dma_wait3A_224] : memref<80x128xi32, #tpu.memory_space<vmem>> -> memref<1x128xi32, #tpu.memory_space<vmem>>
    %dma_wait3A_226 = tpu.memref_squeeze %dma_wait3A_225 : memref<1x128xi32, #tpu.memory_space<vmem>> -> memref<128xi32, #tpu.memory_space<vmem>>
    %dma_wait3A_227 = arith.constant 0 : i32
    %dma_wait3A_228 = arith.constant 0 : i32
    %dma_wait3A_229 = tpu.memref_slice %arg32[%dma_wait3A_227, %dma_wait3A_228] : memref<10240x64xf32, #tpu.memory_space<vmem_shared>> -> memref<10240x64xf32, #tpu.memory_space<vmem_shared>>
    tpu.wait_indirect_dma semaphore(%arg31 : memref<!tpu.dma_semaphore, #tpu.memory_space<semaphore_mem>>) src(%arg15 : memref<128x64xf32, #tpu.memory_space<vmem>>) dst(%dma_wait3A_229 : memref<10240x64xf32, #tpu.memory_space<vmem_shared>>)
    %barrier3A_230 = arith.constant 0 : index
    tpu.barrier barrier_id(%barrier3A_230)
    %mul3A_231 = arith.constant 64 : i32
    %mul3A_232 = arith.muli %arg0, %mul3A_231 : i32
    "tpu.region"() ({
      %run_scoped3A_233 = tpu.sem_alloc : memref<!tpu.dma_semaphore, #tpu.memory_space<semaphore_mem>>
      %dma_start3A_234 = tpu.memref_slice %arg5[%mul3A_3, %mul3A_232] : memref<10240x128xf32, #tpu.memory_space<hbm>> -> memref<640x64xf32, #tpu.memory_space<hbm>>
      %dma_start3A_235 = arith.constant 0 : i32
      %dma_start3A_236 = tpu.memref_slice %arg32[%mul3A_3, %dma_start3A_235] : memref<10240x64xf32, #tpu.memory_space<vmem_shared>> -> memref<640x64xf32, #tpu.memory_space<vmem_shared>>
      tpu.enqueue_dma source(%dma_start3A_236 : memref<640x64xf32, #tpu.memory_space<vmem_shared>>) target(%dma_start3A_234 : memref<640x64xf32, #tpu.memory_space<hbm>>) target_semaphore(%run_scoped3A_233 : memref<!tpu.dma_semaphore, #tpu.memory_space<semaphore_mem>>)
      %dma_wait3A_237 = tpu.memref_slice %arg5[%mul3A_3, %mul3A_232] : memref<10240x128xf32, #tpu.memory_space<hbm>> -> memref<640x64xf32, #tpu.memory_space<hbm>>
      %dma_wait3A_238 = arith.constant 0 : i32
      %dma_wait3A_239 = tpu.memref_slice %arg32[%mul3A_3, %dma_wait3A_238] : memref<10240x64xf32, #tpu.memory_space<vmem_shared>> -> memref<640x64xf32, #tpu.memory_space<vmem_shared>>
      tpu.wait_dma2 semaphore(%run_scoped3A_233 : memref<!tpu.dma_semaphore, #tpu.memory_space<semaphore_mem>>) src(%dma_wait3A_239 : memref<640x64xf32, #tpu.memory_space<vmem_shared>>) dst(%dma_wait3A_237 : memref<640x64xf32, #tpu.memory_space<hbm>>)
      tpu.yield
    }) : () -> ()
    return
  }
}

module attributes {stable_mosaic.version = 14 : i64} {
  func.func @body(%arg0: i32, %arg1: memref<2000x128xf32, #tpu.memory_space<vmem>>, %arg2: memref<128x64xf32, #tpu.memory_space<vmem>>, %arg3: memref<2000x64xf32, #tpu.memory_space<vmem>>) attributes {dimension_semantics = [#tpu.dimension_semantics<arbitrary>], iteration_bounds = array<i64: 5>, scalar_prefetch = 0 : i64, scratch_operands = 0 : i64, tpu.core_type = #tpu.core_type<tc>, window_params = [{transform_indices = @transform_0, window_bounds = array<i64: 2000, 128>}, {pipeline_mode = #tpu.pipeline_mode<synchronous>, transform_indices = @transform_1, window_bounds = array<i64: 128, 64>}, {transform_indices = @transform_2, window_bounds = array<i64: 2000, 64>}]} {
    %get3A = arith.constant 0 : index
    %get3A_0 = arith.constant 0 : index
    %get3A_1 = vector.load %arg1[%get3A, %get3A_0] : memref<2000x128xf32, #tpu.memory_space<vmem>>, vector<2000x128xf32>
    %get3A_2 = arith.constant 0 : index
    %get3A_3 = arith.constant 0 : index
    %get3A_4 = vector.load %arg2[%get3A_2, %get3A_3] : memref<128x64xf32, #tpu.memory_space<vmem>>, vector<128x64xf32>
    %dot_general3A = arith.constant dense<0.000000e+00> : vector<2000x64xf32>
    %dot_general3A_5 = tpu.matmul %get3A_1, %get3A_4, %dot_general3A {dimension_numbers = #tpu.dot_dimension_numbers<[1], [0], [0], [1], [0, 0, 1, 1], [], []>, transpose_lhs_hint = false} : vector<2000x128xf32>, vector<128x64xf32>, vector<2000x64xf32> -> vector<2000x64xf32>
    %swap3A = arith.constant 0 : index
    %swap3A_6 = arith.constant 0 : index
    %swap3A_7 = vector.load %arg3[%swap3A, %swap3A_6] : memref<2000x64xf32, #tpu.memory_space<vmem>>, vector<2000x64xf32>
    tpu.vector_store %arg3[%swap3A, %swap3A_6], %dot_general3A_5 {strides = array<i32>} : memref<2000x64xf32, #tpu.memory_space<vmem>>, vector<2000x64xf32>,
    return
  }
  func.func @transform_0(%arg0: i32) -> (i32, i32) {
    %c0_i32 = arith.constant 0 : i32
    %c0_i32_0 = arith.constant 0 : i32
    return %arg0, %c0_i32 : i32, i32
  }
  func.func @transform_1(%arg0: i32) -> (i32, i32) {
    %c0_i32 = arith.constant 0 : i32
    %c0_i32_0 = arith.constant 0 : i32
    %c0_i32_1 = arith.constant 0 : i32
    return %c0_i32, %c0_i32_0 : i32, i32
  }
  func.func @transform_2(%arg0: i32) -> (i32, i32) {
    %c0_i32 = arith.constant 0 : i32
    %c0_i32_0 = arith.constant 0 : i32
    return %arg0, %c0_i32 : i32, i32
  }
}

module attributes {stable_mosaic.version = 14 : i64} {
  func.func @body(%arg0: i32, %arg1: memref<2000x128xf32, #tpu.memory_space<vmem>>, %arg2: memref<2000x64xf32, #tpu.memory_space<vmem>>, %arg3: memref<2000x64xf32, #tpu.memory_space<vmem>>) attributes {dimension_semantics = [#tpu.dimension_semantics<arbitrary>], iteration_bounds = array<i64: 5>, scalar_prefetch = 0 : i64, scratch_operands = 0 : i64, tpu.core_type = #tpu.core_type<tc>, window_params = [{transform_indices = @transform_0, window_bounds = array<i64: 2000, 128>}, {transform_indices = @transform_1, window_bounds = array<i64: 2000, 64>}, {transform_indices = @transform_2, window_bounds = array<i64: 2000, 64>}]} {
    %get3A = arith.constant 0 : index
    %get3A_0 = arith.constant 0 : index
    %get3A_1 = vector.load %arg2[%get3A, %get3A_0] : memref<2000x64xf32, #tpu.memory_space<vmem>>, vector<2000x64xf32>
    %get3A_2 = arith.constant 0 : index
    %get3A_3 = arith.constant 0 : index
    %get3A_4 = vector.load %arg1[%get3A_2, %get3A_3] : memref<2000x128xf32, #tpu.memory_space<vmem>>, vector<2000x1xf32>
    %get3A_5 = arith.constant 0 : index
    %get3A_6 = arith.constant 64 : index
    %get3A_7 = vector.load %arg1[%get3A_5, %get3A_6] : memref<2000x128xf32, #tpu.memory_space<vmem>>, vector<2000x1xf32>
    %add3A = arith.addf %get3A_4, %get3A_7 : vector<2000x1xf32>
    %add3A_8 = arith.constant 1.000000e+00 : f32
    %add3A_9 = vector.broadcast %add3A_8 : f32 to vector<2000x1xf32>
    %add3A_10 = arith.addf %add3A, %add3A_9 : vector<2000x1xf32>
    %rsqrt3A = math.rsqrt %add3A_10 : vector<2000x1xf32>
    %mul3A = vector.broadcast %rsqrt3A : vector<2000x1xf32> to vector<2000x64xf32>
    %mul3A_11 = arith.mulf %get3A_1, %mul3A : vector<2000x64xf32>
    %swap3A = arith.constant 0 : index
    %swap3A_12 = arith.constant 0 : index
    %swap3A_13 = vector.load %arg3[%swap3A, %swap3A_12] : memref<2000x64xf32, #tpu.memory_space<vmem>>, vector<2000x64xf32>
    tpu.vector_store %arg3[%swap3A, %swap3A_12], %mul3A_11 {strides = array<i32>} : memref<2000x64xf32, #tpu.memory_space<vmem>>, vector<2000x64xf32>,
    return
  }
  func.func @transform_0(%arg0: i32) -> (i32, i32) {
    %c0_i32 = arith.constant 0 : i32
    %c0_i32_0 = arith.constant 0 : i32
    return %arg0, %c0_i32 : i32, i32
  }
  func.func @transform_1(%arg0: i32) -> (i32, i32) {
    %c0_i32 = arith.constant 0 : i32
    %c0_i32_0 = arith.constant 0 : i32
    return %arg0, %c0_i32 : i32, i32
  }
  func.func @transform_2(%arg0: i32) -> (i32, i32) {
    %c0_i32 = arith.constant 0 : i32
    %c0_i32_0 = arith.constant 0 : i32
    return %arg0, %c0_i32 : i32, i32
  }
}

module attributes {stable_mosaic.version = 14 : i64} {
  func.func @body(%arg0: i32, %arg1: memref<2000x128xf32, #tpu.memory_space<vmem>>, %arg2: memref<2000x64xf32, #tpu.memory_space<vmem>>, %arg3: memref<2000x128xf32, #tpu.memory_space<vmem>>, %arg4: memref<1x64xf32, #tpu.memory_space<vmem>>, %arg5: memref<64x16xf32, #tpu.memory_space<vmem>>, %arg6: memref<2000x16xf32, #tpu.memory_space<vmem>>) attributes {dimension_semantics = [#tpu.dimension_semantics<arbitrary>], iteration_bounds = array<i64: 5>, scalar_prefetch = 0 : i64, scratch_operands = 0 : i64, tpu.core_type = #tpu.core_type<tc>, window_params = [{transform_indices = @transform_0, window_bounds = array<i64: 2000, 128>}, {transform_indices = @transform_1, window_bounds = array<i64: 2000, 64>}, {transform_indices = @transform_2, window_bounds = array<i64: 2000, 128>}, {pipeline_mode = #tpu.pipeline_mode<synchronous>, transform_indices = @transform_3, window_bounds = array<i64: 1, 64>}, {pipeline_mode = #tpu.pipeline_mode<synchronous>, transform_indices = @transform_4, window_bounds = array<i64: 64, 16>}, {transform_indices = @transform_5, window_bounds = array<i64: 2000, 16>}]} {
    %get3A = arith.constant 0 : index
    %get3A_0 = arith.constant 0 : index
    %get3A_1 = vector.load %arg3[%get3A, %get3A_0] : memref<2000x128xf32, #tpu.memory_space<vmem>>, vector<2000x1xf32>
    %get3A_2 = arith.constant 0 : index
    %get3A_3 = arith.constant 64 : index
    %get3A_4 = vector.load %arg3[%get3A_2, %get3A_3] : memref<2000x128xf32, #tpu.memory_space<vmem>>, vector<2000x1xf32>
    %add3A = arith.addf %get3A_1, %get3A_4 : vector<2000x1xf32>
    %add3A_5 = arith.constant 1.000000e+00 : f32
    %add3A_6 = vector.broadcast %add3A_5 : f32 to vector<2000x1xf32>
    %add3A_7 = arith.addf %add3A, %add3A_6 : vector<2000x1xf32>
    %rsqrt3A = math.rsqrt %add3A_7 : vector<2000x1xf32>
    %get3A_8 = arith.constant 0 : index
    %get3A_9 = arith.constant 0 : index
    %get3A_10 = vector.load %arg1[%get3A_8, %get3A_9] : memref<2000x128xf32, #tpu.memory_space<vmem>>, vector<2000x64xf32>
    %get3A_11 = arith.constant 0 : index
    %get3A_12 = arith.constant 64 : index
    %get3A_13 = vector.load %arg1[%get3A_11, %get3A_12] : memref<2000x128xf32, #tpu.memory_space<vmem>>, vector<2000x64xf32>
    %add3A_14 = arith.addf %get3A_10, %get3A_13 : vector<2000x64xf32>
    %get3A_15 = arith.constant 0 : index
    %get3A_16 = arith.constant 0 : index
    %get3A_17 = vector.load %arg2[%get3A_15, %get3A_16] : memref<2000x64xf32, #tpu.memory_space<vmem>>, vector<2000x64xf32>
    %add3A_18 = arith.addf %add3A_14, %get3A_17 : vector<2000x64xf32>
    %mul3A = vector.broadcast %rsqrt3A : vector<2000x1xf32> to vector<2000x64xf32>
    %mul3A_19 = arith.mulf %add3A_18, %mul3A : vector<2000x64xf32>
    %get3A_20 = arith.constant 0 : index
    %get3A_21 = arith.constant 0 : index
    %get3A_22 = vector.load %arg4[%get3A_20, %get3A_21] : memref<1x64xf32, #tpu.memory_space<vmem>>, vector<1x64xf32>
    %add3A_23 = vector.broadcast %get3A_22 : vector<1x64xf32> to vector<2000x64xf32>
    %add3A_24 = arith.addf %mul3A_19, %add3A_23 : vector<2000x64xf32>
    %max3A = arith.constant 0.000000e+00 : f32
    %max3A_25 = vector.broadcast %max3A : f32 to vector<2000x64xf32>
    %max3A_26 = arith.maximumf %add3A_24, %max3A_25 : vector<2000x64xf32>
    %get3A_27 = arith.constant 0 : index
    %get3A_28 = arith.constant 0 : index
    %get3A_29 = vector.load %arg5[%get3A_27, %get3A_28] : memref<64x16xf32, #tpu.memory_space<vmem>>, vector<64x16xf32>
    %dot_general3A = arith.constant dense<0.000000e+00> : vector<2000x16xf32>
    %dot_general3A_30 = tpu.matmul %max3A_26, %get3A_29, %dot_general3A {dimension_numbers = #tpu.dot_dimension_numbers<[1], [0], [0], [1], [0, 0, 1, 1], [], []>, transpose_lhs_hint = false} : vector<2000x64xf32>, vector<64x16xf32>, vector<2000x16xf32> -> vector<2000x16xf32>
    %mul3A_31 = vector.broadcast %rsqrt3A : vector<2000x1xf32> to vector<2000x16xf32>
    %mul3A_32 = arith.mulf %dot_general3A_30, %mul3A_31 : vector<2000x16xf32>
    %swap3A = arith.constant 0 : index
    %swap3A_33 = arith.constant 0 : index
    %swap3A_34 = vector.load %arg6[%swap3A, %swap3A_33] : memref<2000x16xf32, #tpu.memory_space<vmem>>, vector<2000x16xf32>
    tpu.vector_store %arg6[%swap3A, %swap3A_33], %mul3A_32 {strides = array<i32>} : memref<2000x16xf32, #tpu.memory_space<vmem>>, vector<2000x16xf32>,
    return
  }
  func.func @transform_0(%arg0: i32) -> (i32, i32) {
    %c0_i32 = arith.constant 0 : i32
    %c0_i32_0 = arith.constant 0 : i32
    return %arg0, %c0_i32 : i32, i32
  }
  func.func @transform_1(%arg0: i32) -> (i32, i32) {
    %c0_i32 = arith.constant 0 : i32
    %c0_i32_0 = arith.constant 0 : i32
    return %arg0, %c0_i32 : i32, i32
  }
  func.func @transform_2(%arg0: i32) -> (i32, i32) {
    %c0_i32 = arith.constant 0 : i32
    %c0_i32_0 = arith.constant 0 : i32
    return %arg0, %c0_i32 : i32, i32
  }
  func.func @transform_3(%arg0: i32) -> (i32, i32) {
    %c0_i32 = arith.constant 0 : i32
    %c0_i32_0 = arith.constant 0 : i32
    %c0_i32_1 = arith.constant 0 : i32
    return %c0_i32, %c0_i32_0 : i32, i32
  }
  func.func @transform_4(%arg0: i32) -> (i32, i32) {
    %c0_i32 = arith.constant 0 : i32
    %c0_i32_0 = arith.constant 0 : i32
    %c0_i32_1 = arith.constant 0 : i32
    return %c0_i32, %c0_i32_0 : i32, i32
  }
  func.func @transform_5(%arg0: i32) -> (i32, i32) {
    %c0_i32 = arith.constant 0 : i32
    %c0_i32_0 = arith.constant 0 : i32
    return %arg0, %c0_i32 : i32, i32
  }
}

module attributes {stable_mosaic.version = 14 : i64} {
  func.func @body(%arg0: i32, %arg1: memref<2000x128xf32, #tpu.memory_space<vmem>>, %arg2: memref<2000x16xf32, #tpu.memory_space<vmem>>, %arg3: memref<2000x128xf32, #tpu.memory_space<vmem>>, %arg4: memref<1x16xf32, #tpu.memory_space<vmem>>, %arg5: memref<2000x2xf32, #tpu.memory_space<vmem>>) attributes {dimension_semantics = [#tpu.dimension_semantics<arbitrary>], iteration_bounds = array<i64: 5>, scalar_prefetch = 0 : i64, scratch_operands = 0 : i64, tpu.core_type = #tpu.core_type<tc>, window_params = [{transform_indices = @transform_0, window_bounds = array<i64: 2000, 128>}, {transform_indices = @transform_1, window_bounds = array<i64: 2000, 16>}, {transform_indices = @transform_2, window_bounds = array<i64: 2000, 128>}, {pipeline_mode = #tpu.pipeline_mode<synchronous>, transform_indices = @transform_3, window_bounds = array<i64: 1, 16>}, {transform_indices = @transform_4, window_bounds = array<i64: 2000, 2>}]} {
    %get3A = arith.constant 0 : index
    %get3A_0 = arith.constant 0 : index
    %get3A_1 = vector.load %arg3[%get3A, %get3A_0] : memref<2000x128xf32, #tpu.memory_space<vmem>>, vector<2000x1xf32>
    %get3A_2 = arith.constant 0 : index
    %get3A_3 = arith.constant 64 : index
    %get3A_4 = vector.load %arg3[%get3A_2, %get3A_3] : memref<2000x128xf32, #tpu.memory_space<vmem>>, vector<2000x1xf32>
    %add3A = arith.addf %get3A_1, %get3A_4 : vector<2000x1xf32>
    %add3A_5 = arith.constant 1.000000e+00 : f32
    %add3A_6 = vector.broadcast %add3A_5 : f32 to vector<2000x1xf32>
    %add3A_7 = arith.addf %add3A, %add3A_6 : vector<2000x1xf32>
    %rsqrt3A = math.rsqrt %add3A_7 : vector<2000x1xf32>
    %get3A_8 = arith.constant 0 : index
    %get3A_9 = arith.constant 0 : index
    %get3A_10 = vector.load %arg1[%get3A_8, %get3A_9] : memref<2000x128xf32, #tpu.memory_space<vmem>>, vector<2000x16xf32>
    %get3A_11 = arith.constant 0 : index
    %get3A_12 = arith.constant 64 : index
    %get3A_13 = vector.load %arg1[%get3A_11, %get3A_12] : memref<2000x128xf32, #tpu.memory_space<vmem>>, vector<2000x16xf32>
    %add3A_14 = arith.addf %get3A_10, %get3A_13 : vector<2000x16xf32>
    %get3A_15 = arith.constant 0 : index
    %get3A_16 = arith.constant 0 : index
    %get3A_17 = vector.load %arg2[%get3A_15, %get3A_16] : memref<2000x16xf32, #tpu.memory_space<vmem>>, vector<2000x16xf32>
    %add3A_18 = arith.addf %add3A_14, %get3A_17 : vector<2000x16xf32>
    %mul3A = vector.broadcast %rsqrt3A : vector<2000x1xf32> to vector<2000x16xf32>
    %mul3A_19 = arith.mulf %add3A_18, %mul3A : vector<2000x16xf32>
    %get3A_20 = arith.constant 0 : index
    %get3A_21 = arith.constant 0 : index
    %get3A_22 = vector.load %arg4[%get3A_20, %get3A_21] : memref<1x16xf32, #tpu.memory_space<vmem>>, vector<1x16xf32>
    %add3A_23 = vector.broadcast %get3A_22 : vector<1x16xf32> to vector<2000x16xf32>
    %add3A_24 = arith.addf %mul3A_19, %add3A_23 : vector<2000x16xf32>
    %slice3A = vector.extract_strided_slice %add3A_24 {offsets = [0, 0], sizes = [2000, 2], strides = [1, 1]} : vector<2000x16xf32> to vector<2000x2xf32>
    %swap3A = arith.constant 0 : index
    %swap3A_25 = arith.constant 0 : index
    %swap3A_26 = vector.load %arg5[%swap3A, %swap3A_25] : memref<2000x2xf32, #tpu.memory_space<vmem>>, vector<2000x2xf32>
    tpu.vector_store %arg5[%swap3A, %swap3A_25], %slice3A {strides = array<i32>} : memref<2000x2xf32, #tpu.memory_space<vmem>>, vector<2000x2xf32>,
    return
  }
  func.func @transform_0(%arg0: i32) -> (i32, i32) {
    %c0_i32 = arith.constant 0 : i32
    %c0_i32_0 = arith.constant 0 : i32
    return %arg0, %c0_i32 : i32, i32
  }
  func.func @transform_1(%arg0: i32) -> (i32, i32) {
    %c0_i32 = arith.constant 0 : i32
    %c0_i32_0 = arith.constant 0 : i32
    return %arg0, %c0_i32 : i32, i32
  }
  func.func @transform_2(%arg0: i32) -> (i32, i32) {
    %c0_i32 = arith.constant 0 : i32
    %c0_i32_0 = arith.constant 0 : i32
    return %arg0, %c0_i32 : i32, i32
  }
  func.func @transform_3(%arg0: i32) -> (i32, i32) {
    %c0_i32 = arith.constant 0 : i32
    %c0_i32_0 = arith.constant 0 : i32
    %c0_i32_1 = arith.constant 0 : i32
    return %c0_i32, %c0_i32_0 : i32, i32
  }
  func.func @transform_4(%arg0: i32) -> (i32, i32) {
    %c0_i32 = arith.constant 0 : i32
    %c0_i32_0 = arith.constant 0 : i32
    return %arg0, %c0_i32 : i32, i32
  }
}

</mosaic_0001>

<sc_bundles>
// kernel: kernel.12.cloned.1.call-start
scs
__scs_entry_jumppad:
0x0: {  	(pc) =	sbr.rel $0x88, $3  }
0x1: {  	(tag) =	ssettag $0x0;
	lr =	simm.s32 $0x1  }
0x2: {  	[smem:$0x3F9B] =	sst lr;
	_ =	strace $0xD0000000  }
0x3: {  	_ = 	snop  }
0x4: {  	_ = 	snop  }
0x5: {  	_ = 	snop  }
0x6: {  	_ = 	snop  }
0x7: {  	_ = 	snop  }
__scs_overlays_trampoline_lowered:
0x8: {  	[smem:$0x3FAA] =	sst s0  }
0x9: {  	[smem:$0x3FAB] =	sst s1  }
0xa: {  	[smem:$0x3FAC] =	sst s2  }
0xb: {  	[smem:$0x3FAD] =	sst s3  }
0xc: {  	[smem:$0x3FAE] =	sst s4  }
0xd: {  	[smem:$0x3FAF] =	sst s5  }
0xe: {  	[smem:$0x3FB0] =	sst s6  }
0xf: {  	[smem:$0x3FB1] =	sst s7  }
0x10: {  	[smem:$0x3FB2] =	sst s8  }
0x11: {  	[smem:$0x3FB3] =	sst s9;
	s0 =	simm.s32 @!p0 $0x0  }
0x12: {  	s1 =	sld [smem:$0x3F99];
	s0 =	simm.s32 @p0 $0x1  }
0x13: {  	[smem:$0x3FB4] =	sst s0;
	s0 =	simm.s32 @!p1 $0x0  }
0x14: {  	s2 =	sld [smem:$0x3F98];
	s0 =	simm.s32 @p1 $0x1  }
0x15: {  	[smem:$0x3FB5] =	sst s0;
	s0 =	simm.s32 @!p2 $0x0  }
0x16: {  	s3 =	sld [smem:$0x3FDB];
	s0 =	simm.s32 @p2 $0x1  }
0x17: {  	s4 =	simm.s32 $0x1BF5;
	[smem:$0x3FB7] =	sst s0  }
0x18: {  	s0 =	sld [smem:$0x3F9A];
	_ =	swait.ge [sflag:s4], $0x0  }
0x19: {  	s7 =	sld [smem:$0x3F9B]  }
0x1a: {  	s8 =	sadd.s32 $0xFFFFE003, lr  }
0x1b: {  	s9 =	sadd.s32 $0xFFFFFEF7, lr;
	s5 =	simm.s32 $0xFFFFFFFF;
	p2 =	slt.u32 s8, $0xFFFFF086  }
0x1c: {  	p1 =	slt.u32 s9, $0xF7A;
	s5 =	simm.s32 @!p2 $0x0  }
0x1d: {  	s5 =	simm.s32 @p1 $0x1;
	p0 =	seq.s32 s7, s2  }
0x1e: {  	s7 =	smul.u32 @!p0 $0xF7A, s2;
	p2 =	seq.s32 @!p0 s5, $0x0  }
0x1f: {  	s9 =	smul.u32 $0xF7A, s1;
	s8 =	simm.s32 @!p0 $0x1BF5;
	p2 =	por !p2, p0  }
0x20: {  	[sflag:s8] =	ssyncset.s32 @!p0 $0xFFFFF086;
	s6 =	sadd.s32 @!p0 s3, s7;
	s7 =	simm.s32 @!p0 $0x108  }
0x21: {  	s3 =	sadd.s32 s3, s9;
	s6 =	sadd.s32 @!p0 $0x88, s6;
	s7 =	simm.s32 @p2 $0x1082  }
0x22: {  	[simem:s7], [sflag:s8] =	dma.local @!p0 [hbm:s6], $0xF7A  }
0x23: {  	s9 =	sor.u32 $0xD0000000, s2;
	s6 =	simm.s32 $0x108;
	_ =	swait.ge @!p0 [sflag:s8], $0x0  }
0x24: {  	s3 =	sadd.s32 $0x88, s3;
	s6 =	simm.s32 @!p1 $0x1082;
	[sflag:s4] =	ssyncset.s32 $0xFFFFF086  }
0x25: {  	[simem:s6], [sflag:s4] =	dma.local [hbm:s3], $0xF7A  }
0x26: {  	[smem:$0x3F9B] =	sst s1;
	(tag) =	ssettag s2;
	_ =	strace s9  }
0x27: {  	s1 =	sld [smem:$0x3FAB]  }
0x28: {  	s2 =	sld [smem:$0x3FAC]  }
0x29: {  	s4 =	sld [smem:$0x3FAE]  }
0x2a: {  	p0 =	seq.s32 s5, $0x0;
	s5 =	sld [smem:$0x3FAF]  }
0x2b: {  	s6 =	sld [smem:$0x3FB0]  }
0x2c: {  	s7 =	sld [smem:$0x3FB1]  }
0x2d: {  	s3 =	simm.s32 $0x108;
	s8 =	sld [smem:$0x3FB2]  }
0x2e: {  	s3 =	simm.s32 @!p0 $0x1082;
	s9 =	sld [smem:$0x3FB3]  }
0x2f: {  	lr =	sadd.s32 s0, s3;
	s0 =	sld [smem:$0x3FAA]  }
0x30: {  	s3 =	sld [smem:$0x3FAD]  }
0x31: {  	[smem:$0x3FB6] =	sst s10  }
0x32: {  	s10 =	sld [smem:$0x3FB4];
	_ =	sdelay $0x3  }
0x33: {  	p0 =	seq.s32 s10, $0x1;
	s10 =	sld [smem:$0x3FB6];
	_ =	sdelay $0x3  }
0x34: {  	[smem:$0x3FB6] =	sst s10  }
0x35: {  	s10 =	sld [smem:$0x3FB5];
	_ =	sdelay $0x3  }
0x36: {  	p1 =	seq.s32 s10, $0x1;
	s10 =	sld [smem:$0x3FB6];
	_ =	sdelay $0x3  }
0x37: {  	[smem:$0x3FB6] =	sst s10  }
0x38: {  	s10 =	sld [smem:$0x3FB7]  }
0x39: {  	_ = 	snop;
	(pc) =	sbr.ind lr, $3  }
0x3a: {  	_ = 	snop  }
0x3b: {  	_ = 	snop  }
0x3c: {  	p2 =	seq.s32 s10, $0x1;
	s10 =	sld [smem:$0x3FB6]  }
0x3d: {  	_ =	shalt  }
0x3e: {  	_ =	shalt  }
0x3f: {  	_ =	shalt  }
0x40: {  	_ =	shalt  }
0x41: {  	_ =	shalt  }
0x42: {  	_ =	shalt  }
0x43: {  	_ =	shalt  }
0x44: {  	_ =	shalt  }
0x45: {  	_ =	shalt  }
0x46: {  	_ =	shalt  }
0x47: {  	_ =	shalt  }
0x48: {  	_ =	shalt  }
0x49: {  	_ =	shalt  }
0x4a: {  	_ =	shalt  }
0x4b: {  	_ =	shalt  }
0x4c: {  	_ =	shalt  }
0x4d: {  	_ =	shalt  }
0x4e: {  	_ =	shalt  }
0x4f: {  	_ =	shalt  }
0x50: {  	_ =	shalt  }
0x51: {  	_ =	shalt  }
0x52: {  	_ =	shalt  }
0x53: {  	_ =	shalt  }
0x54: {  	_ =	shalt  }
0x55: {  	_ =	shalt  }
0x56: {  	_ =	shalt  }
0x57: {  	_ =	shalt  }
0x58: {  	_ =	shalt  }
0x59: {  	_ =	shalt  }
0x5a: {  	_ =	shalt  }
0x5b: {  	_ =	shalt  }
0x5c: {  	_ =	shalt  }
0x5d: {  	_ =	shalt  }
0x5e: {  	_ =	shalt  }
0x5f: {  	_ =	shalt  }
0x60: {  	_ =	shalt  }
0x61: {  	_ =	shalt  }
0x62: {  	_ =	shalt  }
0x63: {  	_ =	shalt  }
0x64: {  	_ =	shalt  }
0x65: {  	_ =	shalt  }
0x66: {  	_ =	shalt  }
0x67: {  	_ =	shalt  }
0x68: {  	_ =	shalt  }
0x69: {  	_ =	shalt  }
0x6a: {  	_ =	shalt  }
0x6b: {  	_ =	shalt  }
0x6c: {  	_ =	shalt  }
0x6d: {  	_ =	shalt  }
0x6e: {  	_ =	shalt  }
0x6f: {  	_ =	shalt  }
0x70: {  	_ =	shalt  }
0x71: {  	_ =	shalt  }
0x72: {  	_ =	shalt  }
0x73: {  	_ =	shalt  }
0x74: {  	_ =	shalt  }
0x75: {  	_ =	shalt  }
0x76: {  	_ =	shalt  }
0x77: {  	_ =	shalt  }
0x78: {  	_ =	shalt  }
0x79: {  	_ =	shalt  }
0x7a: {  	_ =	shalt  }
0x7b: {  	_ =	shalt  }
0x7c: {  	_ =	shalt  }
0x7d: {  	_ =	shalt  }
0x7e: {  	_ =	shalt  }
0x7f: {  	_ =	shalt  }
0x80: {  	_ =	shalt  }
0x81: {  	_ =	shalt  }
0x82: {  	_ =	shalt  }
0x83: {  	_ =	shalt  }
0x84: {  	_ =	shalt  }
0x85: {  	_ =	shalt  }
0x86: {  	_ =	shalt  }
0x87: {  	_ =	shalt  }
.Lfunc_end0:
.L_simem_size_0:
called_computation.1_lowered:
.L_overlay_start_0:
0x88: {  	s2 =	sld [smem:$0x3FD9]  }
0x89: {  	s3 =	sld [smem:$0x3FFE];
	_ =	sdelay $0x1  }
0x8a: {  	s1 =	srdreg.scid  }
0x8b: {  	s0 =	sand.u32 $0x1, s1  }
0x8c: {  	s16 =	sshll.u32 s0, $0xA;
	s2 =	sadd.s32 s3, s2  }
0x8d: {  	s2 =	sadd.s32 s2, s16  }
0x8e: {  	[smem:$0x3FC2] =	sst s2  }
0x8f: {  	_ = 	snop  }
0x90: {  	(tm) =	ssettm $0x1  }
0x91: {  	s17 =	sld [smem:$0x3FFB];
	_ =	sdelay $0x3  }
0x92: {  	_ =	strace s17  }
0x93: {  	s2 =	sld [smem:$0x3FFC];
	_ =	sdelay $0x3  }
0x94: {  	_ =	strace s2  }
0x95: {  	s2 =	sld [smem:$0x3FFD];
	_ =	sdelay $0x3  }
0x96: {  	_ =	strace s2  }
0x97: {  	_ =	strace $0x8FFFFFFF  }
0x98: {  	s18 =	sld [smem:$0x3FDB];
	_ =	sdelay $0x1  }
0x99: {  	s19 =	simm.s32 $_scs_section_size  }
0x9a: {  	s4 =	simm.s32 $_size__tile_overlayer_lowered;
	s5 =	simm.s32 $_tile_overlayer_lowered  }
0x9b: {  	s22 =	simm.s32 $0x1BFF;
	s21 =	sshll.u32 s5, $0x1;
	s2 =	sadd.s32 s19, s18  }
0x9c: {  	s6 =	simm.s32 $0x0;
	s20 =	sshll.u32 s4, $0x1;
	s4 =	sadd.s32 s21, s2  }
0x9d: {  	[timem:s6], [sflag:s22] =	dma.local [hbm:s4], s20  }
0x9e: {  	_ =	swait.ge [sflag:s22], s20  }
0x9f: {  	s3 =	ssub.s32 $0x0, s20;
	[sflag:s22] =	ssyncset.done $0x0  }
0xa0: {  	[sflag:s22] =	ssyncadd.s32 s3;
	_ =	sdelay $0x1  }
0xa1: {  	s23 =	simm.s32 $0x1B8B  }
0xa2: {  	_ =	swait.ge [sflag:s23], $0x1  }
0xa3: {  	[sflag:s23] =	ssyncset.done $0x0  }
0xa4: {  	s25 =	simm.s32 $0x1B8E;
	s24 =	sld [smem:$0x3FFE];
	[sflag:s23] =	ssyncadd.s32 $0xFFFFFFFF  }
0xa5: {  	s26 =	simm.s32 $execute0_lowered;
	[smem:$0x3FD2] =	sst s25  }
0xa6: {  	s4 =	sshll.u32 s26, $0x1;
	_ =	strace $0x80000049;
	[dreg:$0x1] =	wrdreg $0xFFFFFFFF  }
0xa7: {  	s28 =	simm.s32 $_size_execute0_lowered;
	s2 =	sadd.s32 s2, s4;
	[dreg:$0x0] =	wrdreg $0x0  }
0xa8: {  	s4 =	sshll.u32 s28, $0x1;
	[dreg:$0x2] =	wrdreg s2  }
0xa9: {  	[dreg:$0x3] =	wrdreg s4  }
0xaa: {  	[dreg:$0x4] =	wrdreg $0xC0  }
0xab: {  	_ =	task [dreg:s6], $0x5FFFF  }
0xac: {  	[dreg:$0x1] =	wrdreg $0xFFFFFFFF  }
0xad: {  	[dreg:$0x0] =	wrdreg $0x60  }
0xae: {  	[dreg:$0x2] =	wrdreg s24  }
0xaf: {  	[dreg:$0x3] =	wrdreg $0x150000  }
0xb0: {  	[dreg:$0x4] =	wrdreg $0x9  }
0xb1: {  	_ =	task.clear_ibuf [dreg:s6], $0x5FFFF;
	_ =	strace $0x90000049  }
0xb2: {  	s29 =	simm.s32 $0x9;
	_ =	strace $0x8000004B  }
0xb3: {  	_ =	swait.ge [sflag:s29], $0x1  }
0xb4: {  	[sflag:s29] =	ssyncadd.s32 $0xFFFFFFFF  }
0xb5: {  	_ =	strace $0x9000004B  }
0xb6: {  	_ =	sfence  }
0xb7: {  	s30 =	sld [smem:$0x0];
	_ =	sdelay $0x2  }
0xb8: {  	s31 =	sshll.u32 s1, $0xD;
	s1 =	sshrl.u32 s1, $0x2  }
0xb9: {  	s3 =	sand.u32 $0x4000, s31;
	s1 =	sadd.s32 s1, s30  }
0xba: {  	s0 =	sor.u32 s3, s0;
	s1 =	sshll.u32 s1, $0x11  }
0xbb: {  	s0 =	sor.u32 s1, s0  }
0xbc: {  	s0 =	sadd.s32 $0x8F2B, s0  }
0xbd: {  	[sflag:s0] =	ssyncadd.remote.s32 $0x1  }
0xbe: {  	_ =	sfence.sel $0xFFFF  }
0xbf: {  	[dreg:$0x0] =	wrdreg $0xFFFFFFFF;
	(pc) =	sbr.abs _section_cstart, $3  }
0xc0: {  	[dreg:$0x1] =	wrdreg $0xFFFFFFFF  }
0xc1: {  	_ =	task.clear_ibuf [dreg:s6], $0x2FFFF;
	_ =	strace $0x9FFFFFFF  }
0xc2: {  	(tm) =	ssettm $0x7FFFFFFF  }
0xc3: {  	_ =	shalt  }
tec
execute0_lowered:
.L_overlay_start_1:
0x0: {  	(tag) =	ssettag $0x1  }
0x1: {  	s0 =	srdreg.scid  }
0x2: {  	s1 =	rddreg [dreg:$0x0];
	s10 =	stileid.u32  }
0x3: {  	s2 =	rddreg [dreg:$0x1];
	s4 =	simm.s32 $0x0;
	s13 =	simm.s32 $0x11  }
0x4: {  	s14 =	simm.s32 $0x80;
	s15 =	simm.s32 $0x5000;
	s16 =	simm.s32 $0x7000  }
0x5: {  	s18 =	simm.s32 $0x9000;
	s20 =	simm.s32 $0xB000;
	s22 =	simm.s32 $0xD000  }
0x6: {  	s29 =	simm.s32 $0x13000;
	s30 =	simm.s32 $0x1;
	s31 =	simm.s32 $0x2  }
0x7: {  	s11 =	simm.s32 $0x5;
	s17 =	simm.s32 $0x6;
	s19 =	simm.s32 $0x7  }
0x8: {  	s21 =	simm.s32 $0x8;
	s28 =	simm.s32 $0xB;
	s5 =	smul.u32 $0xA000, s10  }
0x9: {  	s0 =	sand.u32 $0x1, s0;
	[smem:$0x7FF] =	sst s4;
	s6 =	smul.u32 $0x14000, s10  }
0xa: {  	s4 =	sadd.s32 $0x1AE00, s1;
	s3 =	sshll.u32 s0, $0x4;
	_ =	strace $0x8000004A  }
0xb: {  	s8 =	sshll.u32 s0, $0x6;
	s0 =	ssub.s32 $0x2, s0;
	s3 =	sor.u32 s10, s3  }
0xc: {  	s9 =	sshrl.u32 s5, $0x3;
	s6 =	sor.u32 s8, s6;
	s24 =	sshrl.u32 s0, $0x1  }
0xd: {  	s5 =	sadd.s32 s5, s2;
	s8 =	simm.s32 $0xF;
	s3 =	smul.u32 $0x500, s3  }
0xe: {  	s23 =	sadd.s32 s9, s1;
	s6 =	sshrl.u32 s6, $0x3;
	s0 =	ssub.s32 s0, s24  }
0xf: {  	s12 =	sshrl.u32 s5, $0x3;
	s24 =	simm.s32 $0xF000;
	s5 =	simm.s32 $0xC  }
0x10: {  	s6 =	sadd.s32 s6, s1;
	s25 =	sadd.s32 $0x2E800, s23;
	s0 =	smax.u32 s0, $0x1  }
0x11: {  	s23 =	simm.s32 $0x9;
	[dreg:$0x8] =	wrdreg s12;
	s7 =	sadd.s32 s3, s1  }
0x12: {  	s1 =	sadd.s32 $0xBE00, s1;
	[dreg:$0x4] =	wrdreg s25;
	s6 =	sadd.s32 $0x42800, s6  }
0x13: {  	[dreg:$0x6] =	wrdreg s0;
	s25 =	simm.s32 $0xA;
	s7 =	sadd.s32 $0x1E00, s7  }
0x14: {  	[dreg:$0x5] =	wrdreg s6;
	s26 =	sadd.s32 s3, s1;
	s1 =	sshll.u32 s10, $0x6  }
0x15: {  	s6 =	simm.s32 $0xD;
	s10 =	simm.s32 $0x10;
	[dreg:$0x3] =	wrdreg s7  }
0x16: {  	s3 =	simm.s32 $0x0;
	[dreg:$0x7] =	wrdreg s26;
	s0 =	sor.u32 $0x1C11, s1  }
0x17: {  	s26 =	simm.s32 $0x11000;
	s1 =	simm.s32 $0x3;
	[dreg:$0xa] =	wrdreg s3  }
0x18: {  	s7 =	simm.s32 $0xE;
	[dreg:$0x9] =	wrdreg s0;
	s0 =	simm.s32 $0x4  }
.LBB2_1:
0x19: {  	s3 =	simm.s32 $0x0;
	s12 =	rddreg [dreg:$0x3]  }
0x1a: {  	[tilespmem:s3], [sflag:$0x11] =	stream.linear.gather [hbm4b:s12+s3], $0x2800, $0x38;
	[tilespmem:$0x1F000] =	vst v63  }
0x1b: {  	_ =	swait.ge [sflag:s13], $0x2800  }
0x1c: {  	s9 =	simm.s32 $0x0;
	[sflag:s13] =	ssyncset.done $0x0  }
0x1d: {  	s3 =	simm.s32 $0x2800;
	s12 =	rddreg [dreg:$0x7];
	[sflag:s13] =	ssyncadd.s32 $0xFFFFD800  }
0x1e: {  	[tilespmem:s3], [sflag:$0x11] =	stream.linear.gather [hbm4b:s12+s9], $0x2800, $0x38;
	[tilespmem:$0x1F000] =	vst v63  }
0x1f: {  	s9 =	rddreg [dreg:$0x9];
	_ =	swait.ge [sflag:s13], $0x2800  }
0x20: {  	[sflag:s13] =	ssyncset.done $0x0;
	s12 =	rddreg [dreg:$0x4]  }
0x21: {  	s3 =	rddreg [dreg:$0x8];
	[sflag:s13] =	ssyncadd.s32 $0xFFFFD800  }
0x22: {  	[spmem:s3], [sflag:s9] =	dma.local [hbm:s12], $0x1400  }
0x23: {  	_ =	swait.ge [sflag:s13], $0x1400  }
0x24: {  	[sflag:s13] =	ssyncset.done $0x0  }
0x25: {  	[sflag:s13] =	ssyncadd.s32 $0xFFFFEC00  }
0x26: {  	s13 =	simm.s32 $0x0;
	[bflag:$0x0] =	sbarrier.arrive $0xFFFF  }
0x27: {  	[tilespmem:s15], [sflag:$0x1] =	stream.indirect.gather [hbm4b:s4+s14], $0x40, s13, s14, $0xb8;
	[tilespmem:$0x1F000] =	vst v63  }
0x28: {  	_ = 	snop  }
0x29: {  	[tilespmem:s16], [sflag:$0x2] =	stream.indirect.gather [hbm4b:s4+s14], $0x40, s14, s14, $0xb8;
	[tilespmem:$0x1F000] =	vst v63  }
0x2a: {  	s3 =	simm.s32 $0x100  }
0x2b: {  	[tilespmem:s18], [sflag:$0x3] =	stream.indirect.gather [hbm4b:s4+s14], $0x40, s3, s14, $0xb8;
	[tilespmem:$0x1F000] =	vst v63  }
0x2c: {  	s12 =	simm.s32 $0x180  }
0x2d: {  	[tilespmem:s20], [sflag:$0x4] =	stream.indirect.gather [hbm4b:s4+s14], $0x40, s12, s14, $0xb8;
	[tilespmem:$0x1F000] =	vst v63  }
0x2e: {  	s13 =	simm.s32 $0x200  }
0x2f: {  	[tilespmem:s22], [sflag:$0x5] =	stream.indirect.gather [hbm4b:s4+s14], $0x40, s13, s14, $0xb8;
	[tilespmem:$0x1F000] =	vst v63  }
0x30: {  	s3 =	simm.s32 $0x280  }
0x31: {  	[tilespmem:s24], [sflag:$0x6] =	stream.indirect.gather [hbm4b:s4+s14], $0x40, s3, s14, $0xb8;
	[tilespmem:$0x1F000] =	vst v63  }
0x32: {  	s12 =	simm.s32 $0x300  }
0x33: {  	[tilespmem:s26], [sflag:$0x7] =	stream.indirect.gather [hbm4b:s4+s14], $0x40, s12, s14, $0xb8;
	[tilespmem:$0x1F000] =	vst v63  }
0x34: {  	s13 =	simm.s32 $0x380  }
0x35: {  	[tilespmem:s29], [sflag:$0x8] =	stream.indirect.gather [hbm4b:s4+s14], $0x40, s13, s14, $0xb8;
	[tilespmem:$0x1F000] =	vst v63  }
0x36: {  	_ =	swait.ge [sflag:s30], $0x2000  }
0x37: {  	[sflag:s30] =	ssyncset.done $0x0  }
0x38: {  	s3 =	simm.s32 $0x2800;
	[sflag:s30] =	ssyncadd.s32 $0xFFFFE000  }
0x39: {  	[spmem:s2] =	stream.indirect.scatter.add.f32 [tilespmem:s15], [sflag:$0x9], $0x40, s3, s14, $0xb8;
	[tilespmem:$0x1F000] =	vst v63  }
0x3a: {  	_ =	swait.ge [sflag:s31], $0x2000  }
0x3b: {  	[sflag:s31] =	ssyncset.done $0x0  }
0x3c: {  	s9 =	simm.s32 $0x2880;
	[sflag:s31] =	ssyncadd.s32 $0xFFFFE000  }
0x3d: {  	[spmem:s2] =	stream.indirect.scatter.add.f32 [tilespmem:s16], [sflag:$0xA], $0x40, s9, s14, $0xb8;
	[tilespmem:$0x1F000] =	vst v63  }
0x3e: {  	_ =	swait.ge [sflag:s1], $0x2000  }
0x3f: {  	[sflag:s1] =	ssyncset.done $0x0  }
0x40: {  	s13 =	simm.s32 $0x2900;
	[sflag:s1] =	ssyncadd.s32 $0xFFFFE000  }
0x41: {  	[spmem:s2] =	stream.indirect.scatter.add.f32 [tilespmem:s18], [sflag:$0xB], $0x40, s13, s14, $0xb8;
	[tilespmem:$0x1F000] =	vst v63  }
0x42: {  	_ =	swait.ge [sflag:s0], $0x2000  }
0x43: {  	[sflag:s0] =	ssyncset.done $0x0  }
0x44: {  	s3 =	simm.s32 $0x2980;
	[sflag:s0] =	ssyncadd.s32 $0xFFFFE000  }
0x45: {  	[spmem:s2] =	stream.indirect.scatter.add.f32 [tilespmem:s20], [sflag:$0xC], $0x40, s3, s14, $0xb8;
	[tilespmem:$0x1F000] =	vst v63  }
0x46: {  	_ =	swait.ge [sflag:s11], $0x2000  }
0x47: {  	[sflag:s11] =	ssyncset.done $0x0  }
0x48: {  	s9 =	simm.s32 $0x2A00;
	[sflag:s11] =	ssyncadd.s32 $0xFFFFE000  }
0x49: {  	[spmem:s2] =	stream.indirect.scatter.add.f32 [tilespmem:s22], [sflag:$0xD], $0x40, s9, s14, $0xb8;
	[tilespmem:$0x1F000] =	vst v63  }
0x4a: {  	_ =	swait.ge [sflag:s17], $0x2000  }
0x4b: {  	[sflag:s17] =	ssyncset.done $0x0  }
0x4c: {  	s13 =	simm.s32 $0x2A80;
	[sflag:s17] =	ssyncadd.s32 $0xFFFFE000  }
0x4d: {  	[spmem:s2] =	stream.indirect.scatter.add.f32 [tilespmem:s24], [sflag:$0xE], $0x40, s13, s14, $0xb8;
	[tilespmem:$0x1F000] =	vst v63  }
0x4e: {  	_ =	swait.ge [sflag:s19], $0x2000  }
0x4f: {  	[sflag:s19] =	ssyncset.done $0x0  }
0x50: {  	s3 =	simm.s32 $0x2B00;
	[sflag:s19] =	ssyncadd.s32 $0xFFFFE000  }
0x51: {  	[spmem:s2] =	stream.indirect.scatter.add.f32 [tilespmem:s26], [sflag:$0xF], $0x40, s3, s14, $0xb8;
	[tilespmem:$0x1F000] =	vst v63  }
0x52: {  	_ =	swait.ge [sflag:s21], $0x2000  }
0x53: {  	[sflag:s21] =	ssyncset.done $0x0  }
0x54: {  	s9 =	simm.s32 $0x2B80;
	[sflag:s21] =	ssyncadd.s32 $0xFFFFE000  }
0x55: {  	[spmem:s2] =	stream.indirect.scatter.add.f32 [tilespmem:s29], [sflag:$0x10], $0x40, s9, s14, $0xb8;
	[tilespmem:$0x1F000] =	vst v63  }
0x56: {  	_ =	swait.ge [sflag:s23], $0x2000  }
0x57: {  	[sflag:s23] =	ssyncset.done $0x0  }
0x58: {  	s13 =	simm.s32 $0x400;
	[sflag:s23] =	ssyncadd.s32 $0xFFFFE000  }
0x59: {  	[tilespmem:s15], [sflag:$0x1] =	stream.indirect.gather [hbm4b:s4+s14], $0x40, s13, s14, $0xb8;
	[tilespmem:$0x1F000] =	vst v63  }
0x5a: {  	_ =	swait.ge [sflag:s25], $0x2000  }
0x5b: {  	[sflag:s25] =	ssyncset.done $0x0  }
0x5c: {  	s3 =	simm.s32 $0x480;
	[sflag:s25] =	ssyncadd.s32 $0xFFFFE000  }
0x5d: {  	[tilespmem:s16], [sflag:$0x2] =	stream.indirect.gather [hbm4b:s4+s14], $0x40, s3, s14, $0xb8;
	[tilespmem:$0x1F000] =	vst v63  }
0x5e: {  	_ =	swait.ge [sflag:s28], $0x2000  }
0x5f: {  	[sflag:s28] =	ssyncset.done $0x0  }
0x60: {  	s9 =	simm.s32 $0x500;
	[sflag:s28] =	ssyncadd.s32 $0xFFFFE000  }
0x61: {  	[tilespmem:s18], [sflag:$0x3] =	stream.indirect.gather [hbm4b:s4+s14], $0x40, s9, s14, $0xb8;
	[tilespmem:$0x1F000] =	vst v63  }
0x62: {  	_ =	swait.ge [sflag:s5], $0x2000  }
0x63: {  	[sflag:s5] =	ssyncset.done $0x0  }
0x64: {  	s13 =	simm.s32 $0x580;
	[sflag:s5] =	ssyncadd.s32 $0xFFFFE000  }
0x65: {  	[tilespmem:s20], [sflag:$0x4] =	stream.indirect.gather [hbm4b:s4+s14], $0x40, s13, s14, $0xb8;
	[tilespmem:$0x1F000] =	vst v63  }
0x66: {  	_ =	swait.ge [sflag:s6], $0x2000  }
0x67: {  	[sflag:s6] =	ssyncset.done $0x0  }
0x68: {  	s3 =	simm.s32 $0x600;
	[sflag:s6] =	ssyncadd.s32 $0xFFFFE000  }
0x69: {  	[tilespmem:s22], [sflag:$0x5] =	stream.indirect.gather [hbm4b:s4+s14], $0x40, s3, s14, $0xb8;
	[tilespmem:$0x1F000] =	vst v63  }
0x6a: {  	_ =	swait.ge [sflag:s7], $0x2000  }
0x6b: {  	[sflag:s7] =	ssyncset.done $0x0  }
0x6c: {  	s9 =	simm.s32 $0x680;
	[sflag:s7] =	ssyncadd.s32 $0xFFFFE000  }
0x6d: {  	[tilespmem:s24], [sflag:$0x6] =	stream.indirect.gather [hbm4b:s4+s14], $0x40, s9, s14, $0xb8;
	[tilespmem:$0x1F000] =	vst v63  }
0x6e: {  	_ =	swait.ge [sflag:s8], $0x2000  }
0x6f: {  	[sflag:s8] =	ssyncset.done $0x0  }
0x70: {  	s13 =	simm.s32 $0x700;
	[sflag:s8] =	ssyncadd.s32 $0xFFFFE000  }
0x71: {  	[tilespmem:s26], [sflag:$0x7] =	stream.indirect.gather [hbm4b:s4+s14], $0x40, s13, s14, $0xb8;
	[tilespmem:$0x1F000] =	vst v63  }
0x72: {  	_ =	swait.ge [sflag:s10], $0x2000  }
0x73: {  	[sflag:s10] =	ssyncset.done $0x0  }
0x74: {  	s12 =	simm.s32 $0x1000;
	s13 =	simm.s32 $0x780;
	[sflag:s10] =	ssyncadd.s32 $0xFFFFE000  }
.LBB2_2:
0x75: {  	[tilespmem:s29], [sflag:$0x8] =	stream.indirect.gather [hbm4b:s4+s14], $0x40, s13, s14, $0xb8;
	[tilespmem:$0x1F000] =	vst v63  }
0x76: {  	s13 =	smov.u32 s12  }
0x77: {  	p0 =	sne.s32 s12, $0x8000;
	s12 =	sadd.s32 $0x1000, s12;
	_ =	swait.ge [sflag:s30], $0x2000  }
0x78: {  	s13 =	sshra.s32 s13, $0x2;
	[sflag:s30] =	ssyncset.done $0x0  }
0x79: {  	s9 =	sadd.s32 $0x2800, s13;
	[sflag:s30] =	ssyncadd.s32 $0xFFFFE000  }
0x7a: {  	[spmem:s2] =	stream.indirect.scatter.add.f32 [tilespmem:s15], [sflag:$0x9], $0x40, s9, s14, $0xb8;
	[tilespmem:$0x1F000] =	vst v63  }
0x7b: {  	_ =	swait.ge [sflag:s31], $0x2000  }
0x7c: {  	[sflag:s31] =	ssyncset.done $0x0  }
0x7d: {  	s9 =	sadd.s32 $0x2880, s13;
	[sflag:s31] =	ssyncadd.s32 $0xFFFFE000  }
0x7e: {  	[spmem:s2] =	stream.indirect.scatter.add.f32 [tilespmem:s16], [sflag:$0xA], $0x40, s9, s14, $0xb8;
	[tilespmem:$0x1F000] =	vst v63  }
0x7f: {  	_ =	swait.ge [sflag:s1], $0x2000  }
0x80: {  	[sflag:s1] =	ssyncset.done $0x0  }
0x81: {  	s9 =	sadd.s32 $0x2900, s13;
	[sflag:s1] =	ssyncadd.s32 $0xFFFFE000  }
0x82: {  	[spmem:s2] =	stream.indirect.scatter.add.f32 [tilespmem:s18], [sflag:$0xB], $0x40, s9, s14, $0xb8;
	[tilespmem:$0x1F000] =	vst v63  }
0x83: {  	_ =	swait.ge [sflag:s0], $0x2000  }
0x84: {  	[sflag:s0] =	ssyncset.done $0x0  }
0x85: {  	s9 =	sadd.s32 $0x2980, s13;
	[sflag:s0] =	ssyncadd.s32 $0xFFFFE000  }
0x86: {  	[spmem:s2] =	stream.indirect.scatter.add.f32 [tilespmem:s20], [sflag:$0xC], $0x40, s9, s14, $0xb8;
	[tilespmem:$0x1F000] =	vst v63  }
0x87: {  	_ =	swait.ge [sflag:s11], $0x2000  }
0x88: {  	[sflag:s11] =	ssyncset.done $0x0  }
0x89: {  	s9 =	sadd.s32 $0x2A00, s13;
	[sflag:s11] =	ssyncadd.s32 $0xFFFFE000  }
0x8a: {  	[spmem:s2] =	stream.indirect.scatter.add.f32 [tilespmem:s22], [sflag:$0xD], $0x40, s9, s14, $0xb8;
	[tilespmem:$0x1F000] =	vst v63  }
0x8b: {  	_ =	swait.ge [sflag:s17], $0x2000  }
0x8c: {  	[sflag:s17] =	ssyncset.done $0x0  }
0x8d: {  	s9 =	sadd.s32 $0x2A80, s13;
	[sflag:s17] =	ssyncadd.s32 $0xFFFFE000  }
0x8e: {  	[spmem:s2] =	stream.indirect.scatter.add.f32 [tilespmem:s24], [sflag:$0xE], $0x40, s9, s14, $0xb8;
	[tilespmem:$0x1F000] =	vst v63  }
0x8f: {  	_ =	swait.ge [sflag:s19], $0x2000  }
0x90: {  	[sflag:s19] =	ssyncset.done $0x0  }
0x91: {  	s9 =	sadd.s32 $0x2B00, s13;
	[sflag:s19] =	ssyncadd.s32 $0xFFFFE000  }
0x92: {  	[spmem:s2] =	stream.indirect.scatter.add.f32 [tilespmem:s26], [sflag:$0xF], $0x40, s9, s14, $0xb8;
	[tilespmem:$0x1F000] =	vst v63  }
0x93: {  	_ =	swait.ge [sflag:s21], $0x2000  }
0x94: {  	[sflag:s21] =	ssyncset.done $0x0  }
0x95: {  	s9 =	sadd.s32 $0x2B80, s13;
	[sflag:s21] =	ssyncadd.s32 $0xFFFFE000  }
0x96: {  	[spmem:s2] =	stream.indirect.scatter.add.f32 [tilespmem:s29], [sflag:$0x10], $0x40, s9, s14, $0xb8;
	[tilespmem:$0x1F000] =	vst v63  }
0x97: {  	_ =	swait.ge [sflag:s23], $0x2000  }
0x98: {  	[sflag:s23] =	ssyncset.done $0x0  }
0x99: {  	s9 =	sadd.s32 $0x400, s13;
	[sflag:s23] =	ssyncadd.s32 $0xFFFFE000  }
0x9a: {  	[tilespmem:s15], [sflag:$0x1] =	stream.indirect.gather [hbm4b:s4+s14], $0x40, s9, s14, $0xb8;
	[tilespmem:$0x1F000] =	vst v63  }
0x9b: {  	_ =	swait.ge [sflag:s25], $0x2000  }
0x9c: {  	[sflag:s25] =	ssyncset.done $0x0  }
0x9d: {  	s9 =	sadd.s32 $0x480, s13;
	[sflag:s25] =	ssyncadd.s32 $0xFFFFE000  }
0x9e: {  	[tilespmem:s16], [sflag:$0x2] =	stream.indirect.gather [hbm4b:s4+s14], $0x40, s9, s14, $0xb8;
	[tilespmem:$0x1F000] =	vst v63  }
0x9f: {  	_ =	swait.ge [sflag:s28], $0x2000  }
0xa0: {  	[sflag:s28] =	ssyncset.done $0x0  }
0xa1: {  	s9 =	sadd.s32 $0x500, s13;
	[sflag:s28] =	ssyncadd.s32 $0xFFFFE000  }
0xa2: {  	[tilespmem:s18], [sflag:$0x3] =	stream.indirect.gather [hbm4b:s4+s14], $0x40, s9, s14, $0xb8;
	[tilespmem:$0x1F000] =	vst v63  }
0xa3: {  	_ =	swait.ge [sflag:s5], $0x2000  }
0xa4: {  	[sflag:s5] =	ssyncset.done $0x0  }
0xa5: {  	s9 =	sadd.s32 $0x580, s13;
	[sflag:s5] =	ssyncadd.s32 $0xFFFFE000  }
0xa6: {  	[tilespmem:s20], [sflag:$0x4] =	stream.indirect.gather [hbm4b:s4+s14], $0x40, s9, s14, $0xb8;
	[tilespmem:$0x1F000] =	vst v63  }
0xa7: {  	_ =	swait.ge [sflag:s6], $0x2000  }
0xa8: {  	[sflag:s6] =	ssyncset.done $0x0  }
0xa9: {  	s9 =	sadd.s32 $0x600, s13;
	[sflag:s6] =	ssyncadd.s32 $0xFFFFE000  }
0xaa: {  	[tilespmem:s22], [sflag:$0x5] =	stream.indirect.gather [hbm4b:s4+s14], $0x40, s9, s14, $0xb8;
	[tilespmem:$0x1F000] =	vst v63  }
0xab: {  	_ =	swait.ge [sflag:s7], $0x2000  }
0xac: {  	[sflag:s7] =	ssyncset.done $0x0  }
0xad: {  	s9 =	sadd.s32 $0x680, s13;
	[sflag:s7] =	ssyncadd.s32 $0xFFFFE000  }
0xae: {  	[tilespmem:s24], [sflag:$0x6] =	stream.indirect.gather [hbm4b:s4+s14], $0x40, s9, s14, $0xb8;
	[tilespmem:$0x1F000] =	vst v63  }
0xaf: {  	_ =	swait.ge [sflag:s8], $0x2000  }
0xb0: {  	[sflag:s8] =	ssyncset.done $0x0  }
.Ltmp0:
0xb1: {  	s9 =	sadd.s32 $0x700, s13;
	[sflag:s8] =	ssyncadd.s32 $0xFFFFE000;
	(pc) =	sbr.rel @p0 .LBB2_2-.Ltmp0, $4  }
0xb2: {  	[tilespmem:s26], [sflag:$0x7] =	stream.indirect.gather [hbm4b:s4+s14], $0x40, s9, s14, $0xb8;
	[tilespmem:$0x1F000] =	vst v63  }
0xb3: {  	_ =	swait.ge [sflag:s10], $0x2000  }
0xb4: {  	[sflag:s10] =	ssyncset.done $0x0  }
0xb5: {  	s13 =	sadd.s32 $0x780, s13;
	[sflag:s10] =	ssyncadd.s32 $0xFFFFE000  }
0xb6: {  	[tilespmem:s29], [sflag:$0x8] =	stream.indirect.gather [hbm4b:s4+s14], $0x40, s13, s14, $0xb8;
	[tilespmem:$0x1F000] =	vst v63  }
0xb7: {  	_ =	swait.ge [sflag:s30], $0x2000  }
0xb8: {  	[sflag:s30] =	ssyncset.done $0x0  }
0xb9: {  	s9 =	simm.s32 $0x4C00;
	[sflag:s30] =	ssyncadd.s32 $0xFFFFE000  }
0xba: {  	[spmem:s2] =	stream.indirect.scatter.add.f32 [tilespmem:s15], [sflag:$0x9], $0x40, s9, s14, $0xb8;
	[tilespmem:$0x1F000] =	vst v63  }
0xbb: {  	_ =	swait.ge [sflag:s31], $0x2000  }
0xbc: {  	[sflag:s31] =	ssyncset.done $0x0  }
0xbd: {  	s12 =	simm.s32 $0x4C80;
	[sflag:s31] =	ssyncadd.s32 $0xFFFFE000  }
0xbe: {  	[spmem:s2] =	stream.indirect.scatter.add.f32 [tilespmem:s16], [sflag:$0xA], $0x40, s12, s14, $0xb8;
	[tilespmem:$0x1F000] =	vst v63  }
0xbf: {  	_ =	swait.ge [sflag:s1], $0x2000  }
0xc0: {  	[sflag:s1] =	ssyncset.done $0x0  }
0xc1: {  	s13 =	simm.s32 $0x4D00;
	[sflag:s1] =	ssyncadd.s32 $0xFFFFE000  }
0xc2: {  	[spmem:s2] =	stream.indirect.scatter.add.f32 [tilespmem:s18], [sflag:$0xB], $0x40, s13, s14, $0xb8;
	[tilespmem:$0x1F000] =	vst v63  }
0xc3: {  	_ =	swait.ge [sflag:s0], $0x2000  }
0xc4: {  	[sflag:s0] =	ssyncset.done $0x0  }
0xc5: {  	s3 =	simm.s32 $0x4D80;
	[sflag:s0] =	ssyncadd.s32 $0xFFFFE000  }
0xc6: {  	[spmem:s2] =	stream.indirect.scatter.add.f32 [tilespmem:s20], [sflag:$0xC], $0x40, s3, s14, $0xb8;
	[tilespmem:$0x1F000] =	vst v63  }
0xc7: {  	_ =	swait.ge [sflag:s11], $0x2000  }
0xc8: {  	[sflag:s11] =	ssyncset.done $0x0  }
0xc9: {  	s12 =	simm.s32 $0x4E00;
	[sflag:s11] =	ssyncadd.s32 $0xFFFFE000  }
0xca: {  	[spmem:s2] =	stream.indirect.scatter.add.f32 [tilespmem:s22], [sflag:$0xD], $0x40, s12, s14, $0xb8;
	[tilespmem:$0x1F000] =	vst v63  }
0xcb: {  	_ =	swait.ge [sflag:s17], $0x2000  }
0xcc: {  	[sflag:s17] =	ssyncset.done $0x0  }
0xcd: {  	s13 =	simm.s32 $0x4E80;
	[sflag:s17] =	ssyncadd.s32 $0xFFFFE000  }
0xce: {  	[spmem:s2] =	stream.indirect.scatter.add.f32 [tilespmem:s24], [sflag:$0xE], $0x40, s13, s14, $0xb8;
	[tilespmem:$0x1F000] =	vst v63  }
0xcf: {  	_ =	swait.ge [sflag:s19], $0x2000  }
0xd0: {  	[sflag:s19] =	ssyncset.done $0x0  }
0xd1: {  	s3 =	simm.s32 $0x4F00;
	[sflag:s19] =	ssyncadd.s32 $0xFFFFE000  }
0xd2: {  	[spmem:s2] =	stream.indirect.scatter.add.f32 [tilespmem:s26], [sflag:$0xF], $0x40, s3, s14, $0xb8;
	[tilespmem:$0x1F000] =	vst v63  }
0xd3: {  	_ =	swait.ge [sflag:s21], $0x2000  }
0xd4: {  	[sflag:s21] =	ssyncset.done $0x0  }
0xd5: {  	s12 =	simm.s32 $0x4F80;
	[sflag:s21] =	ssyncadd.s32 $0xFFFFE000  }
0xd6: {  	[spmem:s2] =	stream.indirect.scatter.add.f32 [tilespmem:s29], [sflag:$0x10], $0x40, s12, s14, $0xb8;
	[tilespmem:$0x1F000] =	vst v63  }
0xd7: {  	_ =	swait.ge [sflag:s23], $0x2000  }
0xd8: {  	[sflag:s23] =	ssyncset.done $0x0  }
0xd9: {  	[sflag:s23] =	ssyncadd.s32 $0xFFFFE000  }
0xda: {  	_ =	swait.ge [sflag:s25], $0x2000  }
0xdb: {  	[sflag:s25] =	ssyncset.done $0x0  }
0xdc: {  	[sflag:s25] =	ssyncadd.s32 $0xFFFFE000  }
0xdd: {  	_ =	swait.ge [sflag:s28], $0x2000  }
0xde: {  	[sflag:s28] =	ssyncset.done $0x0  }
0xdf: {  	[sflag:s28] =	ssyncadd.s32 $0xFFFFE000  }
0xe0: {  	_ =	swait.ge [sflag:s5], $0x2000  }
0xe1: {  	[sflag:s5] =	ssyncset.done $0x0  }
0xe2: {  	[sflag:s5] =	ssyncadd.s32 $0xFFFFE000  }
0xe3: {  	_ =	swait.ge [sflag:s6], $0x2000  }
0xe4: {  	[sflag:s6] =	ssyncset.done $0x0  }
0xe5: {  	[sflag:s6] =	ssyncadd.s32 $0xFFFFE000  }
0xe6: {  	_ =	swait.ge [sflag:s7], $0x2000  }
0xe7: {  	[sflag:s7] =	ssyncset.done $0x0  }
0xe8: {  	[sflag:s7] =	ssyncadd.s32 $0xFFFFE000  }
0xe9: {  	_ =	swait.ge [sflag:s8], $0x2000  }
0xea: {  	[sflag:s8] =	ssyncset.done $0x0  }
0xeb: {  	[sflag:s8] =	ssyncadd.s32 $0xFFFFE000  }
0xec: {  	_ =	swait.ge [sflag:s10], $0x2000  }
0xed: {  	[sflag:s10] =	ssyncset.done $0x0  }
0xee: {  	[sflag:s10] =	ssyncadd.s32 $0xFFFFE000  }
0xef: {  	[bflag:$0x0] =	sbarrier.arrive $0xFFFF  }
0xf0: {  	s13 =	rddreg [dreg:$0x5]  }
0xf1: {  	s12 =	rddreg [dreg:$0x8]  }
0xf2: {  	s3 =	rddreg [dreg:$0x9]  }
0xf3: {  	[hbm:s13@s10], [sflag:s3] =	dma.strided [spmem:s12@s21], $0x1400, s30, $0x8   }
0xf4: {  	s13 =	simm.s32 $0x11  }
0xf5: {  	_ =	swait.ge [sflag:s13], $0x1400  }
0xf6: {  	s9 =	rddreg [dreg:$0xa]  }
0xf7: {  	s12 =	rddreg [dreg:$0x6];
	s3 =	sadd.s32 $0x1, s9  }
0xf8: {  	p0 =	sne.s32 s3, s12  }
.Ltmp1:
0xf9: {  	_ = 	snop;
	(pc) =	sbr.rel @p0 .LBB2_1-.Ltmp1, $3  }
0xfa: {  	_ =	sdelay $0x1  }
0xfb: {  	[sflag:s13] =	ssyncset.done $0x0  }
0xfc: {  	[sflag:s13] =	ssyncadd.s32 $0xFFFFEC00;
	[dreg:$0xa] =	wrdreg s3  }
0xfd: {  	_ =	sfence.sel $0x180000  }
0xfe: {  	[bflag:$0x0] =	sbarrier.arrive $0xFFFF  }
0xff: {  	_ =	strace $0x9000004A  }
0x100: {  	s0 =	stileid.u32;
	[bflag:$0x2] =	sbarrier.arrive $0xFFFF  }
0x101: {  	p0 =	sne.s32 s0, $0x0;
	s0 =	rddreg [dreg:$0x2]  }
0x102: {  	s0 =	sadd.s32 @!p0 $0x100000, s0  }
0x103: {  	[sflag:s0] =	ssyncadd.tile.s32 @!p0 $0x1;
	_ =	shalt  }
.Lfunc_end2:
_tile_overlayer_lowered:
.L_overlay_start_2:
0x104: {  	(tag) =	ssettag $0x2  }
0x105: {  	s0 =	rddreg [dreg:$0x0];
	s2 =	stileid.u32  }
0x106: {  	s1 =	rddreg [dreg:$0x1];
	p0 =	sne.s32 s2, $0x0  }
0x107: {  	s3 =	rddreg [dreg:$0x2];
	[bflag:$0x3] =	sbarrier.arrive $0xFFFF;
	s2 =	simm.s32 @!p0 $0x1C11  }
0x108: {  	[timem:s3], [sflag:s2] =	dma.local @!p0 [hbm:s0], s1  }
0x109: {  	s0 =	simm.s32 @!p0 $0x11  }
0x10a: {  	_ =	swait.ge @!p0 [sflag:s0], s1  }
0x10b: {  	s1 =	ssub.s32 @!p0 $0x0, s1;
	[sflag:s0] =	ssyncset.done @!p0 $0x0  }
0x10c: {  	[sflag:s0] =	ssyncadd.s32 @!p0 s1  }
0x10d: {  	[bflag:$0x3] =	sbarrier.arrive $0xFFFF  }
0x10e: {  	_ =	shalt  }

// kernel: kernel.15.cloned.1.call-start
scs
__scs_entry_jumppad:
0x0: {  	(pc) =	sbr.rel $0x88, $3  }
0x1: {  	(tag) =	ssettag $0x0;
	lr =	simm.s32 $0x1  }
0x2: {  	[smem:$0x3F9B] =	sst lr;
	_ =	strace $0xD0000000  }
0x3: {  	_ = 	snop  }
0x4: {  	_ = 	snop  }
0x5: {  	_ = 	snop  }
0x6: {  	_ = 	snop  }
0x7: {  	_ = 	snop  }
__scs_overlays_trampoline_lowered:
0x8: {  	[smem:$0x3FAA] =	sst s0  }
0x9: {  	[smem:$0x3FAB] =	sst s1  }
0xa: {  	[smem:$0x3FAC] =	sst s2  }
0xb: {  	[smem:$0x3FAD] =	sst s3  }
0xc: {  	[smem:$0x3FAE] =	sst s4  }
0xd: {  	[smem:$0x3FAF] =	sst s5  }
0xe: {  	[smem:$0x3FB0] =	sst s6  }
0xf: {  	[smem:$0x3FB1] =	sst s7  }
0x10: {  	[smem:$0x3FB2] =	sst s8  }
0x11: {  	[smem:$0x3FB3] =	sst s9;
	s0 =	simm.s32 @!p0 $0x0  }
0x12: {  	s1 =	sld [smem:$0x3F99];
	s0 =	simm.s32 @p0 $0x1  }
0x13: {  	[smem:$0x3FB4] =	sst s0;
	s0 =	simm.s32 @!p1 $0x0  }
0x14: {  	s2 =	sld [smem:$0x3F98];
	s0 =	simm.s32 @p1 $0x1  }
0x15: {  	[smem:$0x3FB5] =	sst s0;
	s0 =	simm.s32 @!p2 $0x0  }
0x16: {  	s3 =	sld [smem:$0x3FDB];
	s0 =	simm.s32 @p2 $0x1  }
0x17: {  	s4 =	simm.s32 $0x1BF5;
	[smem:$0x3FB7] =	sst s0  }
0x18: {  	s0 =	sld [smem:$0x3F9A];
	_ =	swait.ge [sflag:s4], $0x0  }
0x19: {  	s7 =	sld [smem:$0x3F9B]  }
0x1a: {  	s8 =	sadd.s32 $0xFFFFE003, lr  }
0x1b: {  	s9 =	sadd.s32 $0xFFFFFEF7, lr;
	s5 =	simm.s32 $0xFFFFFFFF;
	p2 =	slt.u32 s8, $0xFFFFF086  }
0x1c: {  	p1 =	slt.u32 s9, $0xF7A;
	s5 =	simm.s32 @!p2 $0x0  }
0x1d: {  	s5 =	simm.s32 @p1 $0x1;
	p0 =	seq.s32 s7, s2  }
0x1e: {  	s7 =	smul.u32 @!p0 $0xF7A, s2;
	p2 =	seq.s32 @!p0 s5, $0x0  }
0x1f: {  	s9 =	smul.u32 $0xF7A, s1;
	s8 =	simm.s32 @!p0 $0x1BF5;
	p2 =	por !p2, p0  }
0x20: {  	[sflag:s8] =	ssyncset.s32 @!p0 $0xFFFFF086;
	s6 =	sadd.s32 @!p0 s3, s7;
	s7 =	simm.s32 @!p0 $0x108  }
0x21: {  	s3 =	sadd.s32 s3, s9;
	s6 =	sadd.s32 @!p0 $0x88, s6;
	s7 =	simm.s32 @p2 $0x1082  }
0x22: {  	[simem:s7], [sflag:s8] =	dma.local @!p0 [hbm:s6], $0xF7A  }
0x23: {  	s9 =	sor.u32 $0xD0000000, s2;
	s6 =	simm.s32 $0x108;
	_ =	swait.ge @!p0 [sflag:s8], $0x0  }
0x24: {  	s3 =	sadd.s32 $0x88, s3;
	s6 =	simm.s32 @!p1 $0x1082;
	[sflag:s4] =	ssyncset.s32 $0xFFFFF086  }
0x25: {  	[simem:s6], [sflag:s4] =	dma.local [hbm:s3], $0xF7A  }
0x26: {  	[smem:$0x3F9B] =	sst s1;
	(tag) =	ssettag s2;
	_ =	strace s9  }
0x27: {  	s1 =	sld [smem:$0x3FAB]  }
0x28: {  	s2 =	sld [smem:$0x3FAC]  }
0x29: {  	s4 =	sld [smem:$0x3FAE]  }
0x2a: {  	p0 =	seq.s32 s5, $0x0;
	s5 =	sld [smem:$0x3FAF]  }
0x2b: {  	s6 =	sld [smem:$0x3FB0]  }
0x2c: {  	s7 =	sld [smem:$0x3FB1]  }
0x2d: {  	s3 =	simm.s32 $0x108;
	s8 =	sld [smem:$0x3FB2]  }
0x2e: {  	s3 =	simm.s32 @!p0 $0x1082;
	s9 =	sld [smem:$0x3FB3]  }
0x2f: {  	lr =	sadd.s32 s0, s3;
	s0 =	sld [smem:$0x3FAA]  }
0x30: {  	s3 =	sld [smem:$0x3FAD]  }
0x31: {  	[smem:$0x3FB6] =	sst s10  }
0x32: {  	s10 =	sld [smem:$0x3FB4];
	_ =	sdelay $0x3  }
0x33: {  	p0 =	seq.s32 s10, $0x1;
	s10 =	sld [smem:$0x3FB6];
	_ =	sdelay $0x3  }
0x34: {  	[smem:$0x3FB6] =	sst s10  }
0x35: {  	s10 =	sld [smem:$0x3FB5];
	_ =	sdelay $0x3  }
0x36: {  	p1 =	seq.s32 s10, $0x1;
	s10 =	sld [smem:$0x3FB6];
	_ =	sdelay $0x3  }
0x37: {  	[smem:$0x3FB6] =	sst s10  }
0x38: {  	s10 =	sld [smem:$0x3FB7]  }
0x39: {  	_ = 	snop;
	(pc) =	sbr.ind lr, $3  }
0x3a: {  	_ = 	snop  }
0x3b: {  	_ = 	snop  }
0x3c: {  	p2 =	seq.s32 s10, $0x1;
	s10 =	sld [smem:$0x3FB6]  }
0x3d: {  	_ =	shalt  }
0x3e: {  	_ =	shalt  }
0x3f: {  	_ =	shalt  }
0x40: {  	_ =	shalt  }
0x41: {  	_ =	shalt  }
0x42: {  	_ =	shalt  }
0x43: {  	_ =	shalt  }
0x44: {  	_ =	shalt  }
0x45: {  	_ =	shalt  }
0x46: {  	_ =	shalt  }
0x47: {  	_ =	shalt  }
0x48: {  	_ =	shalt  }
0x49: {  	_ =	shalt  }
0x4a: {  	_ =	shalt  }
0x4b: {  	_ =	shalt  }
0x4c: {  	_ =	shalt  }
0x4d: {  	_ =	shalt  }
0x4e: {  	_ =	shalt  }
0x4f: {  	_ =	shalt  }
0x50: {  	_ =	shalt  }
0x51: {  	_ =	shalt  }
0x52: {  	_ =	shalt  }
0x53: {  	_ =	shalt  }
0x54: {  	_ =	shalt  }
0x55: {  	_ =	shalt  }
0x56: {  	_ =	shalt  }
0x57: {  	_ =	shalt  }
0x58: {  	_ =	shalt  }
0x59: {  	_ =	shalt  }
0x5a: {  	_ =	shalt  }
0x5b: {  	_ =	shalt  }
0x5c: {  	_ =	shalt  }
0x5d: {  	_ =	shalt  }
0x5e: {  	_ =	shalt  }
0x5f: {  	_ =	shalt  }
0x60: {  	_ =	shalt  }
0x61: {  	_ =	shalt  }
0x62: {  	_ =	shalt  }
0x63: {  	_ =	shalt  }
0x64: {  	_ =	shalt  }
0x65: {  	_ =	shalt  }
0x66: {  	_ =	shalt  }
0x67: {  	_ =	shalt  }
0x68: {  	_ =	shalt  }
0x69: {  	_ =	shalt  }
0x6a: {  	_ =	shalt  }
0x6b: {  	_ =	shalt  }
0x6c: {  	_ =	shalt  }
0x6d: {  	_ =	shalt  }
0x6e: {  	_ =	shalt  }
0x6f: {  	_ =	shalt  }
0x70: {  	_ =	shalt  }
0x71: {  	_ =	shalt  }
0x72: {  	_ =	shalt  }
0x73: {  	_ =	shalt  }
0x74: {  	_ =	shalt  }
0x75: {  	_ =	shalt  }
0x76: {  	_ =	shalt  }
0x77: {  	_ =	shalt  }
0x78: {  	_ =	shalt  }
0x79: {  	_ =	shalt  }
0x7a: {  	_ =	shalt  }
0x7b: {  	_ =	shalt  }
0x7c: {  	_ =	shalt  }
0x7d: {  	_ =	shalt  }
0x7e: {  	_ =	shalt  }
0x7f: {  	_ =	shalt  }
0x80: {  	_ =	shalt  }
0x81: {  	_ =	shalt  }
0x82: {  	_ =	shalt  }
0x83: {  	_ =	shalt  }
0x84: {  	_ =	shalt  }
0x85: {  	_ =	shalt  }
0x86: {  	_ =	shalt  }
0x87: {  	_ =	shalt  }
.Lfunc_end0:
.L_simem_size_0:
called_computation.2_lowered:
.L_overlay_start_0:
0x88: {  	s2 =	sld [smem:$0x3FD9]  }
0x89: {  	s3 =	sld [smem:$0x3FFE];
	_ =	sdelay $0x1  }
0x8a: {  	s1 =	srdreg.scid  }
0x8b: {  	s0 =	sand.u32 $0x1, s1  }
0x8c: {  	s16 =	sshll.u32 s0, $0xA;
	s2 =	sadd.s32 s3, s2  }
0x8d: {  	s2 =	sadd.s32 s2, s16  }
0x8e: {  	[smem:$0x3FC2] =	sst s2  }
0x8f: {  	_ = 	snop  }
0x90: {  	(tm) =	ssettm $0x1  }
0x91: {  	s17 =	sld [smem:$0x3FFB];
	_ =	sdelay $0x3  }
0x92: {  	_ =	strace s17  }
0x93: {  	s2 =	sld [smem:$0x3FFC];
	_ =	sdelay $0x3  }
0x94: {  	_ =	strace s2  }
0x95: {  	s2 =	sld [smem:$0x3FFD];
	_ =	sdelay $0x3  }
0x96: {  	_ =	strace s2  }
0x97: {  	_ =	strace $0x8FFFFFFF  }
0x98: {  	s18 =	sld [smem:$0x3FDB];
	_ =	sdelay $0x1  }
0x99: {  	s19 =	simm.s32 $_scs_section_size  }
0x9a: {  	s4 =	simm.s32 $_size__tile_overlayer_lowered;
	s5 =	simm.s32 $_tile_overlayer_lowered  }
0x9b: {  	s22 =	simm.s32 $0x1BFF;
	s21 =	sshll.u32 s5, $0x1;
	s2 =	sadd.s32 s19, s18  }
0x9c: {  	s6 =	simm.s32 $0x0;
	s20 =	sshll.u32 s4, $0x1;
	s4 =	sadd.s32 s21, s2  }
0x9d: {  	[timem:s6], [sflag:s22] =	dma.local [hbm:s4], s20  }
0x9e: {  	_ =	swait.ge [sflag:s22], s20  }
0x9f: {  	s3 =	ssub.s32 $0x0, s20;
	[sflag:s22] =	ssyncset.done $0x0  }
0xa0: {  	[sflag:s22] =	ssyncadd.s32 s3;
	_ =	sdelay $0x1  }
0xa1: {  	s23 =	simm.s32 $0x1B8B  }
0xa2: {  	_ =	swait.ge [sflag:s23], $0x1  }
0xa3: {  	[sflag:s23] =	ssyncset.done $0x0  }
0xa4: {  	s25 =	simm.s32 $0x1B8E;
	s24 =	sld [smem:$0x3FFE];
	[sflag:s23] =	ssyncadd.s32 $0xFFFFFFFF  }
0xa5: {  	s26 =	simm.s32 $execute0_lowered;
	[smem:$0x3FD2] =	sst s25  }
0xa6: {  	s4 =	sshll.u32 s26, $0x1;
	_ =	strace $0x8000004C;
	[dreg:$0x1] =	wrdreg $0xFFFFFFFF  }
0xa7: {  	s28 =	simm.s32 $_size_execute0_lowered;
	s2 =	sadd.s32 s2, s4;
	[dreg:$0x0] =	wrdreg $0x0  }
0xa8: {  	s4 =	sshll.u32 s28, $0x1;
	[dreg:$0x2] =	wrdreg s2  }
0xa9: {  	[dreg:$0x3] =	wrdreg s4  }
0xaa: {  	[dreg:$0x4] =	wrdreg $0xC0  }
0xab: {  	_ =	task [dreg:s6], $0x5FFFF  }
0xac: {  	[dreg:$0x1] =	wrdreg $0xFFFFFFFF  }
0xad: {  	[dreg:$0x0] =	wrdreg $0x60  }
0xae: {  	[dreg:$0x2] =	wrdreg s24  }
0xaf: {  	[dreg:$0x3] =	wrdreg $0x90000  }
0xb0: {  	[dreg:$0x4] =	wrdreg $0x9  }
0xb1: {  	_ =	task.clear_ibuf [dreg:s6], $0x5FFFF;
	_ =	strace $0x9000004C  }
0xb2: {  	s29 =	simm.s32 $0x9;
	_ =	strace $0x8000004E  }
0xb3: {  	_ =	swait.ge [sflag:s29], $0x1  }
0xb4: {  	[sflag:s29] =	ssyncadd.s32 $0xFFFFFFFF  }
0xb5: {  	_ =	strace $0x9000004E  }
0xb6: {  	_ =	sfence  }
0xb7: {  	s30 =	sld [smem:$0x0];
	_ =	sdelay $0x2  }
0xb8: {  	s31 =	sshll.u32 s1, $0xD;
	s1 =	sshrl.u32 s1, $0x2  }
0xb9: {  	s3 =	sand.u32 $0x4000, s31;
	s1 =	sadd.s32 s1, s30  }
0xba: {  	s0 =	sor.u32 s3, s0;
	s1 =	sshll.u32 s1, $0x11  }
0xbb: {  	s0 =	sor.u32 s1, s0  }
0xbc: {  	s0 =	sadd.s32 $0x8F2B, s0  }
0xbd: {  	[sflag:s0] =	ssyncadd.remote.s32 $0x1  }
0xbe: {  	_ =	sfence.sel $0xFFFF  }
0xbf: {  	[dreg:$0x0] =	wrdreg $0xFFFFFFFF;
	(pc) =	sbr.abs _section_cstart, $3  }
0xc0: {  	[dreg:$0x1] =	wrdreg $0xFFFFFFFF  }
0xc1: {  	_ =	task.clear_ibuf [dreg:s6], $0x2FFFF;
	_ =	strace $0x9FFFFFFF  }
0xc2: {  	(tm) =	ssettm $0x7FFFFFFF  }
0xc3: {  	_ =	shalt  }
tec
execute0_lowered:
.L_overlay_start_1:
0x0: {  	(tag) =	ssettag $0x1  }
0x1: {  	s0 =	srdreg.scid  }
0x2: {  	s1 =	rddreg [dreg:$0x0];
	s10 =	stileid.u32  }
0x3: {  	s2 =	rddreg [dreg:$0x1];
	s4 =	simm.s32 $0x0;
	s13 =	simm.s32 $0x11  }
0x4: {  	s14 =	simm.s32 $0x80;
	s15 =	simm.s32 $0x5000;
	s16 =	simm.s32 $0x5800  }
0x5: {  	s18 =	simm.s32 $0x6000;
	s20 =	simm.s32 $0x6800;
	s22 =	simm.s32 $0x7000  }
0x6: {  	s29 =	simm.s32 $0x8800;
	s30 =	simm.s32 $0x1;
	s31 =	simm.s32 $0x2  }
0x7: {  	s11 =	simm.s32 $0x5;
	s17 =	simm.s32 $0x6;
	s19 =	simm.s32 $0x7  }
0x8: {  	s21 =	simm.s32 $0x8;
	s28 =	simm.s32 $0xB;
	s5 =	smul.u32 $0x2800, s10  }
0x9: {  	s0 =	sand.u32 $0x1, s0;
	[smem:$0x7FF] =	sst s4;
	s6 =	smul.u32 $0x14000, s10  }
0xa: {  	s4 =	sadd.s32 $0x1AE00, s1;
	s3 =	sshll.u32 s0, $0x4;
	_ =	strace $0x8000004D  }
0xb: {  	s8 =	sshll.u32 s0, $0x6;
	s0 =	ssub.s32 $0x2, s0;
	s3 =	sor.u32 s10, s3  }
0xc: {  	s9 =	sshrl.u32 s5, $0x3;
	s6 =	sor.u32 s8, s6;
	s24 =	sshrl.u32 s0, $0x1  }
0xd: {  	s5 =	sadd.s32 s5, s2;
	s8 =	simm.s32 $0xF;
	s3 =	smul.u32 $0x500, s3  }
0xe: {  	s23 =	sadd.s32 s9, s1;
	s6 =	sshrl.u32 s6, $0x3;
	s0 =	ssub.s32 s0, s24  }
0xf: {  	s12 =	sshrl.u32 s5, $0x3;
	s24 =	simm.s32 $0x7800;
	s5 =	simm.s32 $0xC  }
0x10: {  	s6 =	sadd.s32 s6, s1;
	s25 =	sadd.s32 $0x15E00, s23;
	s0 =	smax.u32 s0, $0x1  }
0x11: {  	s23 =	simm.s32 $0x9;
	[dreg:$0x8] =	wrdreg s12;
	s7 =	sadd.s32 s3, s1  }
0x12: {  	s1 =	sadd.s32 $0xBE00, s1;
	[dreg:$0x4] =	wrdreg s25;
	s6 =	sadd.s32 $0x1FE00, s6  }
0x13: {  	[dreg:$0x6] =	wrdreg s0;
	s25 =	simm.s32 $0xA;
	s7 =	sadd.s32 $0x1E00, s7  }
0x14: {  	[dreg:$0x5] =	wrdreg s6;
	s26 =	sadd.s32 s3, s1;
	s1 =	sshll.u32 s10, $0x6  }
0x15: {  	s6 =	simm.s32 $0xD;
	s10 =	simm.s32 $0x10;
	[dreg:$0x3] =	wrdreg s7  }
0x16: {  	s3 =	simm.s32 $0x0;
	[dreg:$0x7] =	wrdreg s26;
	s0 =	sor.u32 $0x1C11, s1  }
0x17: {  	s26 =	simm.s32 $0x8000;
	s1 =	simm.s32 $0x3;
	[dreg:$0xa] =	wrdreg s3  }
0x18: {  	s7 =	simm.s32 $0xE;
	[dreg:$0x9] =	wrdreg s0;
	s0 =	simm.s32 $0x4  }
.LBB2_1:
0x19: {  	s3 =	simm.s32 $0x0;
	s12 =	rddreg [dreg:$0x3]  }
0x1a: {  	[tilespmem:s3], [sflag:$0x11] =	stream.linear.gather [hbm4b:s12+s3], $0x2800, $0x38;
	[tilespmem:$0xB800] =	vst v63  }
0x1b: {  	_ =	swait.ge [sflag:s13], $0x2800  }
0x1c: {  	s9 =	simm.s32 $0x0;
	[sflag:s13] =	ssyncset.done $0x0  }
0x1d: {  	s3 =	simm.s32 $0x2800;
	s12 =	rddreg [dreg:$0x7];
	[sflag:s13] =	ssyncadd.s32 $0xFFFFD800  }
0x1e: {  	[tilespmem:s3], [sflag:$0x11] =	stream.linear.gather [hbm4b:s12+s9], $0x2800, $0x38;
	[tilespmem:$0xB800] =	vst v63  }
0x1f: {  	s9 =	rddreg [dreg:$0x9];
	_ =	swait.ge [sflag:s13], $0x2800  }
0x20: {  	[sflag:s13] =	ssyncset.done $0x0;
	s12 =	rddreg [dreg:$0x4]  }
0x21: {  	s3 =	rddreg [dreg:$0x8];
	[sflag:s13] =	ssyncadd.s32 $0xFFFFD800  }
0x22: {  	[spmem:s3], [sflag:s9] =	dma.local [hbm:s12], $0x500  }
0x23: {  	_ =	swait.ge [sflag:s13], $0x500  }
0x24: {  	[sflag:s13] =	ssyncset.done $0x0  }
0x25: {  	[sflag:s13] =	ssyncadd.s32 $0xFFFFFB00  }
0x26: {  	s13 =	simm.s32 $0x0;
	[bflag:$0x0] =	sbarrier.arrive $0xFFFF  }
0x27: {  	[tilespmem:s15], [sflag:$0x1] =	stream.indirect.gather [hbm4b:s4+s14], $0x10, s13, s14, $0xb8;
	[tilespmem:$0xB800] =	vst v63  }
0x28: {  	_ = 	snop  }
0x29: {  	[tilespmem:s16], [sflag:$0x2] =	stream.indirect.gather [hbm4b:s4+s14], $0x10, s14, s14, $0xb8;
	[tilespmem:$0xB800] =	vst v63  }
0x2a: {  	s3 =	simm.s32 $0x100  }
0x2b: {  	[tilespmem:s18], [sflag:$0x3] =	stream.indirect.gather [hbm4b:s4+s14], $0x10, s3, s14, $0xb8;
	[tilespmem:$0xB800] =	vst v63  }
0x2c: {  	s12 =	simm.s32 $0x180  }
0x2d: {  	[tilespmem:s20], [sflag:$0x4] =	stream.indirect.gather [hbm4b:s4+s14], $0x10, s12, s14, $0xb8;
	[tilespmem:$0xB800] =	vst v63  }
0x2e: {  	s13 =	simm.s32 $0x200  }
0x2f: {  	[tilespmem:s22], [sflag:$0x5] =	stream.indirect.gather [hbm4b:s4+s14], $0x10, s13, s14, $0xb8;
	[tilespmem:$0xB800] =	vst v63  }
0x30: {  	s3 =	simm.s32 $0x280  }
0x31: {  	[tilespmem:s24], [sflag:$0x6] =	stream.indirect.gather [hbm4b:s4+s14], $0x10, s3, s14, $0xb8;
	[tilespmem:$0xB800] =	vst v63  }
0x32: {  	s12 =	simm.s32 $0x300  }
0x33: {  	[tilespmem:s26], [sflag:$0x7] =	stream.indirect.gather [hbm4b:s4+s14], $0x10, s12, s14, $0xb8;
	[tilespmem:$0xB800] =	vst v63  }
0x34: {  	s13 =	simm.s32 $0x380  }
0x35: {  	[tilespmem:s29], [sflag:$0x8] =	stream.indirect.gather [hbm4b:s4+s14], $0x10, s13, s14, $0xb8;
	[tilespmem:$0xB800] =	vst v63  }
0x36: {  	_ =	swait.ge [sflag:s30], $0x800  }
0x37: {  	[sflag:s30] =	ssyncset.done $0x0  }
0x38: {  	s3 =	simm.s32 $0x2800;
	[sflag:s30] =	ssyncadd.s32 $0xFFFFF800  }
0x39: {  	[spmem:s2] =	stream.indirect.scatter.add.f32 [tilespmem:s15], [sflag:$0x9], $0x10, s3, s14, $0xb8;
	[tilespmem:$0xB800] =	vst v63  }
0x3a: {  	_ =	swait.ge [sflag:s31], $0x800  }
0x3b: {  	[sflag:s31] =	ssyncset.done $0x0  }
0x3c: {  	s9 =	simm.s32 $0x2880;
	[sflag:s31] =	ssyncadd.s32 $0xFFFFF800  }
0x3d: {  	[spmem:s2] =	stream.indirect.scatter.add.f32 [tilespmem:s16], [sflag:$0xA], $0x10, s9, s14, $0xb8;
	[tilespmem:$0xB800] =	vst v63  }
0x3e: {  	_ =	swait.ge [sflag:s1], $0x800  }
0x3f: {  	[sflag:s1] =	ssyncset.done $0x0  }
0x40: {  	s13 =	simm.s32 $0x2900;
	[sflag:s1] =	ssyncadd.s32 $0xFFFFF800  }
0x41: {  	[spmem:s2] =	stream.indirect.scatter.add.f32 [tilespmem:s18], [sflag:$0xB], $0x10, s13, s14, $0xb8;
	[tilespmem:$0xB800] =	vst v63  }
0x42: {  	_ =	swait.ge [sflag:s0], $0x800  }
0x43: {  	[sflag:s0] =	ssyncset.done $0x0  }
0x44: {  	s3 =	simm.s32 $0x2980;
	[sflag:s0] =	ssyncadd.s32 $0xFFFFF800  }
0x45: {  	[spmem:s2] =	stream.indirect.scatter.add.f32 [tilespmem:s20], [sflag:$0xC], $0x10, s3, s14, $0xb8;
	[tilespmem:$0xB800] =	vst v63  }
0x46: {  	_ =	swait.ge [sflag:s11], $0x800  }
0x47: {  	[sflag:s11] =	ssyncset.done $0x0  }
0x48: {  	s9 =	simm.s32 $0x2A00;
	[sflag:s11] =	ssyncadd.s32 $0xFFFFF800  }
0x49: {  	[spmem:s2] =	stream.indirect.scatter.add.f32 [tilespmem:s22], [sflag:$0xD], $0x10, s9, s14, $0xb8;
	[tilespmem:$0xB800] =	vst v63  }
0x4a: {  	_ =	swait.ge [sflag:s17], $0x800  }
0x4b: {  	[sflag:s17] =	ssyncset.done $0x0  }
0x4c: {  	s13 =	simm.s32 $0x2A80;
	[sflag:s17] =	ssyncadd.s32 $0xFFFFF800  }
0x4d: {  	[spmem:s2] =	stream.indirect.scatter.add.f32 [tilespmem:s24], [sflag:$0xE], $0x10, s13, s14, $0xb8;
	[tilespmem:$0xB800] =	vst v63  }
0x4e: {  	_ =	swait.ge [sflag:s19], $0x800  }
0x4f: {  	[sflag:s19] =	ssyncset.done $0x0  }
0x50: {  	s3 =	simm.s32 $0x2B00;
	[sflag:s19] =	ssyncadd.s32 $0xFFFFF800  }
0x51: {  	[spmem:s2] =	stream.indirect.scatter.add.f32 [tilespmem:s26], [sflag:$0xF], $0x10, s3, s14, $0xb8;
	[tilespmem:$0xB800] =	vst v63  }
0x52: {  	_ =	swait.ge [sflag:s21], $0x800  }
0x53: {  	[sflag:s21] =	ssyncset.done $0x0  }
0x54: {  	s9 =	simm.s32 $0x2B80;
	[sflag:s21] =	ssyncadd.s32 $0xFFFFF800  }
0x55: {  	[spmem:s2] =	stream.indirect.scatter.add.f32 [tilespmem:s29], [sflag:$0x10], $0x10, s9, s14, $0xb8;
	[tilespmem:$0xB800] =	vst v63  }
0x56: {  	_ =	swait.ge [sflag:s23], $0x800  }
0x57: {  	[sflag:s23] =	ssyncset.done $0x0  }
0x58: {  	s13 =	simm.s32 $0x400;
	[sflag:s23] =	ssyncadd.s32 $0xFFFFF800  }
0x59: {  	[tilespmem:s15], [sflag:$0x1] =	stream.indirect.gather [hbm4b:s4+s14], $0x10, s13, s14, $0xb8;
	[tilespmem:$0xB800] =	vst v63  }
0x5a: {  	_ =	swait.ge [sflag:s25], $0x800  }
0x5b: {  	[sflag:s25] =	ssyncset.done $0x0  }
0x5c: {  	s3 =	simm.s32 $0x480;
	[sflag:s25] =	ssyncadd.s32 $0xFFFFF800  }
0x5d: {  	[tilespmem:s16], [sflag:$0x2] =	stream.indirect.gather [hbm4b:s4+s14], $0x10, s3, s14, $0xb8;
	[tilespmem:$0xB800] =	vst v63  }
0x5e: {  	_ =	swait.ge [sflag:s28], $0x800  }
0x5f: {  	[sflag:s28] =	ssyncset.done $0x0  }
0x60: {  	s9 =	simm.s32 $0x500;
	[sflag:s28] =	ssyncadd.s32 $0xFFFFF800  }
0x61: {  	[tilespmem:s18], [sflag:$0x3] =	stream.indirect.gather [hbm4b:s4+s14], $0x10, s9, s14, $0xb8;
	[tilespmem:$0xB800] =	vst v63  }
0x62: {  	_ =	swait.ge [sflag:s5], $0x800  }
0x63: {  	[sflag:s5] =	ssyncset.done $0x0  }
0x64: {  	s13 =	simm.s32 $0x580;
	[sflag:s5] =	ssyncadd.s32 $0xFFFFF800  }
0x65: {  	[tilespmem:s20], [sflag:$0x4] =	stream.indirect.gather [hbm4b:s4+s14], $0x10, s13, s14, $0xb8;
	[tilespmem:$0xB800] =	vst v63  }
0x66: {  	_ =	swait.ge [sflag:s6], $0x800  }
0x67: {  	[sflag:s6] =	ssyncset.done $0x0  }
0x68: {  	s3 =	simm.s32 $0x600;
	[sflag:s6] =	ssyncadd.s32 $0xFFFFF800  }
0x69: {  	[tilespmem:s22], [sflag:$0x5] =	stream.indirect.gather [hbm4b:s4+s14], $0x10, s3, s14, $0xb8;
	[tilespmem:$0xB800] =	vst v63  }
0x6a: {  	_ =	swait.ge [sflag:s7], $0x800  }
0x6b: {  	[sflag:s7] =	ssyncset.done $0x0  }
0x6c: {  	s9 =	simm.s32 $0x680;
	[sflag:s7] =	ssyncadd.s32 $0xFFFFF800  }
0x6d: {  	[tilespmem:s24], [sflag:$0x6] =	stream.indirect.gather [hbm4b:s4+s14], $0x10, s9, s14, $0xb8;
	[tilespmem:$0xB800] =	vst v63  }
0x6e: {  	_ =	swait.ge [sflag:s8], $0x800  }
0x6f: {  	[sflag:s8] =	ssyncset.done $0x0  }
0x70: {  	s13 =	simm.s32 $0x700;
	[sflag:s8] =	ssyncadd.s32 $0xFFFFF800  }
0x71: {  	[tilespmem:s26], [sflag:$0x7] =	stream.indirect.gather [hbm4b:s4+s14], $0x10, s13, s14, $0xb8;
	[tilespmem:$0xB800] =	vst v63  }
0x72: {  	_ =	swait.ge [sflag:s10], $0x800  }
0x73: {  	[sflag:s10] =	ssyncset.done $0x0  }
0x74: {  	s12 =	simm.s32 $0x1000;
	s13 =	simm.s32 $0x780;
	[sflag:s10] =	ssyncadd.s32 $0xFFFFF800  }
.LBB2_2:
0x75: {  	[tilespmem:s29], [sflag:$0x8] =	stream.indirect.gather [hbm4b:s4+s14], $0x10, s13, s14, $0xb8;
	[tilespmem:$0xB800] =	vst v63  }
0x76: {  	s13 =	smov.u32 s12  }
0x77: {  	p0 =	sne.s32 s12, $0x8000;
	s12 =	sadd.s32 $0x1000, s12;
	_ =	swait.ge [sflag:s30], $0x800  }
0x78: {  	s13 =	sshra.s32 s13, $0x2;
	[sflag:s30] =	ssyncset.done $0x0  }
0x79: {  	s9 =	sadd.s32 $0x2800, s13;
	[sflag:s30] =	ssyncadd.s32 $0xFFFFF800  }
0x7a: {  	[spmem:s2] =	stream.indirect.scatter.add.f32 [tilespmem:s15], [sflag:$0x9], $0x10, s9, s14, $0xb8;
	[tilespmem:$0xB800] =	vst v63  }
0x7b: {  	_ =	swait.ge [sflag:s31], $0x800  }
0x7c: {  	[sflag:s31] =	ssyncset.done $0x0  }
0x7d: {  	s9 =	sadd.s32 $0x2880, s13;
	[sflag:s31] =	ssyncadd.s32 $0xFFFFF800  }
0x7e: {  	[spmem:s2] =	stream.indirect.scatter.add.f32 [tilespmem:s16], [sflag:$0xA], $0x10, s9, s14, $0xb8;
	[tilespmem:$0xB800] =	vst v63  }
0x7f: {  	_ =	swait.ge [sflag:s1], $0x800  }
0x80: {  	[sflag:s1] =	ssyncset.done $0x0  }
0x81: {  	s9 =	sadd.s32 $0x2900, s13;
	[sflag:s1] =	ssyncadd.s32 $0xFFFFF800  }
0x82: {  	[spmem:s2] =	stream.indirect.scatter.add.f32 [tilespmem:s18], [sflag:$0xB], $0x10, s9, s14, $0xb8;
	[tilespmem:$0xB800] =	vst v63  }
0x83: {  	_ =	swait.ge [sflag:s0], $0x800  }
0x84: {  	[sflag:s0] =	ssyncset.done $0x0  }
0x85: {  	s9 =	sadd.s32 $0x2980, s13;
	[sflag:s0] =	ssyncadd.s32 $0xFFFFF800  }
0x86: {  	[spmem:s2] =	stream.indirect.scatter.add.f32 [tilespmem:s20], [sflag:$0xC], $0x10, s9, s14, $0xb8;
	[tilespmem:$0xB800] =	vst v63  }
0x87: {  	_ =	swait.ge [sflag:s11], $0x800  }
0x88: {  	[sflag:s11] =	ssyncset.done $0x0  }
0x89: {  	s9 =	sadd.s32 $0x2A00, s13;
	[sflag:s11] =	ssyncadd.s32 $0xFFFFF800  }
0x8a: {  	[spmem:s2] =	stream.indirect.scatter.add.f32 [tilespmem:s22], [sflag:$0xD], $0x10, s9, s14, $0xb8;
	[tilespmem:$0xB800] =	vst v63  }
0x8b: {  	_ =	swait.ge [sflag:s17], $0x800  }
0x8c: {  	[sflag:s17] =	ssyncset.done $0x0  }
0x8d: {  	s9 =	sadd.s32 $0x2A80, s13;
	[sflag:s17] =	ssyncadd.s32 $0xFFFFF800  }
0x8e: {  	[spmem:s2] =	stream.indirect.scatter.add.f32 [tilespmem:s24], [sflag:$0xE], $0x10, s9, s14, $0xb8;
	[tilespmem:$0xB800] =	vst v63  }
0x8f: {  	_ =	swait.ge [sflag:s19], $0x800  }
0x90: {  	[sflag:s19] =	ssyncset.done $0x0  }
0x91: {  	s9 =	sadd.s32 $0x2B00, s13;
	[sflag:s19] =	ssyncadd.s32 $0xFFFFF800  }
0x92: {  	[spmem:s2] =	stream.indirect.scatter.add.f32 [tilespmem:s26], [sflag:$0xF], $0x10, s9, s14, $0xb8;
	[tilespmem:$0xB800] =	vst v63  }
0x93: {  	_ =	swait.ge [sflag:s21], $0x800  }
0x94: {  	[sflag:s21] =	ssyncset.done $0x0  }
0x95: {  	s9 =	sadd.s32 $0x2B80, s13;
	[sflag:s21] =	ssyncadd.s32 $0xFFFFF800  }
0x96: {  	[spmem:s2] =	stream.indirect.scatter.add.f32 [tilespmem:s29], [sflag:$0x10], $0x10, s9, s14, $0xb8;
	[tilespmem:$0xB800] =	vst v63  }
0x97: {  	_ =	swait.ge [sflag:s23], $0x800  }
0x98: {  	[sflag:s23] =	ssyncset.done $0x0  }
0x99: {  	s9 =	sadd.s32 $0x400, s13;
	[sflag:s23] =	ssyncadd.s32 $0xFFFFF800  }
0x9a: {  	[tilespmem:s15], [sflag:$0x1] =	stream.indirect.gather [hbm4b:s4+s14], $0x10, s9, s14, $0xb8;
	[tilespmem:$0xB800] =	vst v63  }
0x9b: {  	_ =	swait.ge [sflag:s25], $0x800  }
0x9c: {  	[sflag:s25] =	ssyncset.done $0x0  }
0x9d: {  	s9 =	sadd.s32 $0x480, s13;
	[sflag:s25] =	ssyncadd.s32 $0xFFFFF800  }
0x9e: {  	[tilespmem:s16], [sflag:$0x2] =	stream.indirect.gather [hbm4b:s4+s14], $0x10, s9, s14, $0xb8;
	[tilespmem:$0xB800] =	vst v63  }
0x9f: {  	_ =	swait.ge [sflag:s28], $0x800  }
0xa0: {  	[sflag:s28] =	ssyncset.done $0x0  }
0xa1: {  	s9 =	sadd.s32 $0x500, s13;
	[sflag:s28] =	ssyncadd.s32 $0xFFFFF800  }
0xa2: {  	[tilespmem:s18], [sflag:$0x3] =	stream.indirect.gather [hbm4b:s4+s14], $0x10, s9, s14, $0xb8;
	[tilespmem:$0xB800] =	vst v63  }
0xa3: {  	_ =	swait.ge [sflag:s5], $0x800  }
0xa4: {  	[sflag:s5] =	ssyncset.done $0x0  }
0xa5: {  	s9 =	sadd.s32 $0x580, s13;
	[sflag:s5] =	ssyncadd.s32 $0xFFFFF800  }
0xa6: {  	[tilespmem:s20], [sflag:$0x4] =	stream.indirect.gather [hbm4b:s4+s14], $0x10, s9, s14, $0xb8;
	[tilespmem:$0xB800] =	vst v63  }
0xa7: {  	_ =	swait.ge [sflag:s6], $0x800  }
0xa8: {  	[sflag:s6] =	ssyncset.done $0x0  }
0xa9: {  	s9 =	sadd.s32 $0x600, s13;
	[sflag:s6] =	ssyncadd.s32 $0xFFFFF800  }
0xaa: {  	[tilespmem:s22], [sflag:$0x5] =	stream.indirect.gather [hbm4b:s4+s14], $0x10, s9, s14, $0xb8;
	[tilespmem:$0xB800] =	vst v63  }
0xab: {  	_ =	swait.ge [sflag:s7], $0x800  }
0xac: {  	[sflag:s7] =	ssyncset.done $0x0  }
0xad: {  	s9 =	sadd.s32 $0x680, s13;
	[sflag:s7] =	ssyncadd.s32 $0xFFFFF800  }
0xae: {  	[tilespmem:s24], [sflag:$0x6] =	stream.indirect.gather [hbm4b:s4+s14], $0x10, s9, s14, $0xb8;
	[tilespmem:$0xB800] =	vst v63  }
0xaf: {  	_ =	swait.ge [sflag:s8], $0x800  }
0xb0: {  	[sflag:s8] =	ssyncset.done $0x0  }
.Ltmp0:
0xb1: {  	s9 =	sadd.s32 $0x700, s13;
	[sflag:s8] =	ssyncadd.s32 $0xFFFFF800;
	(pc) =	sbr.rel @p0 .LBB2_2-.Ltmp0, $4  }
0xb2: {  	[tilespmem:s26], [sflag:$0x7] =	stream.indirect.gather [hbm4b:s4+s14], $0x10, s9, s14, $0xb8;
	[tilespmem:$0xB800] =	vst v63  }
0xb3: {  	_ =	swait.ge [sflag:s10], $0x800  }
0xb4: {  	[sflag:s10] =	ssyncset.done $0x0  }
0xb5: {  	s13 =	sadd.s32 $0x780, s13;
	[sflag:s10] =	ssyncadd.s32 $0xFFFFF800  }
0xb6: {  	[tilespmem:s29], [sflag:$0x8] =	stream.indirect.gather [hbm4b:s4+s14], $0x10, s13, s14, $0xb8;
	[tilespmem:$0xB800] =	vst v63  }
0xb7: {  	_ =	swait.ge [sflag:s30], $0x800  }
0xb8: {  	[sflag:s30] =	ssyncset.done $0x0  }
0xb9: {  	s9 =	simm.s32 $0x4C00;
	[sflag:s30] =	ssyncadd.s32 $0xFFFFF800  }
0xba: {  	[spmem:s2] =	stream.indirect.scatter.add.f32 [tilespmem:s15], [sflag:$0x9], $0x10, s9, s14, $0xb8;
	[tilespmem:$0xB800] =	vst v63  }
0xbb: {  	_ =	swait.ge [sflag:s31], $0x800  }
0xbc: {  	[sflag:s31] =	ssyncset.done $0x0  }
0xbd: {  	s12 =	simm.s32 $0x4C80;
	[sflag:s31] =	ssyncadd.s32 $0xFFFFF800  }
0xbe: {  	[spmem:s2] =	stream.indirect.scatter.add.f32 [tilespmem:s16], [sflag:$0xA], $0x10, s12, s14, $0xb8;
	[tilespmem:$0xB800] =	vst v63  }
0xbf: {  	_ =	swait.ge [sflag:s1], $0x800  }
0xc0: {  	[sflag:s1] =	ssyncset.done $0x0  }
0xc1: {  	s13 =	simm.s32 $0x4D00;
	[sflag:s1] =	ssyncadd.s32 $0xFFFFF800  }
0xc2: {  	[spmem:s2] =	stream.indirect.scatter.add.f32 [tilespmem:s18], [sflag:$0xB], $0x10, s13, s14, $0xb8;
	[tilespmem:$0xB800] =	vst v63  }
0xc3: {  	_ =	swait.ge [sflag:s0], $0x800  }
0xc4: {  	[sflag:s0] =	ssyncset.done $0x0  }
0xc5: {  	s3 =	simm.s32 $0x4D80;
	[sflag:s0] =	ssyncadd.s32 $0xFFFFF800  }
0xc6: {  	[spmem:s2] =	stream.indirect.scatter.add.f32 [tilespmem:s20], [sflag:$0xC], $0x10, s3, s14, $0xb8;
	[tilespmem:$0xB800] =	vst v63  }
0xc7: {  	_ =	swait.ge [sflag:s11], $0x800  }
0xc8: {  	[sflag:s11] =	ssyncset.done $0x0  }
0xc9: {  	s12 =	simm.s32 $0x4E00;
	[sflag:s11] =	ssyncadd.s32 $0xFFFFF800  }
0xca: {  	[spmem:s2] =	stream.indirect.scatter.add.f32 [tilespmem:s22], [sflag:$0xD], $0x10, s12, s14, $0xb8;
	[tilespmem:$0xB800] =	vst v63  }
0xcb: {  	_ =	swait.ge [sflag:s17], $0x800  }
0xcc: {  	[sflag:s17] =	ssyncset.done $0x0  }
0xcd: {  	s13 =	simm.s32 $0x4E80;
	[sflag:s17] =	ssyncadd.s32 $0xFFFFF800  }
0xce: {  	[spmem:s2] =	stream.indirect.scatter.add.f32 [tilespmem:s24], [sflag:$0xE], $0x10, s13, s14, $0xb8;
	[tilespmem:$0xB800] =	vst v63  }
0xcf: {  	_ =	swait.ge [sflag:s19], $0x800  }
0xd0: {  	[sflag:s19] =	ssyncset.done $0x0  }
0xd1: {  	s3 =	simm.s32 $0x4F00;
	[sflag:s19] =	ssyncadd.s32 $0xFFFFF800  }
0xd2: {  	[spmem:s2] =	stream.indirect.scatter.add.f32 [tilespmem:s26], [sflag:$0xF], $0x10, s3, s14, $0xb8;
	[tilespmem:$0xB800] =	vst v63  }
0xd3: {  	_ =	swait.ge [sflag:s21], $0x800  }
0xd4: {  	[sflag:s21] =	ssyncset.done $0x0  }
0xd5: {  	s12 =	simm.s32 $0x4F80;
	[sflag:s21] =	ssyncadd.s32 $0xFFFFF800  }
0xd6: {  	[spmem:s2] =	stream.indirect.scatter.add.f32 [tilespmem:s29], [sflag:$0x10], $0x10, s12, s14, $0xb8;
	[tilespmem:$0xB800] =	vst v63  }
0xd7: {  	_ =	swait.ge [sflag:s23], $0x800  }
0xd8: {  	[sflag:s23] =	ssyncset.done $0x0  }
0xd9: {  	[sflag:s23] =	ssyncadd.s32 $0xFFFFF800  }
0xda: {  	_ =	swait.ge [sflag:s25], $0x800  }
0xdb: {  	[sflag:s25] =	ssyncset.done $0x0  }
0xdc: {  	[sflag:s25] =	ssyncadd.s32 $0xFFFFF800  }
0xdd: {  	_ =	swait.ge [sflag:s28], $0x800  }
0xde: {  	[sflag:s28] =	ssyncset.done $0x0  }
0xdf: {  	[sflag:s28] =	ssyncadd.s32 $0xFFFFF800  }
0xe0: {  	_ =	swait.ge [sflag:s5], $0x800  }
0xe1: {  	[sflag:s5] =	ssyncset.done $0x0  }
0xe2: {  	[sflag:s5] =	ssyncadd.s32 $0xFFFFF800  }
0xe3: {  	_ =	swait.ge [sflag:s6], $0x800  }
0xe4: {  	[sflag:s6] =	ssyncset.done $0x0  }
0xe5: {  	[sflag:s6] =	ssyncadd.s32 $0xFFFFF800  }
0xe6: {  	_ =	swait.ge [sflag:s7], $0x800  }
0xe7: {  	[sflag:s7] =	ssyncset.done $0x0  }
0xe8: {  	[sflag:s7] =	ssyncadd.s32 $0xFFFFF800  }
0xe9: {  	_ =	swait.ge [sflag:s8], $0x800  }
0xea: {  	[sflag:s8] =	ssyncset.done $0x0  }
0xeb: {  	[sflag:s8] =	ssyncadd.s32 $0xFFFFF800  }
0xec: {  	_ =	swait.ge [sflag:s10], $0x800  }
0xed: {  	[sflag:s10] =	ssyncset.done $0x0  }
0xee: {  	[sflag:s10] =	ssyncadd.s32 $0xFFFFF800  }
0xef: {  	[bflag:$0x0] =	sbarrier.arrive $0xFFFF  }
0xf0: {  	s13 =	rddreg [dreg:$0x5]  }
0xf1: {  	s12 =	rddreg [dreg:$0x8]  }
0xf2: {  	s3 =	rddreg [dreg:$0x9]  }
0xf3: {  	[hbm:s13@s10], [sflag:s3] =	dma.strided [spmem:s12@s31], $0x500, s30, $0x2   }
0xf4: {  	s13 =	simm.s32 $0x11  }
0xf5: {  	_ =	swait.ge [sflag:s13], $0x500  }
0xf6: {  	s9 =	rddreg [dreg:$0xa]  }
0xf7: {  	s12 =	rddreg [dreg:$0x6];
	s3 =	sadd.s32 $0x1, s9  }
0xf8: {  	p0 =	sne.s32 s3, s12  }
.Ltmp1:
0xf9: {  	_ = 	snop;
	(pc) =	sbr.rel @p0 .LBB2_1-.Ltmp1, $3  }
0xfa: {  	_ =	sdelay $0x1  }
0xfb: {  	[sflag:s13] =	ssyncset.done $0x0  }
0xfc: {  	[sflag:s13] =	ssyncadd.s32 $0xFFFFFB00;
	[dreg:$0xa] =	wrdreg s3  }
0xfd: {  	_ =	sfence.sel $0x180000  }
0xfe: {  	[bflag:$0x0] =	sbarrier.arrive $0xFFFF  }
0xff: {  	_ =	strace $0x9000004D  }
0x100: {  	s0 =	stileid.u32;
	[bflag:$0x2] =	sbarrier.arrive $0xFFFF  }
0x101: {  	p0 =	sne.s32 s0, $0x0;
	s0 =	rddreg [dreg:$0x2]  }
0x102: {  	s0 =	sadd.s32 @!p0 $0x100000, s0  }
0x103: {  	[sflag:s0] =	ssyncadd.tile.s32 @!p0 $0x1;
	_ =	shalt  }
.Lfunc_end2:
_tile_overlayer_lowered:
.L_overlay_start_2:
0x104: {  	(tag) =	ssettag $0x2  }
0x105: {  	s0 =	rddreg [dreg:$0x0];
	s2 =	stileid.u32  }
0x106: {  	s1 =	rddreg [dreg:$0x1];
	p0 =	sne.s32 s2, $0x0  }
0x107: {  	s3 =	rddreg [dreg:$0x2];
	[bflag:$0x3] =	sbarrier.arrive $0xFFFF;
	s2 =	simm.s32 @!p0 $0x1C11  }
0x108: {  	[timem:s3], [sflag:s2] =	dma.local @!p0 [hbm:s0], s1  }
0x109: {  	s0 =	simm.s32 @!p0 $0x11  }
0x10a: {  	_ =	swait.ge @!p0 [sflag:s0], s1  }
0x10b: {  	s1 =	ssub.s32 @!p0 $0x0, s1;
	[sflag:s0] =	ssyncset.done @!p0 $0x0  }
0x10c: {  	[sflag:s0] =	ssyncadd.s32 @!p0 s1  }
0x10d: {  	[bflag:$0x3] =	sbarrier.arrive $0xFFFF  }
0x10e: {  	_ =	shalt  }

// kernel: kernel.9.cloned.1.call-start
scs
__scs_entry_jumppad:
0x0: {  	(pc) =	sbr.rel $0x88, $3  }
0x1: {  	(tag) =	ssettag $0x0;
	lr =	simm.s32 $0x1  }
0x2: {  	[smem:$0x3F9B] =	sst lr;
	_ =	strace $0xD0000000  }
0x3: {  	_ = 	snop  }
0x4: {  	_ = 	snop  }
0x5: {  	_ = 	snop  }
0x6: {  	_ = 	snop  }
0x7: {  	_ = 	snop  }
__scs_overlays_trampoline_lowered:
0x8: {  	[smem:$0x3FAA] =	sst s0  }
0x9: {  	[smem:$0x3FAB] =	sst s1  }
0xa: {  	[smem:$0x3FAC] =	sst s2  }
0xb: {  	[smem:$0x3FAD] =	sst s3  }
0xc: {  	[smem:$0x3FAE] =	sst s4  }
0xd: {  	[smem:$0x3FAF] =	sst s5  }
0xe: {  	[smem:$0x3FB0] =	sst s6  }
0xf: {  	[smem:$0x3FB1] =	sst s7  }
0x10: {  	[smem:$0x3FB2] =	sst s8  }
0x11: {  	[smem:$0x3FB3] =	sst s9;
	s0 =	simm.s32 @!p0 $0x0  }
0x12: {  	s1 =	sld [smem:$0x3F99];
	s0 =	simm.s32 @p0 $0x1  }
0x13: {  	[smem:$0x3FB4] =	sst s0;
	s0 =	simm.s32 @!p1 $0x0  }
0x14: {  	s2 =	sld [smem:$0x3F98];
	s0 =	simm.s32 @p1 $0x1  }
0x15: {  	[smem:$0x3FB5] =	sst s0;
	s0 =	simm.s32 @!p2 $0x0  }
0x16: {  	s3 =	sld [smem:$0x3FDB];
	s0 =	simm.s32 @p2 $0x1  }
0x17: {  	s4 =	simm.s32 $0x1BF5;
	[smem:$0x3FB7] =	sst s0  }
0x18: {  	s0 =	sld [smem:$0x3F9A];
	_ =	swait.ge [sflag:s4], $0x0  }
0x19: {  	s7 =	sld [smem:$0x3F9B]  }
0x1a: {  	s8 =	sadd.s32 $0xFFFFE003, lr  }
0x1b: {  	s9 =	sadd.s32 $0xFFFFFEF7, lr;
	s5 =	simm.s32 $0xFFFFFFFF;
	p2 =	slt.u32 s8, $0xFFFFF086  }
0x1c: {  	p1 =	slt.u32 s9, $0xF7A;
	s5 =	simm.s32 @!p2 $0x0  }
0x1d: {  	s5 =	simm.s32 @p1 $0x1;
	p0 =	seq.s32 s7, s2  }
0x1e: {  	s7 =	smul.u32 @!p0 $0xF7A, s2;
	p2 =	seq.s32 @!p0 s5, $0x0  }
0x1f: {  	s9 =	smul.u32 $0xF7A, s1;
	s8 =	simm.s32 @!p0 $0x1BF5;
	p2 =	por !p2, p0  }
0x20: {  	[sflag:s8] =	ssyncset.s32 @!p0 $0xFFFFF086;
	s6 =	sadd.s32 @!p0 s3, s7;
	s7 =	simm.s32 @!p0 $0x108  }
0x21: {  	s3 =	sadd.s32 s3, s9;
	s6 =	sadd.s32 @!p0 $0x88, s6;
	s7 =	simm.s32 @p2 $0x1082  }
0x22: {  	[simem:s7], [sflag:s8] =	dma.local @!p0 [hbm:s6], $0xF7A  }
0x23: {  	s9 =	sor.u32 $0xD0000000, s2;
	s6 =	simm.s32 $0x108;
	_ =	swait.ge @!p0 [sflag:s8], $0x0  }
0x24: {  	s3 =	sadd.s32 $0x88, s3;
	s6 =	simm.s32 @!p1 $0x1082;
	[sflag:s4] =	ssyncset.s32 $0xFFFFF086  }
0x25: {  	[simem:s6], [sflag:s4] =	dma.local [hbm:s3], $0xF7A  }
0x26: {  	[smem:$0x3F9B] =	sst s1;
	(tag) =	ssettag s2;
	_ =	strace s9  }
0x27: {  	s1 =	sld [smem:$0x3FAB]  }
0x28: {  	s2 =	sld [smem:$0x3FAC]  }
0x29: {  	s4 =	sld [smem:$0x3FAE]  }
0x2a: {  	p0 =	seq.s32 s5, $0x0;
	s5 =	sld [smem:$0x3FAF]  }
0x2b: {  	s6 =	sld [smem:$0x3FB0]  }
0x2c: {  	s7 =	sld [smem:$0x3FB1]  }
0x2d: {  	s3 =	simm.s32 $0x108;
	s8 =	sld [smem:$0x3FB2]  }
0x2e: {  	s3 =	simm.s32 @!p0 $0x1082;
	s9 =	sld [smem:$0x3FB3]  }
0x2f: {  	lr =	sadd.s32 s0, s3;
	s0 =	sld [smem:$0x3FAA]  }
0x30: {  	s3 =	sld [smem:$0x3FAD]  }
0x31: {  	[smem:$0x3FB6] =	sst s10  }
0x32: {  	s10 =	sld [smem:$0x3FB4];
	_ =	sdelay $0x3  }
0x33: {  	p0 =	seq.s32 s10, $0x1;
	s10 =	sld [smem:$0x3FB6];
	_ =	sdelay $0x3  }
0x34: {  	[smem:$0x3FB6] =	sst s10  }
0x35: {  	s10 =	sld [smem:$0x3FB5];
	_ =	sdelay $0x3  }
0x36: {  	p1 =	seq.s32 s10, $0x1;
	s10 =	sld [smem:$0x3FB6];
	_ =	sdelay $0x3  }
0x37: {  	[smem:$0x3FB6] =	sst s10  }
0x38: {  	s10 =	sld [smem:$0x3FB7]  }
0x39: {  	_ = 	snop;
	(pc) =	sbr.ind lr, $3  }
0x3a: {  	_ = 	snop  }
0x3b: {  	_ = 	snop  }
0x3c: {  	p2 =	seq.s32 s10, $0x1;
	s10 =	sld [smem:$0x3FB6]  }
0x3d: {  	_ =	shalt  }
0x3e: {  	_ =	shalt  }
0x3f: {  	_ =	shalt  }
0x40: {  	_ =	shalt  }
0x41: {  	_ =	shalt  }
0x42: {  	_ =	shalt  }
0x43: {  	_ =	shalt  }
0x44: {  	_ =	shalt  }
0x45: {  	_ =	shalt  }
0x46: {  	_ =	shalt  }
0x47: {  	_ =	shalt  }
0x48: {  	_ =	shalt  }
0x49: {  	_ =	shalt  }
0x4a: {  	_ =	shalt  }
0x4b: {  	_ =	shalt  }
0x4c: {  	_ =	shalt  }
0x4d: {  	_ =	shalt  }
0x4e: {  	_ =	shalt  }
0x4f: {  	_ =	shalt  }
0x50: {  	_ =	shalt  }
0x51: {  	_ =	shalt  }
0x52: {  	_ =	shalt  }
0x53: {  	_ =	shalt  }
0x54: {  	_ =	shalt  }
0x55: {  	_ =	shalt  }
0x56: {  	_ =	shalt  }
0x57: {  	_ =	shalt  }
0x58: {  	_ =	shalt  }
0x59: {  	_ =	shalt  }
0x5a: {  	_ =	shalt  }
0x5b: {  	_ =	shalt  }
0x5c: {  	_ =	shalt  }
0x5d: {  	_ =	shalt  }
0x5e: {  	_ =	shalt  }
0x5f: {  	_ =	shalt  }
0x60: {  	_ =	shalt  }
0x61: {  	_ =	shalt  }
0x62: {  	_ =	shalt  }
0x63: {  	_ =	shalt  }
0x64: {  	_ =	shalt  }
0x65: {  	_ =	shalt  }
0x66: {  	_ =	shalt  }
0x67: {  	_ =	shalt  }
0x68: {  	_ =	shalt  }
0x69: {  	_ =	shalt  }
0x6a: {  	_ =	shalt  }
0x6b: {  	_ =	shalt  }
0x6c: {  	_ =	shalt  }
0x6d: {  	_ =	shalt  }
0x6e: {  	_ =	shalt  }
0x6f: {  	_ =	shalt  }
0x70: {  	_ =	shalt  }
0x71: {  	_ =	shalt  }
0x72: {  	_ =	shalt  }
0x73: {  	_ =	shalt  }
0x74: {  	_ =	shalt  }
0x75: {  	_ =	shalt  }
0x76: {  	_ =	shalt  }
0x77: {  	_ =	shalt  }
0x78: {  	_ =	shalt  }
0x79: {  	_ =	shalt  }
0x7a: {  	_ =	shalt  }
0x7b: {  	_ =	shalt  }
0x7c: {  	_ =	shalt  }
0x7d: {  	_ =	shalt  }
0x7e: {  	_ =	shalt  }
0x7f: {  	_ =	shalt  }
0x80: {  	_ =	shalt  }
0x81: {  	_ =	shalt  }
0x82: {  	_ =	shalt  }
0x83: {  	_ =	shalt  }
0x84: {  	_ =	shalt  }
0x85: {  	_ =	shalt  }
0x86: {  	_ =	shalt  }
0x87: {  	_ =	shalt  }
.Lfunc_end0:
.L_simem_size_0:
called_computation_lowered:
.L_overlay_start_0:
0x88: {  	s2 =	sld [smem:$0x3FD9]  }
0x89: {  	s3 =	sld [smem:$0x3FFE];
	_ =	sdelay $0x1  }
0x8a: {  	s1 =	srdreg.scid  }
0x8b: {  	s0 =	sand.u32 $0x1, s1  }
0x8c: {  	s17 =	sshll.u32 s0, $0xA;
	s2 =	sadd.s32 s3, s2  }
0x8d: {  	s2 =	sadd.s32 s2, s17  }
0x8e: {  	[smem:$0x3FC2] =	sst s2  }
0x8f: {  	_ = 	snop  }
0x90: {  	s2 =	sld [smem:$0x3FD0];
	(tm) =	ssettm $0x1  }
0x91: {  	s18 =	sld [smem:$0x3FFB];
	_ =	sdelay $0x3  }
0x92: {  	_ =	strace s18  }
0x93: {  	s3 =	sld [smem:$0x3FFC];
	_ =	sdelay $0x3  }
0x94: {  	_ =	strace s3  }
0x95: {  	s3 =	sld [smem:$0x3FFD];
	_ =	sdelay $0x3  }
0x96: {  	_ =	strace s3  }
0x97: {  	_ =	strace $0x8FFFFFFF  }
0x98: {  	s19 =	sld [smem:$0x3FDB];
	_ =	sdelay $0x1  }
0x99: {  	s4 =	simm.s32 $_scs_section_size  }
0x9a: {  	s5 =	simm.s32 $_size__tile_overlayer_lowered;
	s6 =	simm.s32 $_tile_overlayer_lowered  }
0x9b: {  	s22 =	simm.s32 $0x1BFF;
	s21 =	sshll.u32 s6, $0x1;
	s3 =	sadd.s32 s4, s19  }
0x9c: {  	s7 =	simm.s32 $0x0;
	s20 =	sshll.u32 s5, $0x1;
	s5 =	sadd.s32 s21, s3  }
0x9d: {  	[timem:s7], [sflag:s22] =	dma.local [hbm:s5], s20  }
0x9e: {  	_ =	swait.ge [sflag:s22], s20  }
0x9f: {  	s4 =	ssub.s32 $0x0, s20;
	[sflag:s22] =	ssyncset.done $0x0  }
0xa0: {  	[sflag:s22] =	ssyncadd.s32 s4;
	_ =	sdelay $0x1  }
0xa1: {  	s23 =	simm.s32 $0x1B8B  }
0xa2: {  	_ =	swait.ge [sflag:s23], $0x1  }
0xa3: {  	[sflag:s23] =	ssyncset.done $0x0  }
0xa4: {  	s25 =	simm.s32 $0x1B8E;
	s24 =	sld [smem:$0x3FFE];
	[sflag:s23] =	ssyncadd.s32 $0xFFFFFFFF  }
0xa5: {  	s26 =	simm.s32 $execute0_lowered;
	[smem:$0x3FD2] =	sst s25  }
0xa6: {  	s5 =	sshll.u32 s26, $0x1;
	_ =	strace $0x80000046;
	[dreg:$0x1] =	wrdreg $0xFFFFFFFF  }
0xa7: {  	s28 =	simm.s32 $_size_execute0_lowered;
	s3 =	sadd.s32 s3, s5;
	[dreg:$0x0] =	wrdreg $0x0  }
0xa8: {  	s5 =	sshll.u32 s28, $0x1;
	[dreg:$0x2] =	wrdreg s3  }
0xa9: {  	[dreg:$0x3] =	wrdreg s5  }
0xaa: {  	[dreg:$0x4] =	wrdreg $0xC0  }
0xab: {  	_ =	task [dreg:s7], $0x5FFFF  }
0xac: {  	[dreg:$0x1] =	wrdreg $0xFFFFFFFF  }
0xad: {  	[dreg:$0x0] =	wrdreg $0x60  }
0xae: {  	[dreg:$0x2] =	wrdreg s24  }
0xaf: {  	[dreg:$0x3] =	wrdreg s2  }
0xb0: {  	[dreg:$0x4] =	wrdreg $0x30000  }
0xb1: {  	[dreg:$0x5] =	wrdreg $0x9  }
0xb2: {  	_ =	task.clear_ibuf [dreg:s7], $0x6FFFF;
	_ =	strace $0x90000046  }
0xb3: {  	s29 =	simm.s32 $0x9;
	_ =	strace $0x80000048  }
0xb4: {  	_ =	swait.ge [sflag:s29], $0x1  }
0xb5: {  	[sflag:s29] =	ssyncadd.s32 $0xFFFFFFFF  }
0xb6: {  	_ =	strace $0x90000048  }
0xb7: {  	_ =	sfence  }
0xb8: {  	s30 =	sld [smem:$0x0];
	_ =	sdelay $0x2  }
0xb9: {  	s31 =	sshll.u32 s1, $0xD;
	s1 =	sshrl.u32 s1, $0x2  }
0xba: {  	s3 =	sand.u32 $0x4000, s31;
	s1 =	sadd.s32 s1, s30  }
0xbb: {  	s0 =	sor.u32 s3, s0;
	s1 =	sshll.u32 s1, $0x11  }
0xbc: {  	s0 =	sor.u32 s1, s0  }
0xbd: {  	s0 =	sadd.s32 $0x8F2B, s0  }
0xbe: {  	[sflag:s0] =	ssyncadd.remote.s32 $0x1  }
0xbf: {  	_ =	sfence.sel $0xFFFF  }
0xc0: {  	[dreg:$0x0] =	wrdreg $0xFFFFFFFF;
	(pc) =	sbr.abs _section_cstart, $3  }
0xc1: {  	[dreg:$0x1] =	wrdreg $0xFFFFFFFF  }
0xc2: {  	_ =	task.clear_ibuf [dreg:s7], $0x2FFFF;
	_ =	strace $0x9FFFFFFF  }
0xc3: {  	(tm) =	ssettm $0x7FFFFFFF  }
tec
execute0_lowered:
.L_overlay_start_1:
0x0: {  	(tag) =	ssettag $0x1  }
0x1: {  	s5 =	rddreg [dreg:$0x0]  }
0x2: {  	s2 =	rddreg [dreg:$0x1]  }
0x3: {  	s0 =	srdreg.scid;
	s3 =	rddreg [dreg:$0x2]  }
0x4: {  	s4 =	simm.s32 $0x0;
	s13 =	simm.s32 $0x80;
	s14 =	simm.s32 $0x1  }
0x5: {  	s15 =	simm.s32 $0x2;
	s16 =	simm.s32 $0x3;
	s17 =	simm.s32 $0x4  }
0x6: {  	s18 =	simm.s32 $0x5;
	s19 =	simm.s32 $0x6;
	s20 =	simm.s32 $0x7  }
0x7: {  	s21 =	simm.s32 $0x8;
	s6 =	sand.u32 $0x1, s0;
	s0 =	stileid.u32  }
0x8: {  	s22 =	simm.s32 $0x10;
	s23 =	simm.s32 $0x0;
	s8 =	smul.u32 $0x14000, s0  }
0x9: {  	[smem:$0x7FF] =	sst s4;
	s1 =	sshll.u32 s6, $0x4;
	s9 =	smul.u32 $0x2800, s0  }
0xa: {  	s10 =	sshll.u32 s6, $0x6;
	s6 =	ssub.s32 $0x2, s6;
	s31 =	sshll.u32 s0, $0x6  }
0xb: {  	s7 =	sor.u32 s0, s1;
	s1 =	rddreg [dreg:$0x3];
	_ =	strace $0x80000047  }
0xc: {  	s11 =	sshrl.u32 s6, $0x1;
	s7 =	smul.u32 $0x500, s7;
	s8 =	sor.u32 s10, s8  }
0xd: {  	s30 =	sshrl.u32 s9, $0x3;
	s11 =	ssub.s32 s6, s11;
	s12 =	sadd.s32 s9, s3  }
0xe: {  	s9 =	simm.s32 $0x9;
	s8 =	sshrl.u32 s8, $0x3;
	s10 =	sadd.s32 s30, s5  }
0xf: {  	s12 =	sshrl.u32 s12, $0x3;
	s7 =	sadd.s32 s7, s5;
	s8 =	sadd.s32 s8, s5  }
0x10: {  	s6 =	sadd.s32 $0x15E00, s10;
	s10 =	simm.s32 $0x2800;
	s5 =	sadd.s32 $0xBE00, s7  }
0x11: {  	s7 =	sadd.s32 $0x1AE00, s8;
	s8 =	smax.u32 s11, $0x1;
	s11 =	sor.u32 $0x1C09, s31  }
.LBB2_1:
0x12: {  	[tilespmem:s4], [sflag:$0x9] =	stream.linear.gather [hbm4b:s5+s4], $0x2800, $0x38;
	[tilespmem:$0x5800] =	vst v63  }
0x13: {  	_ =	swait.ge [sflag:s9], $0x2800  }
0x14: {  	[sflag:s9] =	ssyncset.done $0x0  }
0x15: {  	[sflag:s9] =	ssyncadd.s32 $0xFFFFD800  }
0x16: {  	[tilespmem:s10], [sflag:$0x9] =	stream.linear.gather [hbm4b:s2+s4], $0x800, $0x38;
	[tilespmem:$0x5800] =	vst v63  }
0x17: {  	_ =	swait.ge [sflag:s9], $0x800  }
0x18: {  	[sflag:s9] =	ssyncset.done $0x0  }
0x19: {  	[sflag:s9] =	ssyncadd.s32 $0xFFFFF800  }
0x1a: {  	[spmem:s12], [sflag:s11] =	dma.local [hbm:s6], $0x500  }
0x1b: {  	_ =	swait.ge [sflag:s9], $0x500  }
0x1c: {  	[sflag:s9] =	ssyncset.done $0x0  }
0x1d: {  	[sflag:s9] =	ssyncadd.s32 $0xFFFFFB00  }
0x1e: {  	s24 =	simm.s32 $0x0;
	[bflag:$0x0] =	sbarrier.arrive $0xFFFF  }
0x1f: {  	[spmem:s3] =	stream.indirect.scatter.add.f32 [tilespmem:s10], [sflag:$0x1], $0x10, s24, s13, $0xb8;
	[tilespmem:$0x5800] =	vst v63  }
0x20: {  	s31 =	simm.s32 $0x80  }
0x21: {  	[spmem:s3] =	stream.indirect.scatter.add.f32 [tilespmem:s10], [sflag:$0x2], $0x10, s31, s13, $0xb8;
	[tilespmem:$0x5800] =	vst v63  }
0x22: {  	s25 =	simm.s32 $0x100  }
0x23: {  	[spmem:s3] =	stream.indirect.scatter.add.f32 [tilespmem:s10], [sflag:$0x3], $0x10, s25, s13, $0xb8;
	[tilespmem:$0x5800] =	vst v63  }
0x24: {  	s26 =	simm.s32 $0x180  }
0x25: {  	[spmem:s3] =	stream.indirect.scatter.add.f32 [tilespmem:s10], [sflag:$0x4], $0x10, s26, s13, $0xb8;
	[tilespmem:$0x5800] =	vst v63  }
0x26: {  	s28 =	simm.s32 $0x200  }
0x27: {  	[spmem:s3] =	stream.indirect.scatter.add.f32 [tilespmem:s10], [sflag:$0x5], $0x10, s28, s13, $0xb8;
	[tilespmem:$0x5800] =	vst v63  }
0x28: {  	s29 =	simm.s32 $0x280  }
0x29: {  	[spmem:s3] =	stream.indirect.scatter.add.f32 [tilespmem:s10], [sflag:$0x6], $0x10, s29, s13, $0xb8;
	[tilespmem:$0x5800] =	vst v63  }
0x2a: {  	s30 =	simm.s32 $0x300  }
0x2b: {  	[spmem:s3] =	stream.indirect.scatter.add.f32 [tilespmem:s10], [sflag:$0x7], $0x10, s30, s13, $0xb8;
	[tilespmem:$0x5800] =	vst v63  }
0x2c: {  	s31 =	simm.s32 $0x380  }
0x2d: {  	[spmem:s3] =	stream.indirect.scatter.add.f32 [tilespmem:s10], [sflag:$0x8], $0x10, s31, s13, $0xb8;
	[tilespmem:$0x5800] =	vst v63  }
0x2e: {  	_ =	swait.ge [sflag:s14], $0x800  }
0x2f: {  	[sflag:s14] =	ssyncset.done $0x0  }
0x30: {  	[sflag:s14] =	ssyncadd.s32 $0xFFFFF800  }
0x31: {  	_ =	swait.ge [sflag:s15], $0x800  }
0x32: {  	[sflag:s15] =	ssyncset.done $0x0  }
0x33: {  	[sflag:s15] =	ssyncadd.s32 $0xFFFFF800  }
0x34: {  	_ =	swait.ge [sflag:s16], $0x800  }
0x35: {  	[sflag:s16] =	ssyncset.done $0x0  }
0x36: {  	[sflag:s16] =	ssyncadd.s32 $0xFFFFF800  }
0x37: {  	_ =	swait.ge [sflag:s17], $0x800  }
0x38: {  	[sflag:s17] =	ssyncset.done $0x0  }
0x39: {  	[sflag:s17] =	ssyncadd.s32 $0xFFFFF800  }
0x3a: {  	_ =	swait.ge [sflag:s18], $0x800  }
0x3b: {  	[sflag:s18] =	ssyncset.done $0x0  }
0x3c: {  	[sflag:s18] =	ssyncadd.s32 $0xFFFFF800  }
0x3d: {  	_ =	swait.ge [sflag:s19], $0x800  }
0x3e: {  	[sflag:s19] =	ssyncset.done $0x0  }
0x3f: {  	[sflag:s19] =	ssyncadd.s32 $0xFFFFF800  }
0x40: {  	_ =	swait.ge [sflag:s20], $0x800  }
0x41: {  	[sflag:s20] =	ssyncset.done $0x0  }
0x42: {  	[sflag:s20] =	ssyncadd.s32 $0xFFFFF800  }
0x43: {  	_ =	swait.ge [sflag:s21], $0x800  }
0x44: {  	s24 =	simm.s32 $0x1000;
	s26 =	simm.s32 $0x2000;
	[sflag:s21] =	ssyncset.done $0x0  }
.LBB2_2:
0x45: {  	s28 =	sshra.s32 s24, $0x2  }
0x46: {  	[sflag:s21] =	ssyncadd.s32 $0xFFFFF800;
	s24 =	smov.u32 s26;
	s25 =	sadd.s32 $0x1000, s26  }
0x47: {  	[spmem:s3] =	stream.indirect.scatter.add.f32 [tilespmem:s10], [sflag:$0x1], $0x10, s28, s13, $0xb8;
	[tilespmem:$0x5800] =	vst v63  }
0x48: {  	p0 =	sne.s32 s26, $0x9000;
	s26 =	sadd.s32 $0x80, s28  }
0x49: {  	[spmem:s3] =	stream.indirect.scatter.add.f32 [tilespmem:s10], [sflag:$0x2], $0x10, s26, s13, $0xb8;
	[tilespmem:$0x5800] =	vst v63  }
0x4a: {  	s26 =	sadd.s32 $0x100, s28  }
0x4b: {  	[spmem:s3] =	stream.indirect.scatter.add.f32 [tilespmem:s10], [sflag:$0x3], $0x10, s26, s13, $0xb8;
	[tilespmem:$0x5800] =	vst v63  }
0x4c: {  	s26 =	sadd.s32 $0x180, s28  }
0x4d: {  	[spmem:s3] =	stream.indirect.scatter.add.f32 [tilespmem:s10], [sflag:$0x4], $0x10, s26, s13, $0xb8;
	[tilespmem:$0x5800] =	vst v63  }
0x4e: {  	s26 =	sadd.s32 $0x200, s28  }
0x4f: {  	[spmem:s3] =	stream.indirect.scatter.add.f32 [tilespmem:s10], [sflag:$0x5], $0x10, s26, s13, $0xb8;
	[tilespmem:$0x5800] =	vst v63  }
0x50: {  	s26 =	sadd.s32 $0x280, s28  }
0x51: {  	[spmem:s3] =	stream.indirect.scatter.add.f32 [tilespmem:s10], [sflag:$0x6], $0x10, s26, s13, $0xb8;
	[tilespmem:$0x5800] =	vst v63  }
0x52: {  	s26 =	sadd.s32 $0x300, s28  }
0x53: {  	[spmem:s3] =	stream.indirect.scatter.add.f32 [tilespmem:s10], [sflag:$0x7], $0x10, s26, s13, $0xb8;
	[tilespmem:$0x5800] =	vst v63  }
0x54: {  	s26 =	sadd.s32 $0x380, s28  }
0x55: {  	[spmem:s3] =	stream.indirect.scatter.add.f32 [tilespmem:s10], [sflag:$0x8], $0x10, s26, s13, $0xb8;
	[tilespmem:$0x5800] =	vst v63  }
0x56: {  	_ =	swait.ge [sflag:s14], $0x800  }
0x57: {  	[sflag:s14] =	ssyncset.done $0x0  }
0x58: {  	[sflag:s14] =	ssyncadd.s32 $0xFFFFF800  }
0x59: {  	_ =	swait.ge [sflag:s15], $0x800  }
0x5a: {  	[sflag:s15] =	ssyncset.done $0x0  }
0x5b: {  	[sflag:s15] =	ssyncadd.s32 $0xFFFFF800  }
0x5c: {  	_ =	swait.ge [sflag:s16], $0x800  }
0x5d: {  	[sflag:s16] =	ssyncset.done $0x0  }
0x5e: {  	[sflag:s16] =	ssyncadd.s32 $0xFFFFF800  }
0x5f: {  	_ =	swait.ge [sflag:s17], $0x800  }
0x60: {  	[sflag:s17] =	ssyncset.done $0x0  }
0x61: {  	[sflag:s17] =	ssyncadd.s32 $0xFFFFF800  }
0x62: {  	_ =	swait.ge [sflag:s18], $0x800  }
0x63: {  	[sflag:s18] =	ssyncset.done $0x0  }
0x64: {  	[sflag:s18] =	ssyncadd.s32 $0xFFFFF800  }
0x65: {  	_ =	swait.ge [sflag:s19], $0x800  }
0x66: {  	[sflag:s19] =	ssyncset.done $0x0  }
0x67: {  	[sflag:s19] =	ssyncadd.s32 $0xFFFFF800  }
.Ltmp0:
0x68: {  	_ =	swait.ge [sflag:s20], $0x800;
	(pc) =	sbr.rel @p0 .LBB2_2-.Ltmp0, $4  }
0x69: {  	[sflag:s20] =	ssyncset.done $0x0  }
0x6a: {  	[sflag:s20] =	ssyncadd.s32 $0xFFFFF800  }
0x6b: {  	_ =	swait.ge [sflag:s21], $0x800  }
0x6c: {  	s26 =	smov.u32 s25;
	[sflag:s21] =	ssyncset.done $0x0  }
0x6d: {  	s24 =	sshra.s32 s24, $0x2;
	[sflag:s21] =	ssyncadd.s32 $0xFFFFF800  }
0x6e: {  	[spmem:s3] =	stream.indirect.scatter.add.f32 [tilespmem:s10], [sflag:$0x1], $0x10, s24, s13, $0xb8;
	[tilespmem:$0x5800] =	vst v63  }
0x6f: {  	s25 =	sadd.s32 $0x80, s24  }
0x70: {  	[spmem:s3] =	stream.indirect.scatter.add.f32 [tilespmem:s10], [sflag:$0x2], $0x10, s25, s13, $0xb8;
	[tilespmem:$0x5800] =	vst v63  }
0x71: {  	s26 =	sadd.s32 $0x100, s24  }
0x72: {  	[spmem:s3] =	stream.indirect.scatter.add.f32 [tilespmem:s10], [sflag:$0x3], $0x10, s26, s13, $0xb8;
	[tilespmem:$0x5800] =	vst v63  }
0x73: {  	s28 =	sadd.s32 $0x180, s24  }
0x74: {  	[spmem:s3] =	stream.indirect.scatter.add.f32 [tilespmem:s10], [sflag:$0x4], $0x10, s28, s13, $0xb8;
	[tilespmem:$0x5800] =	vst v63  }
0x75: {  	s29 =	sadd.s32 $0x200, s24  }
0x76: {  	[spmem:s3] =	stream.indirect.scatter.add.f32 [tilespmem:s10], [sflag:$0x5], $0x10, s29, s13, $0xb8;
	[tilespmem:$0x5800] =	vst v63  }
0x77: {  	s30 =	sadd.s32 $0x280, s24  }
0x78: {  	[spmem:s3] =	stream.indirect.scatter.add.f32 [tilespmem:s10], [sflag:$0x6], $0x10, s30, s13, $0xb8;
	[tilespmem:$0x5800] =	vst v63  }
0x79: {  	s31 =	sadd.s32 $0x300, s24  }
0x7a: {  	[spmem:s3] =	stream.indirect.scatter.add.f32 [tilespmem:s10], [sflag:$0x7], $0x10, s31, s13, $0xb8;
	[tilespmem:$0x5800] =	vst v63  }
0x7b: {  	s24 =	sadd.s32 $0x380, s24  }
0x7c: {  	[spmem:s3] =	stream.indirect.scatter.add.f32 [tilespmem:s10], [sflag:$0x8], $0x10, s24, s13, $0xb8;
	[tilespmem:$0x5800] =	vst v63  }
0x7d: {  	_ =	swait.ge [sflag:s14], $0x800  }
0x7e: {  	[sflag:s14] =	ssyncset.done $0x0  }
0x7f: {  	[sflag:s14] =	ssyncadd.s32 $0xFFFFF800  }
0x80: {  	_ =	swait.ge [sflag:s15], $0x800  }
0x81: {  	[sflag:s15] =	ssyncset.done $0x0  }
0x82: {  	[sflag:s15] =	ssyncadd.s32 $0xFFFFF800  }
0x83: {  	_ =	swait.ge [sflag:s16], $0x800  }
0x84: {  	[sflag:s16] =	ssyncset.done $0x0  }
0x85: {  	[sflag:s16] =	ssyncadd.s32 $0xFFFFF800  }
0x86: {  	_ =	swait.ge [sflag:s17], $0x800  }
0x87: {  	[sflag:s17] =	ssyncset.done $0x0  }
0x88: {  	[sflag:s17] =	ssyncadd.s32 $0xFFFFF800  }
0x89: {  	_ =	swait.ge [sflag:s18], $0x800  }
0x8a: {  	[sflag:s18] =	ssyncset.done $0x0  }
0x8b: {  	[sflag:s18] =	ssyncadd.s32 $0xFFFFF800  }
0x8c: {  	_ =	swait.ge [sflag:s19], $0x800  }
0x8d: {  	[sflag:s19] =	ssyncset.done $0x0  }
0x8e: {  	[sflag:s19] =	ssyncadd.s32 $0xFFFFF800  }
0x8f: {  	_ =	swait.ge [sflag:s20], $0x800  }
0x90: {  	[sflag:s20] =	ssyncset.done $0x0  }
0x91: {  	[sflag:s20] =	ssyncadd.s32 $0xFFFFF800  }
0x92: {  	_ =	swait.ge [sflag:s21], $0x800  }
0x93: {  	s23 =	sadd.s32 $0x1, s23;
	[sflag:s21] =	ssyncset.done $0x0  }
0x94: {  	p0 =	sne.s32 s23, s8;
	[sflag:s21] =	ssyncadd.s32 $0xFFFFF800  }
.Ltmp1:
0x95: {  	[bflag:$0x0] =	sbarrier.arrive $0xFFFF;
	(pc) =	sbr.rel @p0 .LBB2_1-.Ltmp1, $4  }
0x96: {  	[hbm:s7@s22], [sflag:s11] =	dma.strided [spmem:s12@s15], $0x500, s14, $0x2   }
0x97: {  	_ =	swait.ge [sflag:s9], $0x500  }
0x98: {  	[sflag:s9] =	ssyncset.done $0x0  }
0x99: {  	[sflag:s9] =	ssyncadd.s32 $0xFFFFFB00  }
0x9a: {  	_ =	sfence.sel $0x180000  }
0x9b: {  	[bflag:$0x0] =	sbarrier.arrive $0xFFFF  }
0x9c: {  	p0 =	sne.s32 s0, $0x0;
	_ =	strace $0x90000047  }
0x9d: {  	s0 =	sadd.s32 @!p0 $0x100000, s1;
	[bflag:$0x2] =	sbarrier.arrive $0xFFFF  }
0x9e: {  	[sflag:s0] =	ssyncadd.tile.s32 @!p0 $0x1;
	_ =	shalt  }
.Lfunc_end2:
_tile_overlayer_lowered:
.L_overlay_start_2:
0x9f: {  	(tag) =	ssettag $0x2  }
0xa0: {  	s0 =	rddreg [dreg:$0x0];
	s2 =	stileid.u32  }
0xa1: {  	s1 =	rddreg [dreg:$0x1];
	p0 =	sne.s32 s2, $0x0  }
0xa2: {  	s3 =	rddreg [dreg:$0x2];
	[bflag:$0x3] =	sbarrier.arrive $0xFFFF;
	s2 =	simm.s32 @!p0 $0x1C09  }
0xa3: {  	[timem:s3], [sflag:s2] =	dma.local @!p0 [hbm:s0], s1  }
0xa4: {  	s0 =	simm.s32 @!p0 $0x9  }
0xa5: {  	_ =	swait.ge @!p0 [sflag:s0], s1  }
0xa6: {  	s1 =	ssub.s32 @!p0 $0x0, s1;
	[sflag:s0] =	ssyncset.done @!p0 $0x0  }
0xa7: {  	[sflag:s0] =	ssyncadd.s32 @!p0 s1  }
0xa8: {  	[bflag:$0x3] =	sbarrier.arrive $0xFFFF  }
0xa9: {  	_ =	shalt  }

</sc_bundles>
